<compile_context>
chip_gen: v7x
topology: tpu7x:2x2x1
jax: 0.10.2.dev20260603
libtpu: 0.0.44.dev20260713+nightly
codegen_flags: <defaults>
</compile_context>

<pallas_src>
import functools

import numpy as np
import jax
import jax.numpy as jnp
from jax import lax
from jax.experimental import pallas as pl
from jax.experimental.pallas import tpu as pltpu
from jax.experimental.pallas import tpu_sc as plsc

N = 10000
NP = 10240
E = 160000
M = E + N
R = 8
H = 4
D = 128
EPS = 1e-10
NEG_SLOPE = 0.2

NW = 32
EPW = 5376
MP = NW * EPW
EB = 64
NB = EPW // EB
ROWS_PER_TILE = NP // 16


def _tc_hidden_body(x_ref, w_ref, qi_ref, qo_ref, hid_ref, ain_ref, aout_ref):
    h = lax.dot_general(x_ref[...], w_ref[0],
                        (((1,), (1,)), ((), ())),
                        preferred_element_type=jnp.float32)
    hid_ref[...] = h[None]
    ain_ref[...] = lax.dot_general(h, qi_ref[0],
                                   (((1,), (0,)), ((), ())),
                                   preferred_element_type=jnp.float32)[None]
    aout_ref[...] = lax.dot_general(h, qo_ref[0],
                                    (((1,), (0,)), ((), ())),
                                    preferred_element_type=jnp.float32)[None]


def _tc_epilogue_body(vp_ref, sp_ref, mden_ref, out_ref):
    v = vp_ref[0] + vp_ref[1]
    s = sp_ref[0] + sp_ref[1]
    den = lax.dot_general(s, mden_ref[...],
                          (((1,), (0,)), ((), ())),
                          preferred_element_type=jnp.float32)
    out_ref[...] = jnp.maximum(v / den, 0.0)


def _sc_edge_kernel(idxs_hbm, idxd_hbm, dst_hbm, ewx_hbm, bin_hbm, bout_hbm,
                    h_hbm,
                    vout_hbm, sout_hbm,
                    dst2d, idxs2d, idxd2d,
                    binv0, binv1, boutv0, boutv1, stage, rows0, rows1, ewb,
                    vacc, sacc, semb0, semb1, semr0, semr1):
    cid = lax.axis_index("c")
    sid = lax.axis_index("s")
    wid = sid * 2 + cid

    zf16 = jnp.zeros((16,), jnp.float32)

    def _zero_rows(j, _):
        for c in range(8):
            rows0[j, pl.ds(c * 16, 16)] = zf16
        stage[j, pl.ds(0, 16)] = zf16
        return _
    lax.fori_loop(0, EB, _zero_rows, None)
    for k in range(ROWS_PER_TILE // EB):
        r0 = sid * ROWS_PER_TILE + k * EB
        pltpu.sync_copy(rows0, vacc.at[pl.ds(r0, EB)])
        pltpu.sync_copy(stage, sacc.at[pl.ds(r0, EB)])
    plsc.subcore_barrier()

    pltpu.sync_copy(dst_hbm.at[wid], dst2d)
    pltpu.sync_copy(idxs_hbm.at[wid], idxs2d)
    pltpu.sync_copy(idxd_hbm.at[wid], idxd2d)

    bufs = ((binv0, boutv0, rows0, semb0, semr0),
            (binv1, boutv1, rows1, semb1, semr1))

    def _issue(j, bi):
        bv, ov, rw, sb, sr = bufs[bi]
        pltpu.async_copy(bin_hbm.at[idxs2d.at[j]], bv, sb)
        pltpu.async_copy(bout_hbm.at[idxd2d.at[j]], ov, sb)
        pltpu.async_copy(h_hbm.at[idxs2d.at[j]], rw, sr)

    def _wait(j, bi):
        bv, ov, rw, sb, sr = bufs[bi]
        pltpu.make_async_copy(bin_hbm.at[idxs2d.at[j]], bv, sb).wait()
        pltpu.make_async_copy(bout_hbm.at[idxd2d.at[j]], ov, sb).wait()
        pltpu.make_async_copy(h_hbm.at[idxs2d.at[j]], rw, sr).wait()

    _issue(0, 0)

    def _pair(jj, _):
        for b in range(2):
            jcur = jj * 2 + b
            jnext = jnp.minimum(jcur + 1, NB - 1)
            _issue(jnext, 1 - b)
            pltpu.sync_copy(ewx_hbm.at[wid, jcur], ewb)
            _wait(jcur, b)
            bv, ov, rw, _sb, _sr = bufs[b]

            def _edge(e2, __):
                dn = lax.GatherDimensionNumbers(offset_dims=(),
                                                collapsed_slice_dims=(0,),
                                                start_index_map=(0,))
                for p in range(2):
                    e = e2 * 2 + p
                    u = bv[e, pl.ds(0, 16)] + ov[e, pl.ds(0, 16)]
                    u = jnp.where(u >= 0.0, u, u * NEG_SLOPE)
                    val = jnp.exp(u) * ewb[e, pl.ds(0, 16)]
                    stage[e, pl.ds(0, 16)] = val
                    for h in range(4):
                        s16 = lax.gather(val, jnp.full((16, 1), h, jnp.int32),
                                         dn, (1,),
                                         mode=lax.GatherScatterMode.PROMISE_IN_BOUNDS)
                        for v in (2 * h, 2 * h + 1):
                            sl = pl.ds(v * 16, 16)
                            rw[e, sl] = rw[e, sl] * s16
                return __
            lax.fori_loop(0, EB // 2, _edge, None)
            pltpu.sync_copy(stage, sacc.at[dst2d.at[jcur]], add=True)
            pltpu.sync_copy(rw, vacc.at[dst2d.at[jcur]], add=True)
        return _
    lax.fori_loop(0, NB // 2, _pair, None)
    _wait(NB - 1, 0)

    plsc.subcore_barrier()

    for k in range(ROWS_PER_TILE // EB):
        r0 = sid * ROWS_PER_TILE + k * EB
        pltpu.sync_copy(vacc.at[pl.ds(r0, EB)], rows0)
        pltpu.sync_copy(rows0, vout_hbm.at[cid, pl.ds(r0, EB)])
        pltpu.sync_copy(sacc.at[pl.ds(r0, EB)], stage)
        pltpu.sync_copy(stage, sout_hbm.at[cid, pl.ds(r0, EB)])


_sc_edge = functools.partial(
    pl.kernel,
    mesh=plsc.VectorSubcoreMesh(core_axis_name="c", subcore_axis_name="s"),
    compiler_params=pltpu.CompilerParams(use_tc_tiling_on_sc=False),
    out_type=[jax.ShapeDtypeStruct((2, NP, D), jnp.float32),
              jax.ShapeDtypeStruct((2, NP, 16), jnp.float32)],
    scratch_types=[
        pltpu.VMEM((NB, EB), jnp.int32),
        pltpu.VMEM((NB, EB), jnp.int32),
        pltpu.VMEM((NB, EB), jnp.int32),
        pltpu.VMEM((EB, 16), jnp.float32),
        pltpu.VMEM((EB, 16), jnp.float32),
        pltpu.VMEM((EB, 16), jnp.float32),
        pltpu.VMEM((EB, 16), jnp.float32),
        pltpu.VMEM((EB, 16), jnp.float32),
        pltpu.VMEM((EB, 128), jnp.float32),
        pltpu.VMEM((EB, 128), jnp.float32),
        pltpu.VMEM((EB, 16), jnp.float32),
        pltpu.VMEM_SHARED((NP, D), jnp.float32),
        pltpu.VMEM_SHARED((NP, 16), jnp.float32),
        pltpu.SemaphoreType.DMA,
        pltpu.SemaphoreType.DMA,
        pltpu.SemaphoreType.DMA,
        pltpu.SemaphoreType.DMA,
    ],
)(_sc_edge_kernel)


@jax.jit
def kernel(x, edge_index, edge_type, edge_weight, W_tau, query):
    xp = jnp.pad(x, ((0, NP - N), (0, 0)))

    qin = query[:, :, 0::2].reshape(R + 1, D)
    qout = query[:, :, 1::2].reshape(R + 1, D)
    headmask = (jnp.arange(D)[:, None] // (D // H)
                == jnp.arange(16)[None, :]).astype(jnp.float32)
    q2i = qin[:, :, None] * headmask[None]
    q2o = qout[:, :, None] * headmask[None]

    self_idx = jnp.arange(N, dtype=jnp.int32)
    pad = MP - M
    src = jnp.concatenate([edge_index[0], self_idx,
                           jnp.zeros((pad,), jnp.int32)])
    dstf = jnp.concatenate([edge_index[1], self_idx,
                            jnp.full((pad,), N, jnp.int32)])
    relf = jnp.concatenate([edge_type, jnp.full((N,), R, jnp.int32),
                            jnp.zeros((pad,), jnp.int32)])
    idxs = (relf * NP + src).reshape(NW, NB, EB)
    idxd = (relf * NP + dstf).reshape(NW, NB, EB)
    dst = dstf.reshape(NW, NB, EB)
    ew = jnp.concatenate([edge_weight, jnp.ones((N,), jnp.float32),
                          jnp.zeros((pad,), jnp.float32)])
    lanes4 = (jnp.arange(16) < H).astype(jnp.float32)
    lanec = (jnp.arange(16) == H).astype(jnp.float32)
    ewx = (ew[:, None] * lanes4[None, :]
           + lanec[None, :]).reshape(NW, NB, EB, 16)

    nblk = 256
    hidden, ain, aout = pl.pallas_call(
        _tc_hidden_body,
        grid=(R + 1, NP // nblk),
        in_specs=[
            pl.BlockSpec((nblk, D), lambda r, n: (n, 0)),
            pl.BlockSpec((1, D, D), lambda r, n: (r, 0, 0)),
            pl.BlockSpec((1, D, 16), lambda r, n: (r, 0, 0)),
            pl.BlockSpec((1, D, 16), lambda r, n: (r, 0, 0)),
        ],
        out_specs=[
            pl.BlockSpec((1, nblk, D), lambda r, n: (r, n, 0)),
            pl.BlockSpec((1, nblk, 16), lambda r, n: (r, n, 0)),
            pl.BlockSpec((1, nblk, 16), lambda r, n: (r, n, 0)),
        ],
        out_shape=[
            jax.ShapeDtypeStruct((R + 1, NP, D), jnp.float32),
            jax.ShapeDtypeStruct((R + 1, NP, 16), jnp.float32),
            jax.ShapeDtypeStruct((R + 1, NP, 16), jnp.float32),
        ],
    )(xp, W_tau, q2i, q2o)

    h_flat = hidden.reshape((R + 1) * NP, D)
    bin_flat = ain.reshape((R + 1) * NP, 16)
    bout_flat = aout.reshape((R + 1) * NP, 16)

    vpart, spart = _sc_edge(idxs, idxd, dst, ewx, bin_flat, bout_flat,
                            h_flat)

    dchunk = jnp.arange(D) // (D // H)
    mden = jnp.zeros((16, D), jnp.float32)
    mden = mden.at[:H].set((dchunk[None, :] == jnp.arange(H)[:, None])
                           .astype(jnp.float32))
    mden = mden.at[H].set(EPS)

    out = pl.pallas_call(
        _tc_epilogue_body,
        grid=(NP // nblk,),
        in_specs=[
            pl.BlockSpec((2, nblk, D), lambda n: (0, n, 0)),
            pl.BlockSpec((2, nblk, 16), lambda n: (0, n, 0)),
            pl.BlockSpec((16, D), lambda n: (0, 0)),
        ],
        out_specs=pl.BlockSpec((nblk, D), lambda n: (n, 0)),
        out_shape=jax.ShapeDtypeStruct((NP, D), jnp.float32),
    )(vpart, spart, mden)

    return out[:N]

# --- scband reference (transcript-rebuilt; emitter-appended) ---
"""Pipeline reference for scband-relational-graph-attention-conv-30193620091222 (READ-ONLY COPY).

The authoritative reference and input builder live on the scoring server;
editing this copy changes nothing except your own understanding.
"""

import jax, jax.numpy as jnp
import numpy as np

N = 10000
E = 160000
D_IN = 128
D_OUT = 128
R = 8  # num_relations
H = 4  # num_head
EPS = 1e-10
NEG_SLOPE = 0.2


def setup_inputs(seed: int = 0) -> dict:
    key = jax.random.key(seed)
    k1, k2, k3, k4, k5, k6 = jax.random.split(key, 6)
    x = jax.random.normal(k1, (N, D_IN), dtype=jnp.float32)
    edge_index = jax.random.randint(k2, (2, E), 0, N, dtype=jnp.int32)
    edge_type = jax.random.randint(k3, (E,), 0, R, dtype=jnp.int32)
    edge_weight = jax.random.uniform(k4, (E,), dtype=jnp.float32)
    # W_tau: (num_relations+1, output_dim, input_dim), xavier-uniform-like scale
    lim_w = float(np.sqrt(6.0 / (D_IN + D_OUT)))
    W_tau = jax.random.uniform(k5, (R + 1, D_OUT, D_IN), dtype=jnp.float32, minval=-lim_w, maxval=lim_w)
    # query: (num_relations+1, num_head, 2*output_dim//num_head), kaiming-uniform-like scale
    fan_in = 2 * D_OUT // H
    lim_q = float(np.sqrt(6.0 / ((1.0 + NEG_SLOPE ** 2) * fan_in)))
    query = jax.random.uniform(k6, (R + 1, H, 2 * D_OUT // H), dtype=jnp.float32, minval=-lim_q, maxval=lim_q)
    return {"x": x, "edge_index": edge_index, "edge_type": edge_type,
            "edge_weight": edge_weight, "W_tau": W_tau, "query": query}


def reference(x, edge_index, edge_type, edge_weight, W_tau, query):
    num_node = x.shape[0]
    self_idx = jnp.arange(num_node, dtype=jnp.int32)
    node_in = jnp.concatenate([edge_index[0], self_idx])
    node_out = jnp.concatenate([edge_index[1], self_idx])
    relation = jnp.concatenate([edge_type, jnp.full((num_node,), R, dtype=jnp.int32)])
    ew = jnp.concatenate([edge_weight, jnp.ones((num_node,), dtype=jnp.float32)])[:, None]
    M = node_out.shape[0]

    # hidden[r, n] = W_tau[r] @ x[n]  (faithful to bmm over (R+1)*N blocks with per-relation weights)
    hidden = jnp.einsum('roi,ni->rno', W_tau, x)

    h_in = hidden[relation, node_in]    # [M, D_OUT]
    h_out = hidden[relation, node_out]  # [M, D_OUT]
    key_feat = jnp.stack([h_in, h_out], axis=-1).reshape(M, H, -1)  # [M, H, 2*D_OUT//H]
    q = query[relation]                 # [M, H, 2*D_OUT//H]
    weight = jnp.einsum('nhd,nhd->nh', q, key_feat)
    weight = jax.nn.leaky_relu(weight, negative_slope=NEG_SLOPE)

    max_per_node = jax.ops.segment_max(weight, node_out, num_segments=num_node)
    attention = jnp.exp(weight - max_per_node[node_out]) * ew

    counts = jax.ops.segment_sum(jnp.ones((M,), dtype=jnp.float32), node_out, num_segments=num_node)
    counts = jnp.maximum(counts, 1.0)[:, None]
    mean_att = jax.ops.segment_sum(attention, node_out, num_segments=num_node) / counts
    attention = attention / (mean_att[node_out] + EPS)

    value = h_in.reshape(M, H, D_OUT // H)
    message = (attention[:, :, None] * value).reshape(M, D_OUT)

    update = jax.ops.segment_sum(message, node_out, num_segments=num_node) / counts  # scatter_mean
    output = jax.nn.relu(update)
    return output

if __name__ == "__main__":
    import jax
    _d = setup_inputs()
    print(jax.jit(kernel)(*tuple(_d.values())))

</pallas_src>

<mosaic_0001>
#map = affine_map<(d0, d1) -> (0, 0, 0)>
#map1 = affine_map<(d0, d1) -> (0, 0, 0, 0)>
#map2 = affine_map<(d0, d1) -> (0, 0)>
module attributes {stable_mosaic.version = 14 : i64} {
  func.func @_sc_edge_kernel(%arg0: i32, %arg1: i32, %arg2: memref<32x84x64xi32, #tpu.memory_space<hbm>>, %arg3: memref<32x84x64xi32, #tpu.memory_space<hbm>>, %arg4: memref<32x84x64xi32, #tpu.memory_space<hbm>>, %arg5: memref<32x84x64x16xf32, #tpu.memory_space<hbm>>, %arg6: memref<92160x16xf32, #tpu.memory_space<hbm>>, %arg7: memref<92160x16xf32, #tpu.memory_space<hbm>>, %arg8: memref<92160x128xf32, #tpu.memory_space<hbm>>, %arg9: memref<2x10240x128xf32, #tpu.memory_space<hbm>>, %arg10: memref<2x10240x16xf32, #tpu.memory_space<hbm>>, %arg11: memref<84x64xi32, #tpu.memory_space<vmem>>, %arg12: memref<84x64xi32, #tpu.memory_space<vmem>>, %arg13: memref<84x64xi32, #tpu.memory_space<vmem>>, %arg14: memref<64x16xf32, #tpu.memory_space<vmem>>, %arg15: memref<64x16xf32, #tpu.memory_space<vmem>>, %arg16: memref<64x16xf32, #tpu.memory_space<vmem>>, %arg17: memref<64x16xf32, #tpu.memory_space<vmem>>, %arg18: memref<64x16xf32, #tpu.memory_space<vmem>>, %arg19: memref<64x128xf32, #tpu.memory_space<vmem>>, %arg20: memref<64x128xf32, #tpu.memory_space<vmem>>, %arg21: memref<64x16xf32, #tpu.memory_space<vmem>>, %arg22: memref<10240x128xf32, #tpu.memory_space<vmem_shared>>, %arg23: memref<10240x16xf32, #tpu.memory_space<vmem_shared>>, %arg24: memref<!tpu.dma_semaphore, #tpu.memory_space<semaphore_mem>>, %arg25: memref<!tpu.dma_semaphore, #tpu.memory_space<semaphore_mem>>, %arg26: memref<!tpu.dma_semaphore, #tpu.memory_space<semaphore_mem>>, %arg27: memref<!tpu.dma_semaphore, #tpu.memory_space<semaphore_mem>>) attributes {dimension_semantics = [#tpu.dimension_semantics<core_parallel>, #tpu.dimension_semantics<subcore_parallel>], iteration_bounds = array<i64: 2, 16>, scalar_prefetch = 0 : i64, scratch_operands = 17 : i64, tpu.core_type = #tpu.core_type<sc_vector_subcore>, window_params = [{transform_indices = #map}, {transform_indices = #map}, {transform_indices = #map}, {transform_indices = #map1}, {transform_indices = #map2}, {transform_indices = #map2}, {transform_indices = #map2}, {transform_indices = #map}, {transform_indices = #map}]} {
    %mul3A = arith.constant 2 : i32
    %mul3A_0 = arith.muli %arg1, %mul3A : i32
    %add3A = arith.addi %mul3A_0, %arg0 : i32
    %broadcast_in_dim3A = arith.constant 0.000000e+00 : f32
    %broadcast_in_dim3A_1 = vector.broadcast %broadcast_in_dim3A : f32 to vector<16xf32>
    %scan3A = arith.constant 0 : i32
    %scan3A_2 = arith.constant 64 : i32
    %scan3A_3 = arith.addi %scan3A, %scan3A_2 : i32
    %scan3A_4 = arith.constant 1 : i32
    scf.for %scan3A_132 = %scan3A to %scan3A_3 step %scan3A_4  : i32 {
      %swap3A = arith.index_cast %scan3A_132 : i32 to index
      %swap3A_133 = arith.constant 0 : index
      %swap3A_134 = tpu.vector_load %arg19[%swap3A, %swap3A_133] {strides = array<i32>} : memref<64x128xf32, #tpu.memory_space<vmem>>, vector<1x16xf32>,
      %swap3A_135 = vector.shape_cast %swap3A_134 : vector<1x16xf32> to vector<16xf32>
      %swap3A_136 = vector.shape_cast %broadcast_in_dim3A_1 : vector<16xf32> to vector<1x16xf32>
      tpu.vector_store %arg19[%swap3A, %swap3A_133], %swap3A_136 {strides = array<i32>} : memref<64x128xf32, #tpu.memory_space<vmem>>, vector<1x16xf32>,
      %swap3A_137 = arith.index_cast %scan3A_132 : i32 to index
      %swap3A_138 = arith.constant 16 : index
      %swap3A_139 = tpu.vector_load %arg19[%swap3A_137, %swap3A_138] {strides = array<i32>} : memref<64x128xf32, #tpu.memory_space<vmem>>, vector<1x16xf32>,
      %swap3A_140 = vector.shape_cast %swap3A_139 : vector<1x16xf32> to vector<16xf32>
      %swap3A_141 = vector.shape_cast %broadcast_in_dim3A_1 : vector<16xf32> to vector<1x16xf32>
      tpu.vector_store %arg19[%swap3A_137, %swap3A_138], %swap3A_141 {strides = array<i32>} : memref<64x128xf32, #tpu.memory_space<vmem>>, vector<1x16xf32>,
      %swap3A_142 = arith.index_cast %scan3A_132 : i32 to index
      %swap3A_143 = arith.constant 32 : index
      %swap3A_144 = tpu.vector_load %arg19[%swap3A_142, %swap3A_143] {strides = array<i32>} : memref<64x128xf32, #tpu.memory_space<vmem>>, vector<1x16xf32>,
      %swap3A_145 = vector.shape_cast %swap3A_144 : vector<1x16xf32> to vector<16xf32>
      %swap3A_146 = vector.shape_cast %broadcast_in_dim3A_1 : vector<16xf32> to vector<1x16xf32>
      tpu.vector_store %arg19[%swap3A_142, %swap3A_143], %swap3A_146 {strides = array<i32>} : memref<64x128xf32, #tpu.memory_space<vmem>>, vector<1x16xf32>,
      %swap3A_147 = arith.index_cast %scan3A_132 : i32 to index
      %swap3A_148 = arith.constant 48 : index
      %swap3A_149 = tpu.vector_load %arg19[%swap3A_147, %swap3A_148] {strides = array<i32>} : memref<64x128xf32, #tpu.memory_space<vmem>>, vector<1x16xf32>,
      %swap3A_150 = vector.shape_cast %swap3A_149 : vector<1x16xf32> to vector<16xf32>
      %swap3A_151 = vector.shape_cast %broadcast_in_dim3A_1 : vector<16xf32> to vector<1x16xf32>
      tpu.vector_store %arg19[%swap3A_147, %swap3A_148], %swap3A_151 {strides = array<i32>} : memref<64x128xf32, #tpu.memory_space<vmem>>, vector<1x16xf32>,
      %swap3A_152 = arith.index_cast %scan3A_132 : i32 to index
      %swap3A_153 = arith.constant 64 : index
      %swap3A_154 = tpu.vector_load %arg19[%swap3A_152, %swap3A_153] {strides = array<i32>} : memref<64x128xf32, #tpu.memory_space<vmem>>, vector<1x16xf32>,
      %swap3A_155 = vector.shape_cast %swap3A_154 : vector<1x16xf32> to vector<16xf32>
      %swap3A_156 = vector.shape_cast %broadcast_in_dim3A_1 : vector<16xf32> to vector<1x16xf32>
      tpu.vector_store %arg19[%swap3A_152, %swap3A_153], %swap3A_156 {strides = array<i32>} : memref<64x128xf32, #tpu.memory_space<vmem>>, vector<1x16xf32>,
      %swap3A_157 = arith.index_cast %scan3A_132 : i32 to index
      %swap3A_158 = arith.constant 80 : index
      %swap3A_159 = tpu.vector_load %arg19[%swap3A_157, %swap3A_158] {strides = array<i32>} : memref<64x128xf32, #tpu.memory_space<vmem>>, vector<1x16xf32>,
      %swap3A_160 = vector.shape_cast %swap3A_159 : vector<1x16xf32> to vector<16xf32>
      %swap3A_161 = vector.shape_cast %broadcast_in_dim3A_1 : vector<16xf32> to vector<1x16xf32>
      tpu.vector_store %arg19[%swap3A_157, %swap3A_158], %swap3A_161 {strides = array<i32>} : memref<64x128xf32, #tpu.memory_space<vmem>>, vector<1x16xf32>,
      %swap3A_162 = arith.index_cast %scan3A_132 : i32 to index
      %swap3A_163 = arith.constant 96 : index
      %swap3A_164 = tpu.vector_load %arg19[%swap3A_162, %swap3A_163] {strides = array<i32>} : memref<64x128xf32, #tpu.memory_space<vmem>>, vector<1x16xf32>,
      %swap3A_165 = vector.shape_cast %swap3A_164 : vector<1x16xf32> to vector<16xf32>
      %swap3A_166 = vector.shape_cast %broadcast_in_dim3A_1 : vector<16xf32> to vector<1x16xf32>
      tpu.vector_store %arg19[%swap3A_162, %swap3A_163], %swap3A_166 {strides = array<i32>} : memref<64x128xf32, #tpu.memory_space<vmem>>, vector<1x16xf32>,
      %swap3A_167 = arith.index_cast %scan3A_132 : i32 to index
      %swap3A_168 = arith.constant 112 : index
      %swap3A_169 = tpu.vector_load %arg19[%swap3A_167, %swap3A_168] {strides = array<i32>} : memref<64x128xf32, #tpu.memory_space<vmem>>, vector<1x16xf32>,
      %swap3A_170 = vector.shape_cast %swap3A_169 : vector<1x16xf32> to vector<16xf32>
      %swap3A_171 = vector.shape_cast %broadcast_in_dim3A_1 : vector<16xf32> to vector<1x16xf32>
      tpu.vector_store %arg19[%swap3A_167, %swap3A_168], %swap3A_171 {strides = array<i32>} : memref<64x128xf32, #tpu.memory_space<vmem>>, vector<1x16xf32>,
      %swap3A_172 = arith.index_cast %scan3A_132 : i32 to index
      %swap3A_173 = arith.constant 0 : index
      %swap3A_174 = tpu.vector_load %arg18[%swap3A_172, %swap3A_173] {strides = array<i32>} : memref<64x16xf32, #tpu.memory_space<vmem>>, vector<1x16xf32>,
      %swap3A_175 = vector.shape_cast %swap3A_174 : vector<1x16xf32> to vector<16xf32>
      %swap3A_176 = vector.shape_cast %broadcast_in_dim3A_1 : vector<16xf32> to vector<1x16xf32>
      tpu.vector_store %arg18[%swap3A_172, %swap3A_173], %swap3A_176 {strides = array<i32>} : memref<64x16xf32, #tpu.memory_space<vmem>>, vector<1x16xf32>,
    }
    %scan3A_5 = arith.constant 64 : i32
    %mul3A_6 = arith.constant 640 : i32
    %mul3A_7 = arith.muli %arg1, %mul3A_6 : i32
    %add3A_8 = arith.constant 0 : i32
    %add3A_9 = arith.addi %mul3A_7, %add3A_8 : i32
    "tpu.region"() ({
      %run_scoped3A = tpu.sem_alloc : memref<!tpu.dma_semaphore, #tpu.memory_space<semaphore_mem>>
      %dma_start3A_132 = arith.constant 0 : i32
      %dma_start3A_133 = tpu.memref_slice %arg22[%add3A_9, %dma_start3A_132] : memref<10240x128xf32, #tpu.memory_space<vmem_shared>> -> memref<64x128xf32, #tpu.memory_space<vmem_shared>>
      %dma_start3A_134 = arith.constant 0 : i32
      %dma_start3A_135 = tpu.memref_slice %arg22[%add3A_9, %dma_start3A_134] : memref<10240x128xf32, #tpu.memory_space<vmem_shared>> -> memref<64x128xf32, #tpu.memory_space<vmem_shared>>
      tpu.enqueue_dma source(%arg19 : memref<64x128xf32, #tpu.memory_space<vmem>>) target(%dma_start3A_135 : memref<64x128xf32, #tpu.memory_space<vmem_shared>>) target_semaphore(%run_scoped3A : memref<!tpu.dma_semaphore, #tpu.memory_space<semaphore_mem>>)
      %dma_wait3A_136 = arith.constant 0 : i32
      %dma_wait3A_137 = tpu.memref_slice %arg22[%add3A_9, %dma_wait3A_136] : memref<10240x128xf32, #tpu.memory_space<vmem_shared>> -> memref<64x128xf32, #tpu.memory_space<vmem_shared>>
      %dma_wait3A_138 = arith.constant 0 : i32
      %dma_wait3A_139 = tpu.memref_slice %arg22[%add3A_9, %dma_wait3A_138] : memref<10240x128xf32, #tpu.memory_space<vmem_shared>> -> memref<64x128xf32, #tpu.memory_space<vmem_shared>>
      tpu.wait_dma2 semaphore(%run_scoped3A : memref<!tpu.dma_semaphore, #tpu.memory_space<semaphore_mem>>) src(%arg19 : memref<64x128xf32, #tpu.memory_space<vmem>>) dst(%dma_wait3A_139 : memref<64x128xf32, #tpu.memory_space<vmem_shared>>)
      tpu.yield
    }) : () -> ()
    "tpu.region"() ({
      %run_scoped3A = tpu.sem_alloc : memref<!tpu.dma_semaphore, #tpu.memory_space<semaphore_mem>>
      %dma_start3A_132 = arith.constant 0 : i32
      %dma_start3A_133 = tpu.memref_slice %arg23[%add3A_9, %dma_start3A_132] : memref<10240x16xf32, #tpu.memory_space<vmem_shared>> -> memref<64x16xf32, #tpu.memory_space<vmem_shared>>
      %dma_start3A_134 = arith.constant 0 : i32
      %dma_start3A_135 = tpu.memref_slice %arg23[%add3A_9, %dma_start3A_134] : memref<10240x16xf32, #tpu.memory_space<vmem_shared>> -> memref<64x16xf32, #tpu.memory_space<vmem_shared>>
      tpu.enqueue_dma source(%arg18 : memref<64x16xf32, #tpu.memory_space<vmem>>) target(%dma_start3A_135 : memref<64x16xf32, #tpu.memory_space<vmem_shared>>) target_semaphore(%run_scoped3A : memref<!tpu.dma_semaphore, #tpu.memory_space<semaphore_mem>>)
      %dma_wait3A_136 = arith.constant 0 : i32
      %dma_wait3A_137 = tpu.memref_slice %arg23[%add3A_9, %dma_wait3A_136] : memref<10240x16xf32, #tpu.memory_space<vmem_shared>> -> memref<64x16xf32, #tpu.memory_space<vmem_shared>>
      %dma_wait3A_138 = arith.constant 0 : i32
      %dma_wait3A_139 = tpu.memref_slice %arg23[%add3A_9, %dma_wait3A_138] : memref<10240x16xf32, #tpu.memory_space<vmem_shared>> -> memref<64x16xf32, #tpu.memory_space<vmem_shared>>
      tpu.wait_dma2 semaphore(%run_scoped3A : memref<!tpu.dma_semaphore, #tpu.memory_space<semaphore_mem>>) src(%arg18 : memref<64x16xf32, #tpu.memory_space<vmem>>) dst(%dma_wait3A_139 : memref<64x16xf32, #tpu.memory_space<vmem_shared>>)
      tpu.yield
    }) : () -> ()
    %mul3A_10 = arith.constant 640 : i32
    %mul3A_11 = arith.muli %arg1, %mul3A_10 : i32
    %add3A_12 = arith.constant 64 : i32
    %add3A_13 = arith.addi %mul3A_11, %add3A_12 : i32
    "tpu.region"() ({
      %run_scoped3A = tpu.sem_alloc : memref<!tpu.dma_semaphore, #tpu.memory_space<semaphore_mem>>
      %dma_start3A_132 = arith.constant 0 : i32
      %dma_start3A_133 = tpu.memref_slice %arg22[%add3A_13, %dma_start3A_132] : memref<10240x128xf32, #tpu.memory_space<vmem_shared>> -> memref<64x128xf32, #tpu.memory_space<vmem_shared>>
      %dma_start3A_134 = arith.constant 0 : i32
      %dma_start3A_135 = tpu.memref_slice %arg22[%add3A_13, %dma_start3A_134] : memref<10240x128xf32, #tpu.memory_space<vmem_shared>> -> memref<64x128xf32, #tpu.memory_space<vmem_shared>>
      tpu.enqueue_dma source(%arg19 : memref<64x128xf32, #tpu.memory_space<vmem>>) target(%dma_start3A_135 : memref<64x128xf32, #tpu.memory_space<vmem_shared>>) target_semaphore(%run_scoped3A : memref<!tpu.dma_semaphore, #tpu.memory_space<semaphore_mem>>)
      %dma_wait3A_136 = arith.constant 0 : i32
      %dma_wait3A_137 = tpu.memref_slice %arg22[%add3A_13, %dma_wait3A_136] : memref<10240x128xf32, #tpu.memory_space<vmem_shared>> -> memref<64x128xf32, #tpu.memory_space<vmem_shared>>
      %dma_wait3A_138 = arith.constant 0 : i32
      %dma_wait3A_139 = tpu.memref_slice %arg22[%add3A_13, %dma_wait3A_138] : memref<10240x128xf32, #tpu.memory_space<vmem_shared>> -> memref<64x128xf32, #tpu.memory_space<vmem_shared>>
      tpu.wait_dma2 semaphore(%run_scoped3A : memref<!tpu.dma_semaphore, #tpu.memory_space<semaphore_mem>>) src(%arg19 : memref<64x128xf32, #tpu.memory_space<vmem>>) dst(%dma_wait3A_139 : memref<64x128xf32, #tpu.memory_space<vmem_shared>>)
      tpu.yield
    }) : () -> ()
    "tpu.region"() ({
      %run_scoped3A = tpu.sem_alloc : memref<!tpu.dma_semaphore, #tpu.memory_space<semaphore_mem>>
      %dma_start3A_132 = arith.constant 0 : i32
      %dma_start3A_133 = tpu.memref_slice %arg23[%add3A_13, %dma_start3A_132] : memref<10240x16xf32, #tpu.memory_space<vmem_shared>> -> memref<64x16xf32, #tpu.memory_space<vmem_shared>>
      %dma_start3A_134 = arith.constant 0 : i32
      %dma_start3A_135 = tpu.memref_slice %arg23[%add3A_13, %dma_start3A_134] : memref<10240x16xf32, #tpu.memory_space<vmem_shared>> -> memref<64x16xf32, #tpu.memory_space<vmem_shared>>
      tpu.enqueue_dma source(%arg18 : memref<64x16xf32, #tpu.memory_space<vmem>>) target(%dma_start3A_135 : memref<64x16xf32, #tpu.memory_space<vmem_shared>>) target_semaphore(%run_scoped3A : memref<!tpu.dma_semaphore, #tpu.memory_space<semaphore_mem>>)
      %dma_wait3A_136 = arith.constant 0 : i32
      %dma_wait3A_137 = tpu.memref_slice %arg23[%add3A_13, %dma_wait3A_136] : memref<10240x16xf32, #tpu.memory_space<vmem_shared>> -> memref<64x16xf32, #tpu.memory_space<vmem_shared>>
      %dma_wait3A_138 = arith.constant 0 : i32
      %dma_wait3A_139 = tpu.memref_slice %arg23[%add3A_13, %dma_wait3A_138] : memref<10240x16xf32, #tpu.memory_space<vmem_shared>> -> memref<64x16xf32, #tpu.memory_space<vmem_shared>>
      tpu.wait_dma2 semaphore(%run_scoped3A : memref<!tpu.dma_semaphore, #tpu.memory_space<semaphore_mem>>) src(%arg18 : memref<64x16xf32, #tpu.memory_space<vmem>>) dst(%dma_wait3A_139 : memref<64x16xf32, #tpu.memory_space<vmem_shared>>)
      tpu.yield
    }) : () -> ()
    %mul3A_14 = arith.constant 640 : i32
    %mul3A_15 = arith.muli %arg1, %mul3A_14 : i32
    %add3A_16 = arith.constant 128 : i32
    %add3A_17 = arith.addi %mul3A_15, %add3A_16 : i32
    "tpu.region"() ({
      %run_scoped3A = tpu.sem_alloc : memref<!tpu.dma_semaphore, #tpu.memory_space<semaphore_mem>>
      %dma_start3A_132 = arith.constant 0 : i32
      %dma_start3A_133 = tpu.memref_slice %arg22[%add3A_17, %dma_start3A_132] : memref<10240x128xf32, #tpu.memory_space<vmem_shared>> -> memref<64x128xf32, #tpu.memory_space<vmem_shared>>
      %dma_start3A_134 = arith.constant 0 : i32
      %dma_start3A_135 = tpu.memref_slice %arg22[%add3A_17, %dma_start3A_134] : memref<10240x128xf32, #tpu.memory_space<vmem_shared>> -> memref<64x128xf32, #tpu.memory_space<vmem_shared>>
      tpu.enqueue_dma source(%arg19 : memref<64x128xf32, #tpu.memory_space<vmem>>) target(%dma_start3A_135 : memref<64x128xf32, #tpu.memory_space<vmem_shared>>) target_semaphore(%run_scoped3A : memref<!tpu.dma_semaphore, #tpu.memory_space<semaphore_mem>>)
      %dma_wait3A_136 = arith.constant 0 : i32
      %dma_wait3A_137 = tpu.memref_slice %arg22[%add3A_17, %dma_wait3A_136] : memref<10240x128xf32, #tpu.memory_space<vmem_shared>> -> memref<64x128xf32, #tpu.memory_space<vmem_shared>>
      %dma_wait3A_138 = arith.constant 0 : i32
      %dma_wait3A_139 = tpu.memref_slice %arg22[%add3A_17, %dma_wait3A_138] : memref<10240x128xf32, #tpu.memory_space<vmem_shared>> -> memref<64x128xf32, #tpu.memory_space<vmem_shared>>
      tpu.wait_dma2 semaphore(%run_scoped3A : memref<!tpu.dma_semaphore, #tpu.memory_space<semaphore_mem>>) src(%arg19 : memref<64x128xf32, #tpu.memory_space<vmem>>) dst(%dma_wait3A_139 : memref<64x128xf32, #tpu.memory_space<vmem_shared>>)
      tpu.yield
    }) : () -> ()
    "tpu.region"() ({
      %run_scoped3A = tpu.sem_alloc : memref<!tpu.dma_semaphore, #tpu.memory_space<semaphore_mem>>
      %dma_start3A_132 = arith.constant 0 : i32
      %dma_start3A_133 = tpu.memref_slice %arg23[%add3A_17, %dma_start3A_132] : memref<10240x16xf32, #tpu.memory_space<vmem_shared>> -> memref<64x16xf32, #tpu.memory_space<vmem_shared>>
      %dma_start3A_134 = arith.constant 0 : i32
      %dma_start3A_135 = tpu.memref_slice %arg23[%add3A_17, %dma_start3A_134] : memref<10240x16xf32, #tpu.memory_space<vmem_shared>> -> memref<64x16xf32, #tpu.memory_space<vmem_shared>>
      tpu.enqueue_dma source(%arg18 : memref<64x16xf32, #tpu.memory_space<vmem>>) target(%dma_start3A_135 : memref<64x16xf32, #tpu.memory_space<vmem_shared>>) target_semaphore(%run_scoped3A : memref<!tpu.dma_semaphore, #tpu.memory_space<semaphore_mem>>)
      %dma_wait3A_136 = arith.constant 0 : i32
      %dma_wait3A_137 = tpu.memref_slice %arg23[%add3A_17, %dma_wait3A_136] : memref<10240x16xf32, #tpu.memory_space<vmem_shared>> -> memref<64x16xf32, #tpu.memory_space<vmem_shared>>
      %dma_wait3A_138 = arith.constant 0 : i32
      %dma_wait3A_139 = tpu.memref_slice %arg23[%add3A_17, %dma_wait3A_138] : memref<10240x16xf32, #tpu.memory_space<vmem_shared>> -> memref<64x16xf32, #tpu.memory_space<vmem_shared>>
      tpu.wait_dma2 semaphore(%run_scoped3A : memref<!tpu.dma_semaphore, #tpu.memory_space<semaphore_mem>>) src(%arg18 : memref<64x16xf32, #tpu.memory_space<vmem>>) dst(%dma_wait3A_139 : memref<64x16xf32, #tpu.memory_space<vmem_shared>>)
      tpu.yield
    }) : () -> ()
    %mul3A_18 = arith.constant 640 : i32
    %mul3A_19 = arith.muli %arg1, %mul3A_18 : i32
    %add3A_20 = arith.constant 192 : i32
    %add3A_21 = arith.addi %mul3A_19, %add3A_20 : i32
    "tpu.region"() ({
      %run_scoped3A = tpu.sem_alloc : memref<!tpu.dma_semaphore, #tpu.memory_space<semaphore_mem>>
      %dma_start3A_132 = arith.constant 0 : i32
      %dma_start3A_133 = tpu.memref_slice %arg22[%add3A_21, %dma_start3A_132] : memref<10240x128xf32, #tpu.memory_space<vmem_shared>> -> memref<64x128xf32, #tpu.memory_space<vmem_shared>>
      %dma_start3A_134 = arith.constant 0 : i32
      %dma_start3A_135 = tpu.memref_slice %arg22[%add3A_21, %dma_start3A_134] : memref<10240x128xf32, #tpu.memory_space<vmem_shared>> -> memref<64x128xf32, #tpu.memory_space<vmem_shared>>
      tpu.enqueue_dma source(%arg19 : memref<64x128xf32, #tpu.memory_space<vmem>>) target(%dma_start3A_135 : memref<64x128xf32, #tpu.memory_space<vmem_shared>>) target_semaphore(%run_scoped3A : memref<!tpu.dma_semaphore, #tpu.memory_space<semaphore_mem>>)
      %dma_wait3A_136 = arith.constant 0 : i32
      %dma_wait3A_137 = tpu.memref_slice %arg22[%add3A_21, %dma_wait3A_136] : memref<10240x128xf32, #tpu.memory_space<vmem_shared>> -> memref<64x128xf32, #tpu.memory_space<vmem_shared>>
      %dma_wait3A_138 = arith.constant 0 : i32
      %dma_wait3A_139 = tpu.memref_slice %arg22[%add3A_21, %dma_wait3A_138] : memref<10240x128xf32, #tpu.memory_space<vmem_shared>> -> memref<64x128xf32, #tpu.memory_space<vmem_shared>>
      tpu.wait_dma2 semaphore(%run_scoped3A : memref<!tpu.dma_semaphore, #tpu.memory_space<semaphore_mem>>) src(%arg19 : memref<64x128xf32, #tpu.memory_space<vmem>>) dst(%dma_wait3A_139 : memref<64x128xf32, #tpu.memory_space<vmem_shared>>)
      tpu.yield
    }) : () -> ()
    "tpu.region"() ({
      %run_scoped3A = tpu.sem_alloc : memref<!tpu.dma_semaphore, #tpu.memory_space<semaphore_mem>>
      %dma_start3A_132 = arith.constant 0 : i32
      %dma_start3A_133 = tpu.memref_slice %arg23[%add3A_21, %dma_start3A_132] : memref<10240x16xf32, #tpu.memory_space<vmem_shared>> -> memref<64x16xf32, #tpu.memory_space<vmem_shared>>
      %dma_start3A_134 = arith.constant 0 : i32
      %dma_start3A_135 = tpu.memref_slice %arg23[%add3A_21, %dma_start3A_134] : memref<10240x16xf32, #tpu.memory_space<vmem_shared>> -> memref<64x16xf32, #tpu.memory_space<vmem_shared>>
      tpu.enqueue_dma source(%arg18 : memref<64x16xf32, #tpu.memory_space<vmem>>) target(%dma_start3A_135 : memref<64x16xf32, #tpu.memory_space<vmem_shared>>) target_semaphore(%run_scoped3A : memref<!tpu.dma_semaphore, #tpu.memory_space<semaphore_mem>>)
      %dma_wait3A_136 = arith.constant 0 : i32
      %dma_wait3A_137 = tpu.memref_slice %arg23[%add3A_21, %dma_wait3A_136] : memref<10240x16xf32, #tpu.memory_space<vmem_shared>> -> memref<64x16xf32, #tpu.memory_space<vmem_shared>>
      %dma_wait3A_138 = arith.constant 0 : i32
      %dma_wait3A_139 = tpu.memref_slice %arg23[%add3A_21, %dma_wait3A_138] : memref<10240x16xf32, #tpu.memory_space<vmem_shared>> -> memref<64x16xf32, #tpu.memory_space<vmem_shared>>
      tpu.wait_dma2 semaphore(%run_scoped3A : memref<!tpu.dma_semaphore, #tpu.memory_space<semaphore_mem>>) src(%arg18 : memref<64x16xf32, #tpu.memory_space<vmem>>) dst(%dma_wait3A_139 : memref<64x16xf32, #tpu.memory_space<vmem_shared>>)
      tpu.yield
    }) : () -> ()
    %mul3A_22 = arith.constant 640 : i32
    %mul3A_23 = arith.muli %arg1, %mul3A_22 : i32
    %add3A_24 = arith.constant 256 : i32
    %add3A_25 = arith.addi %mul3A_23, %add3A_24 : i32
    "tpu.region"() ({
      %run_scoped3A = tpu.sem_alloc : memref<!tpu.dma_semaphore, #tpu.memory_space<semaphore_mem>>
      %dma_start3A_132 = arith.constant 0 : i32
      %dma_start3A_133 = tpu.memref_slice %arg22[%add3A_25, %dma_start3A_132] : memref<10240x128xf32, #tpu.memory_space<vmem_shared>> -> memref<64x128xf32, #tpu.memory_space<vmem_shared>>
      %dma_start3A_134 = arith.constant 0 : i32
      %dma_start3A_135 = tpu.memref_slice %arg22[%add3A_25, %dma_start3A_134] : memref<10240x128xf32, #tpu.memory_space<vmem_shared>> -> memref<64x128xf32, #tpu.memory_space<vmem_shared>>
      tpu.enqueue_dma source(%arg19 : memref<64x128xf32, #tpu.memory_space<vmem>>) target(%dma_start3A_135 : memref<64x128xf32, #tpu.memory_space<vmem_shared>>) target_semaphore(%run_scoped3A : memref<!tpu.dma_semaphore, #tpu.memory_space<semaphore_mem>>)
      %dma_wait3A_136 = arith.constant 0 : i32
      %dma_wait3A_137 = tpu.memref_slice %arg22[%add3A_25, %dma_wait3A_136] : memref<10240x128xf32, #tpu.memory_space<vmem_shared>> -> memref<64x128xf32, #tpu.memory_space<vmem_shared>>
      %dma_wait3A_138 = arith.constant 0 : i32
      %dma_wait3A_139 = tpu.memref_slice %arg22[%add3A_25, %dma_wait3A_138] : memref<10240x128xf32, #tpu.memory_space<vmem_shared>> -> memref<64x128xf32, #tpu.memory_space<vmem_shared>>
      tpu.wait_dma2 semaphore(%run_scoped3A : memref<!tpu.dma_semaphore, #tpu.memory_space<semaphore_mem>>) src(%arg19 : memref<64x128xf32, #tpu.memory_space<vmem>>) dst(%dma_wait3A_139 : memref<64x128xf32, #tpu.memory_space<vmem_shared>>)
      tpu.yield
    }) : () -> ()
    "tpu.region"() ({
      %run_scoped3A = tpu.sem_alloc : memref<!tpu.dma_semaphore, #tpu.memory_space<semaphore_mem>>
      %dma_start3A_132 = arith.constant 0 : i32
      %dma_start3A_133 = tpu.memref_slice %arg23[%add3A_25, %dma_start3A_132] : memref<10240x16xf32, #tpu.memory_space<vmem_shared>> -> memref<64x16xf32, #tpu.memory_space<vmem_shared>>
      %dma_start3A_134 = arith.constant 0 : i32
      %dma_start3A_135 = tpu.memref_slice %arg23[%add3A_25, %dma_start3A_134] : memref<10240x16xf32, #tpu.memory_space<vmem_shared>> -> memref<64x16xf32, #tpu.memory_space<vmem_shared>>
      tpu.enqueue_dma source(%arg18 : memref<64x16xf32, #tpu.memory_space<vmem>>) target(%dma_start3A_135 : memref<64x16xf32, #tpu.memory_space<vmem_shared>>) target_semaphore(%run_scoped3A : memref<!tpu.dma_semaphore, #tpu.memory_space<semaphore_mem>>)
      %dma_wait3A_136 = arith.constant 0 : i32
      %dma_wait3A_137 = tpu.memref_slice %arg23[%add3A_25, %dma_wait3A_136] : memref<10240x16xf32, #tpu.memory_space<vmem_shared>> -> memref<64x16xf32, #tpu.memory_space<vmem_shared>>
      %dma_wait3A_138 = arith.constant 0 : i32
      %dma_wait3A_139 = tpu.memref_slice %arg23[%add3A_25, %dma_wait3A_138] : memref<10240x16xf32, #tpu.memory_space<vmem_shared>> -> memref<64x16xf32, #tpu.memory_space<vmem_shared>>
      tpu.wait_dma2 semaphore(%run_scoped3A : memref<!tpu.dma_semaphore, #tpu.memory_space<semaphore_mem>>) src(%arg18 : memref<64x16xf32, #tpu.memory_space<vmem>>) dst(%dma_wait3A_139 : memref<64x16xf32, #tpu.memory_space<vmem_shared>>)
      tpu.yield
    }) : () -> ()
    %mul3A_26 = arith.constant 640 : i32
    %mul3A_27 = arith.muli %arg1, %mul3A_26 : i32
    %add3A_28 = arith.constant 320 : i32
    %add3A_29 = arith.addi %mul3A_27, %add3A_28 : i32
    "tpu.region"() ({
      %run_scoped3A = tpu.sem_alloc : memref<!tpu.dma_semaphore, #tpu.memory_space<semaphore_mem>>
      %dma_start3A_132 = arith.constant 0 : i32
      %dma_start3A_133 = tpu.memref_slice %arg22[%add3A_29, %dma_start3A_132] : memref<10240x128xf32, #tpu.memory_space<vmem_shared>> -> memref<64x128xf32, #tpu.memory_space<vmem_shared>>
      %dma_start3A_134 = arith.constant 0 : i32
      %dma_start3A_135 = tpu.memref_slice %arg22[%add3A_29, %dma_start3A_134] : memref<10240x128xf32, #tpu.memory_space<vmem_shared>> -> memref<64x128xf32, #tpu.memory_space<vmem_shared>>
      tpu.enqueue_dma source(%arg19 : memref<64x128xf32, #tpu.memory_space<vmem>>) target(%dma_start3A_135 : memref<64x128xf32, #tpu.memory_space<vmem_shared>>) target_semaphore(%run_scoped3A : memref<!tpu.dma_semaphore, #tpu.memory_space<semaphore_mem>>)
      %dma_wait3A_136 = arith.constant 0 : i32
      %dma_wait3A_137 = tpu.memref_slice %arg22[%add3A_29, %dma_wait3A_136] : memref<10240x128xf32, #tpu.memory_space<vmem_shared>> -> memref<64x128xf32, #tpu.memory_space<vmem_shared>>
      %dma_wait3A_138 = arith.constant 0 : i32
      %dma_wait3A_139 = tpu.memref_slice %arg22[%add3A_29, %dma_wait3A_138] : memref<10240x128xf32, #tpu.memory_space<vmem_shared>> -> memref<64x128xf32, #tpu.memory_space<vmem_shared>>
      tpu.wait_dma2 semaphore(%run_scoped3A : memref<!tpu.dma_semaphore, #tpu.memory_space<semaphore_mem>>) src(%arg19 : memref<64x128xf32, #tpu.memory_space<vmem>>) dst(%dma_wait3A_139 : memref<64x128xf32, #tpu.memory_space<vmem_shared>>)
      tpu.yield
    }) : () -> ()
    "tpu.region"() ({
      %run_scoped3A = tpu.sem_alloc : memref<!tpu.dma_semaphore, #tpu.memory_space<semaphore_mem>>
      %dma_start3A_132 = arith.constant 0 : i32
      %dma_start3A_133 = tpu.memref_slice %arg23[%add3A_29, %dma_start3A_132] : memref<10240x16xf32, #tpu.memory_space<vmem_shared>> -> memref<64x16xf32, #tpu.memory_space<vmem_shared>>
      %dma_start3A_134 = arith.constant 0 : i32
      %dma_start3A_135 = tpu.memref_slice %arg23[%add3A_29, %dma_start3A_134] : memref<10240x16xf32, #tpu.memory_space<vmem_shared>> -> memref<64x16xf32, #tpu.memory_space<vmem_shared>>
      tpu.enqueue_dma source(%arg18 : memref<64x16xf32, #tpu.memory_space<vmem>>) target(%dma_start3A_135 : memref<64x16xf32, #tpu.memory_space<vmem_shared>>) target_semaphore(%run_scoped3A : memref<!tpu.dma_semaphore, #tpu.memory_space<semaphore_mem>>)
      %dma_wait3A_136 = arith.constant 0 : i32
      %dma_wait3A_137 = tpu.memref_slice %arg23[%add3A_29, %dma_wait3A_136] : memref<10240x16xf32, #tpu.memory_space<vmem_shared>> -> memref<64x16xf32, #tpu.memory_space<vmem_shared>>
      %dma_wait3A_138 = arith.constant 0 : i32
      %dma_wait3A_139 = tpu.memref_slice %arg23[%add3A_29, %dma_wait3A_138] : memref<10240x16xf32, #tpu.memory_space<vmem_shared>> -> memref<64x16xf32, #tpu.memory_space<vmem_shared>>
      tpu.wait_dma2 semaphore(%run_scoped3A : memref<!tpu.dma_semaphore, #tpu.memory_space<semaphore_mem>>) src(%arg18 : memref<64x16xf32, #tpu.memory_space<vmem>>) dst(%dma_wait3A_139 : memref<64x16xf32, #tpu.memory_space<vmem_shared>>)
      tpu.yield
    }) : () -> ()
    %mul3A_30 = arith.constant 640 : i32
    %mul3A_31 = arith.muli %arg1, %mul3A_30 : i32
    %add3A_32 = arith.constant 384 : i32
    %add3A_33 = arith.addi %mul3A_31, %add3A_32 : i32
    "tpu.region"() ({
      %run_scoped3A = tpu.sem_alloc : memref<!tpu.dma_semaphore, #tpu.memory_space<semaphore_mem>>
      %dma_start3A_132 = arith.constant 0 : i32
      %dma_start3A_133 = tpu.memref_slice %arg22[%add3A_33, %dma_start3A_132] : memref<10240x128xf32, #tpu.memory_space<vmem_shared>> -> memref<64x128xf32, #tpu.memory_space<vmem_shared>>
      %dma_start3A_134 = arith.constant 0 : i32
      %dma_start3A_135 = tpu.memref_slice %arg22[%add3A_33, %dma_start3A_134] : memref<10240x128xf32, #tpu.memory_space<vmem_shared>> -> memref<64x128xf32, #tpu.memory_space<vmem_shared>>
      tpu.enqueue_dma source(%arg19 : memref<64x128xf32, #tpu.memory_space<vmem>>) target(%dma_start3A_135 : memref<64x128xf32, #tpu.memory_space<vmem_shared>>) target_semaphore(%run_scoped3A : memref<!tpu.dma_semaphore, #tpu.memory_space<semaphore_mem>>)
      %dma_wait3A_136 = arith.constant 0 : i32
      %dma_wait3A_137 = tpu.memref_slice %arg22[%add3A_33, %dma_wait3A_136] : memref<10240x128xf32, #tpu.memory_space<vmem_shared>> -> memref<64x128xf32, #tpu.memory_space<vmem_shared>>
      %dma_wait3A_138 = arith.constant 0 : i32
      %dma_wait3A_139 = tpu.memref_slice %arg22[%add3A_33, %dma_wait3A_138] : memref<10240x128xf32, #tpu.memory_space<vmem_shared>> -> memref<64x128xf32, #tpu.memory_space<vmem_shared>>
      tpu.wait_dma2 semaphore(%run_scoped3A : memref<!tpu.dma_semaphore, #tpu.memory_space<semaphore_mem>>) src(%arg19 : memref<64x128xf32, #tpu.memory_space<vmem>>) dst(%dma_wait3A_139 : memref<64x128xf32, #tpu.memory_space<vmem_shared>>)
      tpu.yield
    }) : () -> ()
    "tpu.region"() ({
      %run_scoped3A = tpu.sem_alloc : memref<!tpu.dma_semaphore, #tpu.memory_space<semaphore_mem>>
      %dma_start3A_132 = arith.constant 0 : i32
      %dma_start3A_133 = tpu.memref_slice %arg23[%add3A_33, %dma_start3A_132] : memref<10240x16xf32, #tpu.memory_space<vmem_shared>> -> memref<64x16xf32, #tpu.memory_space<vmem_shared>>
      %dma_start3A_134 = arith.constant 0 : i32
      %dma_start3A_135 = tpu.memref_slice %arg23[%add3A_33, %dma_start3A_134] : memref<10240x16xf32, #tpu.memory_space<vmem_shared>> -> memref<64x16xf32, #tpu.memory_space<vmem_shared>>
      tpu.enqueue_dma source(%arg18 : memref<64x16xf32, #tpu.memory_space<vmem>>) target(%dma_start3A_135 : memref<64x16xf32, #tpu.memory_space<vmem_shared>>) target_semaphore(%run_scoped3A : memref<!tpu.dma_semaphore, #tpu.memory_space<semaphore_mem>>)
      %dma_wait3A_136 = arith.constant 0 : i32
      %dma_wait3A_137 = tpu.memref_slice %arg23[%add3A_33, %dma_wait3A_136] : memref<10240x16xf32, #tpu.memory_space<vmem_shared>> -> memref<64x16xf32, #tpu.memory_space<vmem_shared>>
      %dma_wait3A_138 = arith.constant 0 : i32
      %dma_wait3A_139 = tpu.memref_slice %arg23[%add3A_33, %dma_wait3A_138] : memref<10240x16xf32, #tpu.memory_space<vmem_shared>> -> memref<64x16xf32, #tpu.memory_space<vmem_shared>>
      tpu.wait_dma2 semaphore(%run_scoped3A : memref<!tpu.dma_semaphore, #tpu.memory_space<semaphore_mem>>) src(%arg18 : memref<64x16xf32, #tpu.memory_space<vmem>>) dst(%dma_wait3A_139 : memref<64x16xf32, #tpu.memory_space<vmem_shared>>)
      tpu.yield
    }) : () -> ()
    %mul3A_34 = arith.constant 640 : i32
    %mul3A_35 = arith.muli %arg1, %mul3A_34 : i32
    %add3A_36 = arith.constant 448 : i32
    %add3A_37 = arith.addi %mul3A_35, %add3A_36 : i32
    "tpu.region"() ({
      %run_scoped3A = tpu.sem_alloc : memref<!tpu.dma_semaphore, #tpu.memory_space<semaphore_mem>>
      %dma_start3A_132 = arith.constant 0 : i32
      %dma_start3A_133 = tpu.memref_slice %arg22[%add3A_37, %dma_start3A_132] : memref<10240x128xf32, #tpu.memory_space<vmem_shared>> -> memref<64x128xf32, #tpu.memory_space<vmem_shared>>
      %dma_start3A_134 = arith.constant 0 : i32
      %dma_start3A_135 = tpu.memref_slice %arg22[%add3A_37, %dma_start3A_134] : memref<10240x128xf32, #tpu.memory_space<vmem_shared>> -> memref<64x128xf32, #tpu.memory_space<vmem_shared>>
      tpu.enqueue_dma source(%arg19 : memref<64x128xf32, #tpu.memory_space<vmem>>) target(%dma_start3A_135 : memref<64x128xf32, #tpu.memory_space<vmem_shared>>) target_semaphore(%run_scoped3A : memref<!tpu.dma_semaphore, #tpu.memory_space<semaphore_mem>>)
      %dma_wait3A_136 = arith.constant 0 : i32
      %dma_wait3A_137 = tpu.memref_slice %arg22[%add3A_37, %dma_wait3A_136] : memref<10240x128xf32, #tpu.memory_space<vmem_shared>> -> memref<64x128xf32, #tpu.memory_space<vmem_shared>>
      %dma_wait3A_138 = arith.constant 0 : i32
      %dma_wait3A_139 = tpu.memref_slice %arg22[%add3A_37, %dma_wait3A_138] : memref<10240x128xf32, #tpu.memory_space<vmem_shared>> -> memref<64x128xf32, #tpu.memory_space<vmem_shared>>
      tpu.wait_dma2 semaphore(%run_scoped3A : memref<!tpu.dma_semaphore, #tpu.memory_space<semaphore_mem>>) src(%arg19 : memref<64x128xf32, #tpu.memory_space<vmem>>) dst(%dma_wait3A_139 : memref<64x128xf32, #tpu.memory_space<vmem_shared>>)
      tpu.yield
    }) : () -> ()
    "tpu.region"() ({
      %run_scoped3A = tpu.sem_alloc : memref<!tpu.dma_semaphore, #tpu.memory_space<semaphore_mem>>
      %dma_start3A_132 = arith.constant 0 : i32
      %dma_start3A_133 = tpu.memref_slice %arg23[%add3A_37, %dma_start3A_132] : memref<10240x16xf32, #tpu.memory_space<vmem_shared>> -> memref<64x16xf32, #tpu.memory_space<vmem_shared>>
      %dma_start3A_134 = arith.constant 0 : i32
      %dma_start3A_135 = tpu.memref_slice %arg23[%add3A_37, %dma_start3A_134] : memref<10240x16xf32, #tpu.memory_space<vmem_shared>> -> memref<64x16xf32, #tpu.memory_space<vmem_shared>>
      tpu.enqueue_dma source(%arg18 : memref<64x16xf32, #tpu.memory_space<vmem>>) target(%dma_start3A_135 : memref<64x16xf32, #tpu.memory_space<vmem_shared>>) target_semaphore(%run_scoped3A : memref<!tpu.dma_semaphore, #tpu.memory_space<semaphore_mem>>)
      %dma_wait3A_136 = arith.constant 0 : i32
      %dma_wait3A_137 = tpu.memref_slice %arg23[%add3A_37, %dma_wait3A_136] : memref<10240x16xf32, #tpu.memory_space<vmem_shared>> -> memref<64x16xf32, #tpu.memory_space<vmem_shared>>
      %dma_wait3A_138 = arith.constant 0 : i32
      %dma_wait3A_139 = tpu.memref_slice %arg23[%add3A_37, %dma_wait3A_138] : memref<10240x16xf32, #tpu.memory_space<vmem_shared>> -> memref<64x16xf32, #tpu.memory_space<vmem_shared>>
      tpu.wait_dma2 semaphore(%run_scoped3A : memref<!tpu.dma_semaphore, #tpu.memory_space<semaphore_mem>>) src(%arg18 : memref<64x16xf32, #tpu.memory_space<vmem>>) dst(%dma_wait3A_139 : memref<64x16xf32, #tpu.memory_space<vmem_shared>>)
      tpu.yield
    }) : () -> ()
    %mul3A_38 = arith.constant 640 : i32
    %mul3A_39 = arith.muli %arg1, %mul3A_38 : i32
    %add3A_40 = arith.constant 512 : i32
    %add3A_41 = arith.addi %mul3A_39, %add3A_40 : i32
    "tpu.region"() ({
      %run_scoped3A = tpu.sem_alloc : memref<!tpu.dma_semaphore, #tpu.memory_space<semaphore_mem>>
      %dma_start3A_132 = arith.constant 0 : i32
      %dma_start3A_133 = tpu.memref_slice %arg22[%add3A_41, %dma_start3A_132] : memref<10240x128xf32, #tpu.memory_space<vmem_shared>> -> memref<64x128xf32, #tpu.memory_space<vmem_shared>>
      %dma_start3A_134 = arith.constant 0 : i32
      %dma_start3A_135 = tpu.memref_slice %arg22[%add3A_41, %dma_start3A_134] : memref<10240x128xf32, #tpu.memory_space<vmem_shared>> -> memref<64x128xf32, #tpu.memory_space<vmem_shared>>
      tpu.enqueue_dma source(%arg19 : memref<64x128xf32, #tpu.memory_space<vmem>>) target(%dma_start3A_135 : memref<64x128xf32, #tpu.memory_space<vmem_shared>>) target_semaphore(%run_scoped3A : memref<!tpu.dma_semaphore, #tpu.memory_space<semaphore_mem>>)
      %dma_wait3A_136 = arith.constant 0 : i32
      %dma_wait3A_137 = tpu.memref_slice %arg22[%add3A_41, %dma_wait3A_136] : memref<10240x128xf32, #tpu.memory_space<vmem_shared>> -> memref<64x128xf32, #tpu.memory_space<vmem_shared>>
      %dma_wait3A_138 = arith.constant 0 : i32
      %dma_wait3A_139 = tpu.memref_slice %arg22[%add3A_41, %dma_wait3A_138] : memref<10240x128xf32, #tpu.memory_space<vmem_shared>> -> memref<64x128xf32, #tpu.memory_space<vmem_shared>>
      tpu.wait_dma2 semaphore(%run_scoped3A : memref<!tpu.dma_semaphore, #tpu.memory_space<semaphore_mem>>) src(%arg19 : memref<64x128xf32, #tpu.memory_space<vmem>>) dst(%dma_wait3A_139 : memref<64x128xf32, #tpu.memory_space<vmem_shared>>)
      tpu.yield
    }) : () -> ()
    "tpu.region"() ({
      %run_scoped3A = tpu.sem_alloc : memref<!tpu.dma_semaphore, #tpu.memory_space<semaphore_mem>>
      %dma_start3A_132 = arith.constant 0 : i32
      %dma_start3A_133 = tpu.memref_slice %arg23[%add3A_41, %dma_start3A_132] : memref<10240x16xf32, #tpu.memory_space<vmem_shared>> -> memref<64x16xf32, #tpu.memory_space<vmem_shared>>
      %dma_start3A_134 = arith.constant 0 : i32
      %dma_start3A_135 = tpu.memref_slice %arg23[%add3A_41, %dma_start3A_134] : memref<10240x16xf32, #tpu.memory_space<vmem_shared>> -> memref<64x16xf32, #tpu.memory_space<vmem_shared>>
      tpu.enqueue_dma source(%arg18 : memref<64x16xf32, #tpu.memory_space<vmem>>) target(%dma_start3A_135 : memref<64x16xf32, #tpu.memory_space<vmem_shared>>) target_semaphore(%run_scoped3A : memref<!tpu.dma_semaphore, #tpu.memory_space<semaphore_mem>>)
      %dma_wait3A_136 = arith.constant 0 : i32
      %dma_wait3A_137 = tpu.memref_slice %arg23[%add3A_41, %dma_wait3A_136] : memref<10240x16xf32, #tpu.memory_space<vmem_shared>> -> memref<64x16xf32, #tpu.memory_space<vmem_shared>>
      %dma_wait3A_138 = arith.constant 0 : i32
      %dma_wait3A_139 = tpu.memref_slice %arg23[%add3A_41, %dma_wait3A_138] : memref<10240x16xf32, #tpu.memory_space<vmem_shared>> -> memref<64x16xf32, #tpu.memory_space<vmem_shared>>
      tpu.wait_dma2 semaphore(%run_scoped3A : memref<!tpu.dma_semaphore, #tpu.memory_space<semaphore_mem>>) src(%arg18 : memref<64x16xf32, #tpu.memory_space<vmem>>) dst(%dma_wait3A_139 : memref<64x16xf32, #tpu.memory_space<vmem_shared>>)
      tpu.yield
    }) : () -> ()
    %mul3A_42 = arith.constant 640 : i32
    %mul3A_43 = arith.muli %arg1, %mul3A_42 : i32
    %add3A_44 = arith.constant 576 : i32
    %add3A_45 = arith.addi %mul3A_43, %add3A_44 : i32
    "tpu.region"() ({
      %run_scoped3A = tpu.sem_alloc : memref<!tpu.dma_semaphore, #tpu.memory_space<semaphore_mem>>
      %dma_start3A_132 = arith.constant 0 : i32
      %dma_start3A_133 = tpu.memref_slice %arg22[%add3A_45, %dma_start3A_132] : memref<10240x128xf32, #tpu.memory_space<vmem_shared>> -> memref<64x128xf32, #tpu.memory_space<vmem_shared>>
      %dma_start3A_134 = arith.constant 0 : i32
      %dma_start3A_135 = tpu.memref_slice %arg22[%add3A_45, %dma_start3A_134] : memref<10240x128xf32, #tpu.memory_space<vmem_shared>> -> memref<64x128xf32, #tpu.memory_space<vmem_shared>>
      tpu.enqueue_dma source(%arg19 : memref<64x128xf32, #tpu.memory_space<vmem>>) target(%dma_start3A_135 : memref<64x128xf32, #tpu.memory_space<vmem_shared>>) target_semaphore(%run_scoped3A : memref<!tpu.dma_semaphore, #tpu.memory_space<semaphore_mem>>)
      %dma_wait3A_136 = arith.constant 0 : i32
      %dma_wait3A_137 = tpu.memref_slice %arg22[%add3A_45, %dma_wait3A_136] : memref<10240x128xf32, #tpu.memory_space<vmem_shared>> -> memref<64x128xf32, #tpu.memory_space<vmem_shared>>
      %dma_wait3A_138 = arith.constant 0 : i32
      %dma_wait3A_139 = tpu.memref_slice %arg22[%add3A_45, %dma_wait3A_138] : memref<10240x128xf32, #tpu.memory_space<vmem_shared>> -> memref<64x128xf32, #tpu.memory_space<vmem_shared>>
      tpu.wait_dma2 semaphore(%run_scoped3A : memref<!tpu.dma_semaphore, #tpu.memory_space<semaphore_mem>>) src(%arg19 : memref<64x128xf32, #tpu.memory_space<vmem>>) dst(%dma_wait3A_139 : memref<64x128xf32, #tpu.memory_space<vmem_shared>>)
      tpu.yield
    }) : () -> ()
    "tpu.region"() ({
      %run_scoped3A = tpu.sem_alloc : memref<!tpu.dma_semaphore, #tpu.memory_space<semaphore_mem>>
      %dma_start3A_132 = arith.constant 0 : i32
      %dma_start3A_133 = tpu.memref_slice %arg23[%add3A_45, %dma_start3A_132] : memref<10240x16xf32, #tpu.memory_space<vmem_shared>> -> memref<64x16xf32, #tpu.memory_space<vmem_shared>>
      %dma_start3A_134 = arith.constant 0 : i32
      %dma_start3A_135 = tpu.memref_slice %arg23[%add3A_45, %dma_start3A_134] : memref<10240x16xf32, #tpu.memory_space<vmem_shared>> -> memref<64x16xf32, #tpu.memory_space<vmem_shared>>
      tpu.enqueue_dma source(%arg18 : memref<64x16xf32, #tpu.memory_space<vmem>>) target(%dma_start3A_135 : memref<64x16xf32, #tpu.memory_space<vmem_shared>>) target_semaphore(%run_scoped3A : memref<!tpu.dma_semaphore, #tpu.memory_space<semaphore_mem>>)
      %dma_wait3A_136 = arith.constant 0 : i32
      %dma_wait3A_137 = tpu.memref_slice %arg23[%add3A_45, %dma_wait3A_136] : memref<10240x16xf32, #tpu.memory_space<vmem_shared>> -> memref<64x16xf32, #tpu.memory_space<vmem_shared>>
      %dma_wait3A_138 = arith.constant 0 : i32
      %dma_wait3A_139 = tpu.memref_slice %arg23[%add3A_45, %dma_wait3A_138] : memref<10240x16xf32, #tpu.memory_space<vmem_shared>> -> memref<64x16xf32, #tpu.memory_space<vmem_shared>>
      tpu.wait_dma2 semaphore(%run_scoped3A : memref<!tpu.dma_semaphore, #tpu.memory_space<semaphore_mem>>) src(%arg18 : memref<64x16xf32, #tpu.memory_space<vmem>>) dst(%dma_wait3A_139 : memref<64x16xf32, #tpu.memory_space<vmem_shared>>)
      tpu.yield
    }) : () -> ()
    %barrier3A = arith.constant 0 : index
    tpu.barrier barrier_id(%barrier3A)
    "tpu.region"() ({
      %run_scoped3A = tpu.sem_alloc : memref<!tpu.dma_semaphore, #tpu.memory_space<semaphore_mem>>
      %dma_start3A_132 = arith.constant 0 : i32
      %dma_start3A_133 = arith.constant 0 : i32
      %dma_start3A_134 = tpu.memref_slice %arg4[%add3A, %dma_start3A_132, %dma_start3A_133] : memref<32x84x64xi32, #tpu.memory_space<hbm>> -> memref<1x84x64xi32, #tpu.memory_space<hbm>>
      %dma_start3A_135 = tpu.memref_squeeze %dma_start3A_134 : memref<1x84x64xi32, #tpu.memory_space<hbm>> -> memref<84x64xi32, #tpu.memory_space<hbm>>
      %dma_start3A_136 = arith.constant 0 : i32
      %dma_start3A_137 = arith.constant 0 : i32
      %dma_start3A_138 = tpu.memref_slice %arg4[%add3A, %dma_start3A_136, %dma_start3A_137] : memref<32x84x64xi32, #tpu.memory_space<hbm>> -> memref<1x84x64xi32, #tpu.memory_space<hbm>>
      %dma_start3A_139 = tpu.memref_squeeze %dma_start3A_138 : memref<1x84x64xi32, #tpu.memory_space<hbm>> -> memref<84x64xi32, #tpu.memory_space<hbm>>
      tpu.enqueue_dma source(%dma_start3A_139 : memref<84x64xi32, #tpu.memory_space<hbm>>) target(%arg11 : memref<84x64xi32, #tpu.memory_space<vmem>>) target_semaphore(%run_scoped3A : memref<!tpu.dma_semaphore, #tpu.memory_space<semaphore_mem>>)
      %dma_wait3A_140 = arith.constant 0 : i32
      %dma_wait3A_141 = arith.constant 0 : i32
      %dma_wait3A_142 = tpu.memref_slice %arg4[%add3A, %dma_wait3A_140, %dma_wait3A_141] : memref<32x84x64xi32, #tpu.memory_space<hbm>> -> memref<1x84x64xi32, #tpu.memory_space<hbm>>
      %dma_wait3A_143 = tpu.memref_squeeze %dma_wait3A_142 : memref<1x84x64xi32, #tpu.memory_space<hbm>> -> memref<84x64xi32, #tpu.memory_space<hbm>>
      %dma_wait3A_144 = arith.constant 0 : i32
      %dma_wait3A_145 = arith.constant 0 : i32
      %dma_wait3A_146 = tpu.memref_slice %arg4[%add3A, %dma_wait3A_144, %dma_wait3A_145] : memref<32x84x64xi32, #tpu.memory_space<hbm>> -> memref<1x84x64xi32, #tpu.memory_space<hbm>>
      %dma_wait3A_147 = tpu.memref_squeeze %dma_wait3A_146 : memref<1x84x64xi32, #tpu.memory_space<hbm>> -> memref<84x64xi32, #tpu.memory_space<hbm>>
      tpu.wait_dma2 semaphore(%run_scoped3A : memref<!tpu.dma_semaphore, #tpu.memory_space<semaphore_mem>>) src(%dma_wait3A_147 : memref<84x64xi32, #tpu.memory_space<hbm>>) dst(%arg11 : memref<84x64xi32, #tpu.memory_space<vmem>>)
      tpu.yield
    }) : () -> ()
    "tpu.region"() ({
      %run_scoped3A = tpu.sem_alloc : memref<!tpu.dma_semaphore, #tpu.memory_space<semaphore_mem>>
      %dma_start3A_132 = arith.constant 0 : i32
      %dma_start3A_133 = arith.constant 0 : i32
      %dma_start3A_134 = tpu.memref_slice %arg2[%add3A, %dma_start3A_132, %dma_start3A_133] : memref<32x84x64xi32, #tpu.memory_space<hbm>> -> memref<1x84x64xi32, #tpu.memory_space<hbm>>
      %dma_start3A_135 = tpu.memref_squeeze %dma_start3A_134 : memref<1x84x64xi32, #tpu.memory_space<hbm>> -> memref<84x64xi32, #tpu.memory_space<hbm>>
      %dma_start3A_136 = arith.constant 0 : i32
      %dma_start3A_137 = arith.constant 0 : i32
      %dma_start3A_138 = tpu.memref_slice %arg2[%add3A, %dma_start3A_136, %dma_start3A_137] : memref<32x84x64xi32, #tpu.memory_space<hbm>> -> memref<1x84x64xi32, #tpu.memory_space<hbm>>
      %dma_start3A_139 = tpu.memref_squeeze %dma_start3A_138 : memref<1x84x64xi32, #tpu.memory_space<hbm>> -> memref<84x64xi32, #tpu.memory_space<hbm>>
      tpu.enqueue_dma source(%dma_start3A_139 : memref<84x64xi32, #tpu.memory_space<hbm>>) target(%arg12 : memref<84x64xi32, #tpu.memory_space<vmem>>) target_semaphore(%run_scoped3A : memref<!tpu.dma_semaphore, #tpu.memory_space<semaphore_mem>>)
      %dma_wait3A_140 = arith.constant 0 : i32
      %dma_wait3A_141 = arith.constant 0 : i32
      %dma_wait3A_142 = tpu.memref_slice %arg2[%add3A, %dma_wait3A_140, %dma_wait3A_141] : memref<32x84x64xi32, #tpu.memory_space<hbm>> -> memref<1x84x64xi32, #tpu.memory_space<hbm>>
      %dma_wait3A_143 = tpu.memref_squeeze %dma_wait3A_142 : memref<1x84x64xi32, #tpu.memory_space<hbm>> -> memref<84x64xi32, #tpu.memory_space<hbm>>
      %dma_wait3A_144 = arith.constant 0 : i32
      %dma_wait3A_145 = arith.constant 0 : i32
      %dma_wait3A_146 = tpu.memref_slice %arg2[%add3A, %dma_wait3A_144, %dma_wait3A_145] : memref<32x84x64xi32, #tpu.memory_space<hbm>> -> memref<1x84x64xi32, #tpu.memory_space<hbm>>
      %dma_wait3A_147 = tpu.memref_squeeze %dma_wait3A_146 : memref<1x84x64xi32, #tpu.memory_space<hbm>> -> memref<84x64xi32, #tpu.memory_space<hbm>>
      tpu.wait_dma2 semaphore(%run_scoped3A : memref<!tpu.dma_semaphore, #tpu.memory_space<semaphore_mem>>) src(%dma_wait3A_147 : memref<84x64xi32, #tpu.memory_space<hbm>>) dst(%arg12 : memref<84x64xi32, #tpu.memory_space<vmem>>)
      tpu.yield
    }) : () -> ()
    "tpu.region"() ({
      %run_scoped3A = tpu.sem_alloc : memref<!tpu.dma_semaphore, #tpu.memory_space<semaphore_mem>>
      %dma_start3A_132 = arith.constant 0 : i32
      %dma_start3A_133 = arith.constant 0 : i32
      %dma_start3A_134 = tpu.memref_slice %arg3[%add3A, %dma_start3A_132, %dma_start3A_133] : memref<32x84x64xi32, #tpu.memory_space<hbm>> -> memref<1x84x64xi32, #tpu.memory_space<hbm>>
      %dma_start3A_135 = tpu.memref_squeeze %dma_start3A_134 : memref<1x84x64xi32, #tpu.memory_space<hbm>> -> memref<84x64xi32, #tpu.memory_space<hbm>>
      %dma_start3A_136 = arith.constant 0 : i32
      %dma_start3A_137 = arith.constant 0 : i32
      %dma_start3A_138 = tpu.memref_slice %arg3[%add3A, %dma_start3A_136, %dma_start3A_137] : memref<32x84x64xi32, #tpu.memory_space<hbm>> -> memref<1x84x64xi32, #tpu.memory_space<hbm>>
      %dma_start3A_139 = tpu.memref_squeeze %dma_start3A_138 : memref<1x84x64xi32, #tpu.memory_space<hbm>> -> memref<84x64xi32, #tpu.memory_space<hbm>>
      tpu.enqueue_dma source(%dma_start3A_139 : memref<84x64xi32, #tpu.memory_space<hbm>>) target(%arg13 : memref<84x64xi32, #tpu.memory_space<vmem>>) target_semaphore(%run_scoped3A : memref<!tpu.dma_semaphore, #tpu.memory_space<semaphore_mem>>)
      %dma_wait3A_140 = arith.constant 0 : i32
      %dma_wait3A_141 = arith.constant 0 : i32
      %dma_wait3A_142 = tpu.memref_slice %arg3[%add3A, %dma_wait3A_140, %dma_wait3A_141] : memref<32x84x64xi32, #tpu.memory_space<hbm>> -> memref<1x84x64xi32, #tpu.memory_space<hbm>>
      %dma_wait3A_143 = tpu.memref_squeeze %dma_wait3A_142 : memref<1x84x64xi32, #tpu.memory_space<hbm>> -> memref<84x64xi32, #tpu.memory_space<hbm>>
      %dma_wait3A_144 = arith.constant 0 : i32
      %dma_wait3A_145 = arith.constant 0 : i32
      %dma_wait3A_146 = tpu.memref_slice %arg3[%add3A, %dma_wait3A_144, %dma_wait3A_145] : memref<32x84x64xi32, #tpu.memory_space<hbm>> -> memref<1x84x64xi32, #tpu.memory_space<hbm>>
      %dma_wait3A_147 = tpu.memref_squeeze %dma_wait3A_146 : memref<1x84x64xi32, #tpu.memory_space<hbm>> -> memref<84x64xi32, #tpu.memory_space<hbm>>
      tpu.wait_dma2 semaphore(%run_scoped3A : memref<!tpu.dma_semaphore, #tpu.memory_space<semaphore_mem>>) src(%dma_wait3A_147 : memref<84x64xi32, #tpu.memory_space<hbm>>) dst(%arg13 : memref<84x64xi32, #tpu.memory_space<vmem>>)
      tpu.yield
    }) : () -> ()
    %dma_start3A = arith.constant 0 : i32
    %dma_start3A_46 = arith.constant 0 : i32
    %dma_start3A_47 = tpu.memref_slice %arg12[%dma_start3A, %dma_start3A_46] : memref<84x64xi32, #tpu.memory_space<vmem>> -> memref<1x64xi32, #tpu.memory_space<vmem>>
    %dma_start3A_48 = tpu.memref_squeeze %dma_start3A_47 : memref<1x64xi32, #tpu.memory_space<vmem>> -> memref<64xi32, #tpu.memory_space<vmem>>
    %dma_start3A_49 = arith.constant 0 : i32
    %dma_start3A_50 = arith.constant 0 : i32
    %dma_start3A_51 = tpu.memref_slice %arg6[%dma_start3A_49, %dma_start3A_50] : memref<92160x16xf32, #tpu.memory_space<hbm>> -> memref<92160x16xf32, #tpu.memory_space<hbm>>
    tpu.enqueue_indirect_dma source(%dma_start3A_51 : memref<92160x16xf32, #tpu.memory_space<hbm>>) target(%arg14 : memref<64x16xf32, #tpu.memory_space<vmem>>) offsets(%dma_start3A_48 : memref<64xi32, #tpu.memory_space<vmem>>) semaphore(%arg24 : memref<!tpu.dma_semaphore, #tpu.memory_space<semaphore_mem>>)
    %dma_start3A_52 = arith.constant 0 : i32
    %dma_start3A_53 = arith.constant 0 : i32
    %dma_start3A_54 = tpu.memref_slice %arg13[%dma_start3A_52, %dma_start3A_53] : memref<84x64xi32, #tpu.memory_space<vmem>> -> memref<1x64xi32, #tpu.memory_space<vmem>>
    %dma_start3A_55 = tpu.memref_squeeze %dma_start3A_54 : memref<1x64xi32, #tpu.memory_space<vmem>> -> memref<64xi32, #tpu.memory_space<vmem>>
    %dma_start3A_56 = arith.constant 0 : i32
    %dma_start3A_57 = arith.constant 0 : i32
    %dma_start3A_58 = tpu.memref_slice %arg7[%dma_start3A_56, %dma_start3A_57] : memref<92160x16xf32, #tpu.memory_space<hbm>> -> memref<92160x16xf32, #tpu.memory_space<hbm>>
    tpu.enqueue_indirect_dma source(%dma_start3A_58 : memref<92160x16xf32, #tpu.memory_space<hbm>>) target(%arg16 : memref<64x16xf32, #tpu.memory_space<vmem>>) offsets(%dma_start3A_55 : memref<64xi32, #tpu.memory_space<vmem>>) semaphore(%arg24 : memref<!tpu.dma_semaphore, #tpu.memory_space<semaphore_mem>>)
    %dma_start3A_59 = arith.constant 0 : i32
    %dma_start3A_60 = arith.constant 0 : i32
    %dma_start3A_61 = tpu.memref_slice %arg12[%dma_start3A_59, %dma_start3A_60] : memref<84x64xi32, #tpu.memory_space<vmem>> -> memref<1x64xi32, #tpu.memory_space<vmem>>
    %dma_start3A_62 = tpu.memref_squeeze %dma_start3A_61 : memref<1x64xi32, #tpu.memory_space<vmem>> -> memref<64xi32, #tpu.memory_space<vmem>>
    %dma_start3A_63 = arith.constant 0 : i32
    %dma_start3A_64 = arith.constant 0 : i32
    %dma_start3A_65 = tpu.memref_slice %arg8[%dma_start3A_63, %dma_start3A_64] : memref<92160x128xf32, #tpu.memory_space<hbm>> -> memref<92160x128xf32, #tpu.memory_space<hbm>>
    tpu.enqueue_indirect_dma source(%dma_start3A_65 : memref<92160x128xf32, #tpu.memory_space<hbm>>) target(%arg19 : memref<64x128xf32, #tpu.memory_space<vmem>>) offsets(%dma_start3A_62 : memref<64xi32, #tpu.memory_space<vmem>>) semaphore(%arg26 : memref<!tpu.dma_semaphore, #tpu.memory_space<semaphore_mem>>)
    %scan3A_66 = arith.constant 0 : i32
    %scan3A_67 = arith.constant 42 : i32
    %scan3A_68 = arith.addi %scan3A_66, %scan3A_67 : i32
    %scan3A_69 = arith.constant 1 : i32
    scf.for %scan3A_132 = %scan3A_66 to %scan3A_68 step %scan3A_69  : i32 {
      %mul3A_133 = arith.constant 2 : i32
      %mul3A_134 = arith.muli %scan3A_132, %mul3A_133 : i32
      %add3A_135 = arith.constant 0 : i32
      %add3A_136 = arith.addi %mul3A_134, %add3A_135 : i32
      %add3A_137 = arith.constant 1 : i32
      %add3A_138 = arith.addi %add3A_136, %add3A_137 : i32
      %min3A = arith.constant 83 : i32
      %min3A_139 = arith.minsi %add3A_138, %min3A : i32
      %dma_start3A_140 = arith.constant 0 : i32
      %dma_start3A_141 = tpu.memref_slice %arg12[%min3A_139, %dma_start3A_140] : memref<84x64xi32, #tpu.memory_space<vmem>> -> memref<1x64xi32, #tpu.memory_space<vmem>>
      %dma_start3A_142 = tpu.memref_squeeze %dma_start3A_141 : memref<1x64xi32, #tpu.memory_space<vmem>> -> memref<64xi32, #tpu.memory_space<vmem>>
      %dma_start3A_143 = arith.constant 0 : i32
      %dma_start3A_144 = arith.constant 0 : i32
      %dma_start3A_145 = tpu.memref_slice %arg6[%dma_start3A_143, %dma_start3A_144] : memref<92160x16xf32, #tpu.memory_space<hbm>> -> memref<92160x16xf32, #tpu.memory_space<hbm>>
      tpu.enqueue_indirect_dma source(%dma_start3A_145 : memref<92160x16xf32, #tpu.memory_space<hbm>>) target(%arg15 : memref<64x16xf32, #tpu.memory_space<vmem>>) offsets(%dma_start3A_142 : memref<64xi32, #tpu.memory_space<vmem>>) semaphore(%arg25 : memref<!tpu.dma_semaphore, #tpu.memory_space<semaphore_mem>>)
      %dma_start3A_146 = arith.constant 0 : i32
      %dma_start3A_147 = tpu.memref_slice %arg13[%min3A_139, %dma_start3A_146] : memref<84x64xi32, #tpu.memory_space<vmem>> -> memref<1x64xi32, #tpu.memory_space<vmem>>
      %dma_start3A_148 = tpu.memref_squeeze %dma_start3A_147 : memref<1x64xi32, #tpu.memory_space<vmem>> -> memref<64xi32, #tpu.memory_space<vmem>>
      %dma_start3A_149 = arith.constant 0 : i32
      %dma_start3A_150 = arith.constant 0 : i32
      %dma_start3A_151 = tpu.memref_slice %arg7[%dma_start3A_149, %dma_start3A_150] : memref<92160x16xf32, #tpu.memory_space<hbm>> -> memref<92160x16xf32, #tpu.memory_space<hbm>>
      tpu.enqueue_indirect_dma source(%dma_start3A_151 : memref<92160x16xf32, #tpu.memory_space<hbm>>) target(%arg17 : memref<64x16xf32, #tpu.memory_space<vmem>>) offsets(%dma_start3A_148 : memref<64xi32, #tpu.memory_space<vmem>>) semaphore(%arg25 : memref<!tpu.dma_semaphore, #tpu.memory_space<semaphore_mem>>)
      %dma_start3A_152 = arith.constant 0 : i32
      %dma_start3A_153 = tpu.memref_slice %arg12[%min3A_139, %dma_start3A_152] : memref<84x64xi32, #tpu.memory_space<vmem>> -> memref<1x64xi32, #tpu.memory_space<vmem>>
      %dma_start3A_154 = tpu.memref_squeeze %dma_start3A_153 : memref<1x64xi32, #tpu.memory_space<vmem>> -> memref<64xi32, #tpu.memory_space<vmem>>
      %dma_start3A_155 = arith.constant 0 : i32
      %dma_start3A_156 = arith.constant 0 : i32
      %dma_start3A_157 = tpu.memref_slice %arg8[%dma_start3A_155, %dma_start3A_156] : memref<92160x128xf32, #tpu.memory_space<hbm>> -> memref<92160x128xf32, #tpu.memory_space<hbm>>
      tpu.enqueue_indirect_dma source(%dma_start3A_157 : memref<92160x128xf32, #tpu.memory_space<hbm>>) target(%arg20 : memref<64x128xf32, #tpu.memory_space<vmem>>) offsets(%dma_start3A_154 : memref<64xi32, #tpu.memory_space<vmem>>) semaphore(%arg27 : memref<!tpu.dma_semaphore, #tpu.memory_space<semaphore_mem>>)
      "tpu.region"() ({
        %run_scoped3A = tpu.sem_alloc : memref<!tpu.dma_semaphore, #tpu.memory_space<semaphore_mem>>
        %dma_start3A_230 = arith.constant 0 : i32
        %dma_start3A_231 = arith.constant 0 : i32
        %dma_start3A_232 = tpu.memref_slice %arg5[%add3A, %add3A_136, %dma_start3A_230, %dma_start3A_231] : memref<32x84x64x16xf32, #tpu.memory_space<hbm>> -> memref<1x1x64x16xf32, #tpu.memory_space<hbm>>
        %dma_start3A_233 = tpu.memref_squeeze %dma_start3A_232 : memref<1x1x64x16xf32, #tpu.memory_space<hbm>> -> memref<64x16xf32, #tpu.memory_space<hbm>>
        %dma_start3A_234 = arith.constant 0 : i32
        %dma_start3A_235 = arith.constant 0 : i32
        %dma_start3A_236 = tpu.memref_slice %arg5[%add3A, %add3A_136, %dma_start3A_234, %dma_start3A_235] : memref<32x84x64x16xf32, #tpu.memory_space<hbm>> -> memref<1x1x64x16xf32, #tpu.memory_space<hbm>>
        %dma_start3A_237 = tpu.memref_squeeze %dma_start3A_236 : memref<1x1x64x16xf32, #tpu.memory_space<hbm>> -> memref<64x16xf32, #tpu.memory_space<hbm>>
        tpu.enqueue_dma source(%dma_start3A_237 : memref<64x16xf32, #tpu.memory_space<hbm>>) target(%arg21 : memref<64x16xf32, #tpu.memory_space<vmem>>) target_semaphore(%run_scoped3A : memref<!tpu.dma_semaphore, #tpu.memory_space<semaphore_mem>>)
        %dma_wait3A_238 = arith.constant 0 : i32
        %dma_wait3A_239 = arith.constant 0 : i32
        %dma_wait3A_240 = tpu.memref_slice %arg5[%add3A, %add3A_136, %dma_wait3A_238, %dma_wait3A_239] : memref<32x84x64x16xf32, #tpu.memory_space<hbm>> -> memref<1x1x64x16xf32, #tpu.memory_space<hbm>>
        %dma_wait3A_241 = tpu.memref_squeeze %dma_wait3A_240 : memref<1x1x64x16xf32, #tpu.memory_space<hbm>> -> memref<64x16xf32, #tpu.memory_space<hbm>>
        %dma_wait3A_242 = arith.constant 0 : i32
        %dma_wait3A_243 = arith.constant 0 : i32
        %dma_wait3A_244 = tpu.memref_slice %arg5[%add3A, %add3A_136, %dma_wait3A_242, %dma_wait3A_243] : memref<32x84x64x16xf32, #tpu.memory_space<hbm>> -> memref<1x1x64x16xf32, #tpu.memory_space<hbm>>
        %dma_wait3A_245 = tpu.memref_squeeze %dma_wait3A_244 : memref<1x1x64x16xf32, #tpu.memory_space<hbm>> -> memref<64x16xf32, #tpu.memory_space<hbm>>
        tpu.wait_dma2 semaphore(%run_scoped3A : memref<!tpu.dma_semaphore, #tpu.memory_space<semaphore_mem>>) src(%dma_wait3A_245 : memref<64x16xf32, #tpu.memory_space<hbm>>) dst(%arg21 : memref<64x16xf32, #tpu.memory_space<vmem>>)
        tpu.yield
      }) : () -> ()
      %dma_wait3A_158 = arith.constant 0 : i32
      %dma_wait3A_159 = tpu.memref_slice %arg12[%add3A_136, %dma_wait3A_158] : memref<84x64xi32, #tpu.memory_space<vmem>> -> memref<1x64xi32, #tpu.memory_space<vmem>>
      %dma_wait3A_160 = tpu.memref_squeeze %dma_wait3A_159 : memref<1x64xi32, #tpu.memory_space<vmem>> -> memref<64xi32, #tpu.memory_space<vmem>>
      %dma_wait3A_161 = arith.constant 0 : i32
      %dma_wait3A_162 = arith.constant 0 : i32
      %dma_wait3A_163 = tpu.memref_slice %arg6[%dma_wait3A_161, %dma_wait3A_162] : memref<92160x16xf32, #tpu.memory_space<hbm>> -> memref<92160x16xf32, #tpu.memory_space<hbm>>
      tpu.wait_indirect_dma semaphore(%arg24 : memref<!tpu.dma_semaphore, #tpu.memory_space<semaphore_mem>>) src(%dma_wait3A_163 : memref<92160x16xf32, #tpu.memory_space<hbm>>) dst(%arg14 : memref<64x16xf32, #tpu.memory_space<vmem>>)
      %dma_wait3A_164 = arith.constant 0 : i32
      %dma_wait3A_165 = tpu.memref_slice %arg13[%add3A_136, %dma_wait3A_164] : memref<84x64xi32, #tpu.memory_space<vmem>> -> memref<1x64xi32, #tpu.memory_space<vmem>>
      %dma_wait3A_166 = tpu.memref_squeeze %dma_wait3A_165 : memref<1x64xi32, #tpu.memory_space<vmem>> -> memref<64xi32, #tpu.memory_space<vmem>>
      %dma_wait3A_167 = arith.constant 0 : i32
      %dma_wait3A_168 = arith.constant 0 : i32
      %dma_wait3A_169 = tpu.memref_slice %arg7[%dma_wait3A_167, %dma_wait3A_168] : memref<92160x16xf32, #tpu.memory_space<hbm>> -> memref<92160x16xf32, #tpu.memory_space<hbm>>
      tpu.wait_indirect_dma semaphore(%arg24 : memref<!tpu.dma_semaphore, #tpu.memory_space<semaphore_mem>>) src(%dma_wait3A_169 : memref<92160x16xf32, #tpu.memory_space<hbm>>) dst(%arg16 : memref<64x16xf32, #tpu.memory_space<vmem>>)
      %dma_wait3A_170 = arith.constant 0 : i32
      %dma_wait3A_171 = tpu.memref_slice %arg12[%add3A_136, %dma_wait3A_170] : memref<84x64xi32, #tpu.memory_space<vmem>> -> memref<1x64xi32, #tpu.memory_space<vmem>>
      %dma_wait3A_172 = tpu.memref_squeeze %dma_wait3A_171 : memref<1x64xi32, #tpu.memory_space<vmem>> -> memref<64xi32, #tpu.memory_space<vmem>>
      %dma_wait3A_173 = arith.constant 0 : i32
      %dma_wait3A_174 = arith.constant 0 : i32
      %dma_wait3A_175 = tpu.memref_slice %arg8[%dma_wait3A_173, %dma_wait3A_174] : memref<92160x128xf32, #tpu.memory_space<hbm>> -> memref<92160x128xf32, #tpu.memory_space<hbm>>
      tpu.wait_indirect_dma semaphore(%arg26 : memref<!tpu.dma_semaphore, #tpu.memory_space<semaphore_mem>>) src(%dma_wait3A_175 : memref<92160x128xf32, #tpu.memory_space<hbm>>) dst(%arg19 : memref<64x128xf32, #tpu.memory_space<vmem>>)
      %scan3A_176 = arith.constant 0 : i32
      %scan3A_177 = arith.constant 32 : i32
      %scan3A_178 = arith.addi %scan3A_176, %scan3A_177 : i32
      %scan3A_179 = arith.constant 1 : i32
      scf.for %scan3A_230 = %scan3A_176 to %scan3A_178 step %scan3A_179  : i32 {
        %mul3A_231 = arith.constant 2 : i32
        %mul3A_232 = arith.muli %scan3A_230, %mul3A_231 : i32
        %add3A_233 = arith.constant 0 : i32
        %add3A_234 = arith.addi %mul3A_232, %add3A_233 : i32
        %get3A = arith.index_cast %add3A_234 : i32 to index
        %get3A_235 = arith.constant 0 : index
        %get3A_236 = tpu.vector_load %arg14[%get3A, %get3A_235] {strides = array<i32>} : memref<64x16xf32, #tpu.memory_space<vmem>>, vector<1x16xf32>,
        %get3A_237 = vector.shape_cast %get3A_236 : vector<1x16xf32> to vector<16xf32>
        %get3A_238 = arith.index_cast %add3A_234 : i32 to index
        %get3A_239 = arith.constant 0 : index
        %get3A_240 = tpu.vector_load %arg16[%get3A_238, %get3A_239] {strides = array<i32>} : memref<64x16xf32, #tpu.memory_space<vmem>>, vector<1x16xf32>,
        %get3A_241 = vector.shape_cast %get3A_240 : vector<1x16xf32> to vector<16xf32>
        %add3A_242 = arith.addf %get3A_237, %get3A_241 : vector<16xf32>
        %ge3A = arith.constant 0.000000e+00 : f32
        %ge3A_243 = vector.broadcast %ge3A : f32 to vector<16xf32>
        %ge3A_244 = arith.cmpf oge, %add3A_242, %ge3A_243 : vector<16xf32>
        %mul3A_245 = arith.constant 2.000000e-01 : f32
        %mul3A_246 = vector.broadcast %mul3A_245 : f32 to vector<16xf32>
        %mul3A_247 = arith.mulf %add3A_242, %mul3A_246 : vector<16xf32>
        %select_n3A = arith.select %ge3A_244, %add3A_242, %mul3A_247 : vector<16xi1>, vector<16xf32>
        %exp3A = math.exp %select_n3A : vector<16xf32>
        %get3A_248 = arith.index_cast %add3A_234 : i32 to index
        %get3A_249 = arith.constant 0 : index
        %get3A_250 = tpu.vector_load %arg21[%get3A_248, %get3A_249] {strides = array<i32>} : memref<64x16xf32, #tpu.memory_space<vmem>>, vector<1x16xf32>,
        %get3A_251 = vector.shape_cast %get3A_250 : vector<1x16xf32> to vector<16xf32>
        %mul3A_252 = arith.mulf %exp3A, %get3A_251 : vector<16xf32>
        %swap3A = arith.index_cast %add3A_234 : i32 to index
        %swap3A_253 = arith.constant 0 : index
        %swap3A_254 = tpu.vector_load %arg18[%swap3A, %swap3A_253] {strides = array<i32>} : memref<64x16xf32, #tpu.memory_space<vmem>>, vector<1x16xf32>,
        %swap3A_255 = vector.shape_cast %swap3A_254 : vector<1x16xf32> to vector<16xf32>
        %swap3A_256 = vector.shape_cast %mul3A_252 : vector<16xf32> to vector<1x16xf32>
        tpu.vector_store %arg18[%swap3A, %swap3A_253], %swap3A_256 {strides = array<i32>} : memref<64x16xf32, #tpu.memory_space<vmem>>, vector<1x16xf32>,
        %broadcast_in_dim3A_257 = arith.constant 0 : i32
        %broadcast_in_dim3A_258 = vector.broadcast %broadcast_in_dim3A_257 : i32 to vector<16x1xi32>
        %gather3A = vector.shape_cast %broadcast_in_dim3A_258 : vector<16x1xi32> to vector<16xi32>
        %gather3A_259 = tpu.dynamic_gather %mul3A_252[%gather3A] in [0] : vector<16xf32>, vector<16xi32> -> vector<16xf32>
        %get3A_260 = arith.index_cast %add3A_234 : i32 to index
        %get3A_261 = arith.constant 0 : index
        %get3A_262 = tpu.vector_load %arg19[%get3A_260, %get3A_261] {strides = array<i32>} : memref<64x128xf32, #tpu.memory_space<vmem>>, vector<1x16xf32>,
        %get3A_263 = vector.shape_cast %get3A_262 : vector<1x16xf32> to vector<16xf32>
        %mul3A_264 = arith.mulf %get3A_263, %gather3A_259 : vector<16xf32>
        %swap3A_265 = arith.index_cast %add3A_234 : i32 to index
        %swap3A_266 = arith.constant 0 : index
        %swap3A_267 = tpu.vector_load %arg19[%swap3A_265, %swap3A_266] {strides = array<i32>} : memref<64x128xf32, #tpu.memory_space<vmem>>, vector<1x16xf32>,
        %swap3A_268 = vector.shape_cast %swap3A_267 : vector<1x16xf32> to vector<16xf32>
        %swap3A_269 = vector.shape_cast %mul3A_264 : vector<16xf32> to vector<1x16xf32>
        tpu.vector_store %arg19[%swap3A_265, %swap3A_266], %swap3A_269 {strides = array<i32>} : memref<64x128xf32, #tpu.memory_space<vmem>>, vector<1x16xf32>,
        %get3A_270 = arith.index_cast %add3A_234 : i32 to index
        %get3A_271 = arith.constant 16 : index
        %get3A_272 = tpu.vector_load %arg19[%get3A_270, %get3A_271] {strides = array<i32>} : memref<64x128xf32, #tpu.memory_space<vmem>>, vector<1x16xf32>,
        %get3A_273 = vector.shape_cast %get3A_272 : vector<1x16xf32> to vector<16xf32>
        %mul3A_274 = arith.mulf %get3A_273, %gather3A_259 : vector<16xf32>
        %swap3A_275 = arith.index_cast %add3A_234 : i32 to index
        %swap3A_276 = arith.constant 16 : index
        %swap3A_277 = tpu.vector_load %arg19[%swap3A_275, %swap3A_276] {strides = array<i32>} : memref<64x128xf32, #tpu.memory_space<vmem>>, vector<1x16xf32>,
        %swap3A_278 = vector.shape_cast %swap3A_277 : vector<1x16xf32> to vector<16xf32>
        %swap3A_279 = vector.shape_cast %mul3A_274 : vector<16xf32> to vector<1x16xf32>
        tpu.vector_store %arg19[%swap3A_275, %swap3A_276], %swap3A_279 {strides = array<i32>} : memref<64x128xf32, #tpu.memory_space<vmem>>, vector<1x16xf32>,
        %broadcast_in_dim3A_280 = arith.constant 1 : i32
        %broadcast_in_dim3A_281 = vector.broadcast %broadcast_in_dim3A_280 : i32 to vector<16x1xi32>
        %gather3A_282 = vector.shape_cast %broadcast_in_dim3A_281 : vector<16x1xi32> to vector<16xi32>
        %gather3A_283 = tpu.dynamic_gather %mul3A_252[%gather3A_282] in [0] : vector<16xf32>, vector<16xi32> -> vector<16xf32>
        %get3A_284 = arith.index_cast %add3A_234 : i32 to index
        %get3A_285 = arith.constant 32 : index
        %get3A_286 = tpu.vector_load %arg19[%get3A_284, %get3A_285] {strides = array<i32>} : memref<64x128xf32, #tpu.memory_space<vmem>>, vector<1x16xf32>,
        %get3A_287 = vector.shape_cast %get3A_286 : vector<1x16xf32> to vector<16xf32>
        %mul3A_288 = arith.mulf %get3A_287, %gather3A_283 : vector<16xf32>
        %swap3A_289 = arith.index_cast %add3A_234 : i32 to index
        %swap3A_290 = arith.constant 32 : index
        %swap3A_291 = tpu.vector_load %arg19[%swap3A_289, %swap3A_290] {strides = array<i32>} : memref<64x128xf32, #tpu.memory_space<vmem>>, vector<1x16xf32>,
        %swap3A_292 = vector.shape_cast %swap3A_291 : vector<1x16xf32> to vector<16xf32>
        %swap3A_293 = vector.shape_cast %mul3A_288 : vector<16xf32> to vector<1x16xf32>
        tpu.vector_store %arg19[%swap3A_289, %swap3A_290], %swap3A_293 {strides = array<i32>} : memref<64x128xf32, #tpu.memory_space<vmem>>, vector<1x16xf32>,
        %get3A_294 = arith.index_cast %add3A_234 : i32 to index
        %get3A_295 = arith.constant 48 : index
        %get3A_296 = tpu.vector_load %arg19[%get3A_294, %get3A_295] {strides = array<i32>} : memref<64x128xf32, #tpu.memory_space<vmem>>, vector<1x16xf32>,
        %get3A_297 = vector.shape_cast %get3A_296 : vector<1x16xf32> to vector<16xf32>
        %mul3A_298 = arith.mulf %get3A_297, %gather3A_283 : vector<16xf32>
        %swap3A_299 = arith.index_cast %add3A_234 : i32 to index
        %swap3A_300 = arith.constant 48 : index
        %swap3A_301 = tpu.vector_load %arg19[%swap3A_299, %swap3A_300] {strides = array<i32>} : memref<64x128xf32, #tpu.memory_space<vmem>>, vector<1x16xf32>,
        %swap3A_302 = vector.shape_cast %swap3A_301 : vector<1x16xf32> to vector<16xf32>
        %swap3A_303 = vector.shape_cast %mul3A_298 : vector<16xf32> to vector<1x16xf32>
        tpu.vector_store %arg19[%swap3A_299, %swap3A_300], %swap3A_303 {strides = array<i32>} : memref<64x128xf32, #tpu.memory_space<vmem>>, vector<1x16xf32>,
        %broadcast_in_dim3A_304 = arith.constant 2 : i32
        %broadcast_in_dim3A_305 = vector.broadcast %broadcast_in_dim3A_304 : i32 to vector<16x1xi32>
        %gather3A_306 = vector.shape_cast %broadcast_in_dim3A_305 : vector<16x1xi32> to vector<16xi32>
        %gather3A_307 = tpu.dynamic_gather %mul3A_252[%gather3A_306] in [0] : vector<16xf32>, vector<16xi32> -> vector<16xf32>
        %get3A_308 = arith.index_cast %add3A_234 : i32 to index
        %get3A_309 = arith.constant 64 : index
        %get3A_310 = tpu.vector_load %arg19[%get3A_308, %get3A_309] {strides = array<i32>} : memref<64x128xf32, #tpu.memory_space<vmem>>, vector<1x16xf32>,
        %get3A_311 = vector.shape_cast %get3A_310 : vector<1x16xf32> to vector<16xf32>
        %mul3A_312 = arith.mulf %get3A_311, %gather3A_307 : vector<16xf32>
        %swap3A_313 = arith.index_cast %add3A_234 : i32 to index
        %swap3A_314 = arith.constant 64 : index
        %swap3A_315 = tpu.vector_load %arg19[%swap3A_313, %swap3A_314] {strides = array<i32>} : memref<64x128xf32, #tpu.memory_space<vmem>>, vector<1x16xf32>,
        %swap3A_316 = vector.shape_cast %swap3A_315 : vector<1x16xf32> to vector<16xf32>
        %swap3A_317 = vector.shape_cast %mul3A_312 : vector<16xf32> to vector<1x16xf32>
        tpu.vector_store %arg19[%swap3A_313, %swap3A_314], %swap3A_317 {strides = array<i32>} : memref<64x128xf32, #tpu.memory_space<vmem>>, vector<1x16xf32>,
        %get3A_318 = arith.index_cast %add3A_234 : i32 to index
        %get3A_319 = arith.constant 80 : index
        %get3A_320 = tpu.vector_load %arg19[%get3A_318, %get3A_319] {strides = array<i32>} : memref<64x128xf32, #tpu.memory_space<vmem>>, vector<1x16xf32>,
        %get3A_321 = vector.shape_cast %get3A_320 : vector<1x16xf32> to vector<16xf32>
        %mul3A_322 = arith.mulf %get3A_321, %gather3A_307 : vector<16xf32>
        %swap3A_323 = arith.index_cast %add3A_234 : i32 to index
        %swap3A_324 = arith.constant 80 : index
        %swap3A_325 = tpu.vector_load %arg19[%swap3A_323, %swap3A_324] {strides = array<i32>} : memref<64x128xf32, #tpu.memory_space<vmem>>, vector<1x16xf32>,
        %swap3A_326 = vector.shape_cast %swap3A_325 : vector<1x16xf32> to vector<16xf32>
        %swap3A_327 = vector.shape_cast %mul3A_322 : vector<16xf32> to vector<1x16xf32>
        tpu.vector_store %arg19[%swap3A_323, %swap3A_324], %swap3A_327 {strides = array<i32>} : memref<64x128xf32, #tpu.memory_space<vmem>>, vector<1x16xf32>,
        %broadcast_in_dim3A_328 = arith.constant 3 : i32
        %broadcast_in_dim3A_329 = vector.broadcast %broadcast_in_dim3A_328 : i32 to vector<16x1xi32>
        %gather3A_330 = vector.shape_cast %broadcast_in_dim3A_329 : vector<16x1xi32> to vector<16xi32>
        %gather3A_331 = tpu.dynamic_gather %mul3A_252[%gather3A_330] in [0] : vector<16xf32>, vector<16xi32> -> vector<16xf32>
        %get3A_332 = arith.index_cast %add3A_234 : i32 to index
        %get3A_333 = arith.constant 96 : index
        %get3A_334 = tpu.vector_load %arg19[%get3A_332, %get3A_333] {strides = array<i32>} : memref<64x128xf32, #tpu.memory_space<vmem>>, vector<1x16xf32>,
        %get3A_335 = vector.shape_cast %get3A_334 : vector<1x16xf32> to vector<16xf32>
        %mul3A_336 = arith.mulf %get3A_335, %gather3A_331 : vector<16xf32>
        %swap3A_337 = arith.index_cast %add3A_234 : i32 to index
        %swap3A_338 = arith.constant 96 : index
        %swap3A_339 = tpu.vector_load %arg19[%swap3A_337, %swap3A_338] {strides = array<i32>} : memref<64x128xf32, #tpu.memory_space<vmem>>, vector<1x16xf32>,
        %swap3A_340 = vector.shape_cast %swap3A_339 : vector<1x16xf32> to vector<16xf32>
        %swap3A_341 = vector.shape_cast %mul3A_336 : vector<16xf32> to vector<1x16xf32>
        tpu.vector_store %arg19[%swap3A_337, %swap3A_338], %swap3A_341 {strides = array<i32>} : memref<64x128xf32, #tpu.memory_space<vmem>>, vector<1x16xf32>,
        %get3A_342 = arith.index_cast %add3A_234 : i32 to index
        %get3A_343 = arith.constant 112 : index
        %get3A_344 = tpu.vector_load %arg19[%get3A_342, %get3A_343] {strides = array<i32>} : memref<64x128xf32, #tpu.memory_space<vmem>>, vector<1x16xf32>,
        %get3A_345 = vector.shape_cast %get3A_344 : vector<1x16xf32> to vector<16xf32>
        %mul3A_346 = arith.mulf %get3A_345, %gather3A_331 : vector<16xf32>
        %swap3A_347 = arith.index_cast %add3A_234 : i32 to index
        %swap3A_348 = arith.constant 112 : index
        %swap3A_349 = tpu.vector_load %arg19[%swap3A_347, %swap3A_348] {strides = array<i32>} : memref<64x128xf32, #tpu.memory_space<vmem>>, vector<1x16xf32>,
        %swap3A_350 = vector.shape_cast %swap3A_349 : vector<1x16xf32> to vector<16xf32>
        %swap3A_351 = vector.shape_cast %mul3A_346 : vector<16xf32> to vector<1x16xf32>
        tpu.vector_store %arg19[%swap3A_347, %swap3A_348], %swap3A_351 {strides = array<i32>} : memref<64x128xf32, #tpu.memory_space<vmem>>, vector<1x16xf32>,
        %mul3A_352 = arith.constant 2 : i32
        %mul3A_353 = arith.muli %scan3A_230, %mul3A_352 : i32
        %add3A_354 = arith.constant 1 : i32
        %add3A_355 = arith.addi %mul3A_353, %add3A_354 : i32
        %get3A_356 = arith.index_cast %add3A_355 : i32 to index
        %get3A_357 = arith.constant 0 : index
        %get3A_358 = tpu.vector_load %arg14[%get3A_356, %get3A_357] {strides = array<i32>} : memref<64x16xf32, #tpu.memory_space<vmem>>, vector<1x16xf32>,
        %get3A_359 = vector.shape_cast %get3A_358 : vector<1x16xf32> to vector<16xf32>
        %get3A_360 = arith.index_cast %add3A_355 : i32 to index
        %get3A_361 = arith.constant 0 : index
        %get3A_362 = tpu.vector_load %arg16[%get3A_360, %get3A_361] {strides = array<i32>} : memref<64x16xf32, #tpu.memory_space<vmem>>, vector<1x16xf32>,
        %get3A_363 = vector.shape_cast %get3A_362 : vector<1x16xf32> to vector<16xf32>
        %add3A_364 = arith.addf %get3A_359, %get3A_363 : vector<16xf32>
        %ge3A_365 = arith.constant 0.000000e+00 : f32
        %ge3A_366 = vector.broadcast %ge3A_365 : f32 to vector<16xf32>
        %ge3A_367 = arith.cmpf oge, %add3A_364, %ge3A_366 : vector<16xf32>
        %mul3A_368 = arith.constant 2.000000e-01 : f32
        %mul3A_369 = vector.broadcast %mul3A_368 : f32 to vector<16xf32>
        %mul3A_370 = arith.mulf %add3A_364, %mul3A_369 : vector<16xf32>
        %select_n3A_371 = arith.select %ge3A_367, %add3A_364, %mul3A_370 : vector<16xi1>, vector<16xf32>
        %exp3A_372 = math.exp %select_n3A_371 : vector<16xf32>
        %get3A_373 = arith.index_cast %add3A_355 : i32 to index
        %get3A_374 = arith.constant 0 : index
        %get3A_375 = tpu.vector_load %arg21[%get3A_373, %get3A_374] {strides = array<i32>} : memref<64x16xf32, #tpu.memory_space<vmem>>, vector<1x16xf32>,
        %get3A_376 = vector.shape_cast %get3A_375 : vector<1x16xf32> to vector<16xf32>
        %mul3A_377 = arith.mulf %exp3A_372, %get3A_376 : vector<16xf32>
        %swap3A_378 = arith.index_cast %add3A_355 : i32 to index
        %swap3A_379 = arith.constant 0 : index
        %swap3A_380 = tpu.vector_load %arg18[%swap3A_378, %swap3A_379] {strides = array<i32>} : memref<64x16xf32, #tpu.memory_space<vmem>>, vector<1x16xf32>,
        %swap3A_381 = vector.shape_cast %swap3A_380 : vector<1x16xf32> to vector<16xf32>
        %swap3A_382 = vector.shape_cast %mul3A_377 : vector<16xf32> to vector<1x16xf32>
        tpu.vector_store %arg18[%swap3A_378, %swap3A_379], %swap3A_382 {strides = array<i32>} : memref<64x16xf32, #tpu.memory_space<vmem>>, vector<1x16xf32>,
        %broadcast_in_dim3A_383 = arith.constant 0 : i32
        %broadcast_in_dim3A_384 = vector.broadcast %broadcast_in_dim3A_383 : i32 to vector<16x1xi32>
        %gather3A_385 = vector.shape_cast %broadcast_in_dim3A_384 : vector<16x1xi32> to vector<16xi32>
        %gather3A_386 = tpu.dynamic_gather %mul3A_377[%gather3A_385] in [0] : vector<16xf32>, vector<16xi32> -> vector<16xf32>
        %get3A_387 = arith.index_cast %add3A_355 : i32 to index
        %get3A_388 = arith.constant 0 : index
        %get3A_389 = tpu.vector_load %arg19[%get3A_387, %get3A_388] {strides = array<i32>} : memref<64x128xf32, #tpu.memory_space<vmem>>, vector<1x16xf32>,
        %get3A_390 = vector.shape_cast %get3A_389 : vector<1x16xf32> to vector<16xf32>
        %mul3A_391 = arith.mulf %get3A_390, %gather3A_386 : vector<16xf32>
        %swap3A_392 = arith.index_cast %add3A_355 : i32 to index
        %swap3A_393 = arith.constant 0 : index
        %swap3A_394 = tpu.vector_load %arg19[%swap3A_392, %swap3A_393] {strides = array<i32>} : memref<64x128xf32, #tpu.memory_space<vmem>>, vector<1x16xf32>,
        %swap3A_395 = vector.shape_cast %swap3A_394 : vector<1x16xf32> to vector<16xf32>
        %swap3A_396 = vector.shape_cast %mul3A_391 : vector<16xf32> to vector<1x16xf32>
        tpu.vector_store %arg19[%swap3A_392, %swap3A_393], %swap3A_396 {strides = array<i32>} : memref<64x128xf32, #tpu.memory_space<vmem>>, vector<1x16xf32>,
        %get3A_397 = arith.index_cast %add3A_355 : i32 to index
        %get3A_398 = arith.constant 16 : index
        %get3A_399 = tpu.vector_load %arg19[%get3A_397, %get3A_398] {strides = array<i32>} : memref<64x128xf32, #tpu.memory_space<vmem>>, vector<1x16xf32>,
        %get3A_400 = vector.shape_cast %get3A_399 : vector<1x16xf32> to vector<16xf32>
        %mul3A_401 = arith.mulf %get3A_400, %gather3A_386 : vector<16xf32>
        %swap3A_402 = arith.index_cast %add3A_355 : i32 to index
        %swap3A_403 = arith.constant 16 : index
        %swap3A_404 = tpu.vector_load %arg19[%swap3A_402, %swap3A_403] {strides = array<i32>} : memref<64x128xf32, #tpu.memory_space<vmem>>, vector<1x16xf32>,
        %swap3A_405 = vector.shape_cast %swap3A_404 : vector<1x16xf32> to vector<16xf32>
        %swap3A_406 = vector.shape_cast %mul3A_401 : vector<16xf32> to vector<1x16xf32>
        tpu.vector_store %arg19[%swap3A_402, %swap3A_403], %swap3A_406 {strides = array<i32>} : memref<64x128xf32, #tpu.memory_space<vmem>>, vector<1x16xf32>,
        %broadcast_in_dim3A_407 = arith.constant 1 : i32
        %broadcast_in_dim3A_408 = vector.broadcast %broadcast_in_dim3A_407 : i32 to vector<16x1xi32>
        %gather3A_409 = vector.shape_cast %broadcast_in_dim3A_408 : vector<16x1xi32> to vector<16xi32>
        %gather3A_410 = tpu.dynamic_gather %mul3A_377[%gather3A_409] in [0] : vector<16xf32>, vector<16xi32> -> vector<16xf32>
        %get3A_411 = arith.index_cast %add3A_355 : i32 to index
        %get3A_412 = arith.constant 32 : index
        %get3A_413 = tpu.vector_load %arg19[%get3A_411, %get3A_412] {strides = array<i32>} : memref<64x128xf32, #tpu.memory_space<vmem>>, vector<1x16xf32>,
        %get3A_414 = vector.shape_cast %get3A_413 : vector<1x16xf32> to vector<16xf32>
        %mul3A_415 = arith.mulf %get3A_414, %gather3A_410 : vector<16xf32>
        %swap3A_416 = arith.index_cast %add3A_355 : i32 to index
        %swap3A_417 = arith.constant 32 : index
        %swap3A_418 = tpu.vector_load %arg19[%swap3A_416, %swap3A_417] {strides = array<i32>} : memref<64x128xf32, #tpu.memory_space<vmem>>, vector<1x16xf32>,
        %swap3A_419 = vector.shape_cast %swap3A_418 : vector<1x16xf32> to vector<16xf32>
        %swap3A_420 = vector.shape_cast %mul3A_415 : vector<16xf32> to vector<1x16xf32>
        tpu.vector_store %arg19[%swap3A_416, %swap3A_417], %swap3A_420 {strides = array<i32>} : memref<64x128xf32, #tpu.memory_space<vmem>>, vector<1x16xf32>,
        %get3A_421 = arith.index_cast %add3A_355 : i32 to index
        %get3A_422 = arith.constant 48 : index
        %get3A_423 = tpu.vector_load %arg19[%get3A_421, %get3A_422] {strides = array<i32>} : memref<64x128xf32, #tpu.memory_space<vmem>>, vector<1x16xf32>,
        %get3A_424 = vector.shape_cast %get3A_423 : vector<1x16xf32> to vector<16xf32>
        %mul3A_425 = arith.mulf %get3A_424, %gather3A_410 : vector<16xf32>
        %swap3A_426 = arith.index_cast %add3A_355 : i32 to index
        %swap3A_427 = arith.constant 48 : index
        %swap3A_428 = tpu.vector_load %arg19[%swap3A_426, %swap3A_427] {strides = array<i32>} : memref<64x128xf32, #tpu.memory_space<vmem>>, vector<1x16xf32>,
        %swap3A_429 = vector.shape_cast %swap3A_428 : vector<1x16xf32> to vector<16xf32>
        %swap3A_430 = vector.shape_cast %mul3A_425 : vector<16xf32> to vector<1x16xf32>
        tpu.vector_store %arg19[%swap3A_426, %swap3A_427], %swap3A_430 {strides = array<i32>} : memref<64x128xf32, #tpu.memory_space<vmem>>, vector<1x16xf32>,
        %broadcast_in_dim3A_431 = arith.constant 2 : i32
        %broadcast_in_dim3A_432 = vector.broadcast %broadcast_in_dim3A_431 : i32 to vector<16x1xi32>
        %gather3A_433 = vector.shape_cast %broadcast_in_dim3A_432 : vector<16x1xi32> to vector<16xi32>
        %gather3A_434 = tpu.dynamic_gather %mul3A_377[%gather3A_433] in [0] : vector<16xf32>, vector<16xi32> -> vector<16xf32>
        %get3A_435 = arith.index_cast %add3A_355 : i32 to index
        %get3A_436 = arith.constant 64 : index
        %get3A_437 = tpu.vector_load %arg19[%get3A_435, %get3A_436] {strides = array<i32>} : memref<64x128xf32, #tpu.memory_space<vmem>>, vector<1x16xf32>,
        %get3A_438 = vector.shape_cast %get3A_437 : vector<1x16xf32> to vector<16xf32>
        %mul3A_439 = arith.mulf %get3A_438, %gather3A_434 : vector<16xf32>
        %swap3A_440 = arith.index_cast %add3A_355 : i32 to index
        %swap3A_441 = arith.constant 64 : index
        %swap3A_442 = tpu.vector_load %arg19[%swap3A_440, %swap3A_441] {strides = array<i32>} : memref<64x128xf32, #tpu.memory_space<vmem>>, vector<1x16xf32>,
        %swap3A_443 = vector.shape_cast %swap3A_442 : vector<1x16xf32> to vector<16xf32>
        %swap3A_444 = vector.shape_cast %mul3A_439 : vector<16xf32> to vector<1x16xf32>
        tpu.vector_store %arg19[%swap3A_440, %swap3A_441], %swap3A_444 {strides = array<i32>} : memref<64x128xf32, #tpu.memory_space<vmem>>, vector<1x16xf32>,
        %get3A_445 = arith.index_cast %add3A_355 : i32 to index
        %get3A_446 = arith.constant 80 : index
        %get3A_447 = tpu.vector_load %arg19[%get3A_445, %get3A_446] {strides = array<i32>} : memref<64x128xf32, #tpu.memory_space<vmem>>, vector<1x16xf32>,
        %get3A_448 = vector.shape_cast %get3A_447 : vector<1x16xf32> to vector<16xf32>
        %mul3A_449 = arith.mulf %get3A_448, %gather3A_434 : vector<16xf32>
        %swap3A_450 = arith.index_cast %add3A_355 : i32 to index
        %swap3A_451 = arith.constant 80 : index
        %swap3A_452 = tpu.vector_load %arg19[%swap3A_450, %swap3A_451] {strides = array<i32>} : memref<64x128xf32, #tpu.memory_space<vmem>>, vector<1x16xf32>,
        %swap3A_453 = vector.shape_cast %swap3A_452 : vector<1x16xf32> to vector<16xf32>
        %swap3A_454 = vector.shape_cast %mul3A_449 : vector<16xf32> to vector<1x16xf32>
        tpu.vector_store %arg19[%swap3A_450, %swap3A_451], %swap3A_454 {strides = array<i32>} : memref<64x128xf32, #tpu.memory_space<vmem>>, vector<1x16xf32>,
        %broadcast_in_dim3A_455 = arith.constant 3 : i32
        %broadcast_in_dim3A_456 = vector.broadcast %broadcast_in_dim3A_455 : i32 to vector<16x1xi32>
        %gather3A_457 = vector.shape_cast %broadcast_in_dim3A_456 : vector<16x1xi32> to vector<16xi32>
        %gather3A_458 = tpu.dynamic_gather %mul3A_377[%gather3A_457] in [0] : vector<16xf32>, vector<16xi32> -> vector<16xf32>
        %get3A_459 = arith.index_cast %add3A_355 : i32 to index
        %get3A_460 = arith.constant 96 : index
        %get3A_461 = tpu.vector_load %arg19[%get3A_459, %get3A_460] {strides = array<i32>} : memref<64x128xf32, #tpu.memory_space<vmem>>, vector<1x16xf32>,
        %get3A_462 = vector.shape_cast %get3A_461 : vector<1x16xf32> to vector<16xf32>
        %mul3A_463 = arith.mulf %get3A_462, %gather3A_458 : vector<16xf32>
        %swap3A_464 = arith.index_cast %add3A_355 : i32 to index
        %swap3A_465 = arith.constant 96 : index
        %swap3A_466 = tpu.vector_load %arg19[%swap3A_464, %swap3A_465] {strides = array<i32>} : memref<64x128xf32, #tpu.memory_space<vmem>>, vector<1x16xf32>,
        %swap3A_467 = vector.shape_cast %swap3A_466 : vector<1x16xf32> to vector<16xf32>
        %swap3A_468 = vector.shape_cast %mul3A_463 : vector<16xf32> to vector<1x16xf32>
        tpu.vector_store %arg19[%swap3A_464, %swap3A_465], %swap3A_468 {strides = array<i32>} : memref<64x128xf32, #tpu.memory_space<vmem>>, vector<1x16xf32>,
        %get3A_469 = arith.index_cast %add3A_355 : i32 to index
        %get3A_470 = arith.constant 112 : index
        %get3A_471 = tpu.vector_load %arg19[%get3A_469, %get3A_470] {strides = array<i32>} : memref<64x128xf32, #tpu.memory_space<vmem>>, vector<1x16xf32>,
        %get3A_472 = vector.shape_cast %get3A_471 : vector<1x16xf32> to vector<16xf32>
        %mul3A_473 = arith.mulf %get3A_472, %gather3A_458 : vector<16xf32>
        %swap3A_474 = arith.index_cast %add3A_355 : i32 to index
        %swap3A_475 = arith.constant 112 : index
        %swap3A_476 = tpu.vector_load %arg19[%swap3A_474, %swap3A_475] {strides = array<i32>} : memref<64x128xf32, #tpu.memory_space<vmem>>, vector<1x16xf32>,
        %swap3A_477 = vector.shape_cast %swap3A_476 : vector<1x16xf32> to vector<16xf32>
        %swap3A_478 = vector.shape_cast %mul3A_473 : vector<16xf32> to vector<1x16xf32>
        tpu.vector_store %arg19[%swap3A_474, %swap3A_475], %swap3A_478 {strides = array<i32>} : memref<64x128xf32, #tpu.memory_space<vmem>>, vector<1x16xf32>,
      }
      %scan3A_180 = arith.constant 32 : i32
      "tpu.region"() ({
        %run_scoped3A = tpu.sem_alloc : memref<!tpu.dma_semaphore, #tpu.memory_space<semaphore_mem>>
        %dma_start3A_230 = arith.constant 0 : i32
        %dma_start3A_231 = tpu.memref_slice %arg11[%add3A_136, %dma_start3A_230] : memref<84x64xi32, #tpu.memory_space<vmem>> -> memref<1x64xi32, #tpu.memory_space<vmem>>
        %dma_start3A_232 = tpu.memref_squeeze %dma_start3A_231 : memref<1x64xi32, #tpu.memory_space<vmem>> -> memref<64xi32, #tpu.memory_space<vmem>>
        %dma_start3A_233 = arith.constant 0 : i32
        %dma_start3A_234 = arith.constant 0 : i32
        %dma_start3A_235 = tpu.memref_slice %arg23[%dma_start3A_233, %dma_start3A_234] : memref<10240x16xf32, #tpu.memory_space<vmem_shared>> -> memref<10240x16xf32, #tpu.memory_space<vmem_shared>>
        tpu.enqueue_indirect_dma source(%arg18 : memref<64x16xf32, #tpu.memory_space<vmem>>) target(%dma_start3A_235 : memref<10240x16xf32, #tpu.memory_space<vmem_shared>>) offsets(%dma_start3A_232 : memref<64xi32, #tpu.memory_space<vmem>>) semaphore(%run_scoped3A : memref<!tpu.dma_semaphore, #tpu.memory_space<semaphore_mem>>) {add = true}
        %dma_wait3A_236 = arith.constant 0 : i32
        %dma_wait3A_237 = tpu.memref_slice %arg11[%add3A_136, %dma_wait3A_236] : memref<84x64xi32, #tpu.memory_space<vmem>> -> memref<1x64xi32, #tpu.memory_space<vmem>>
        %dma_wait3A_238 = tpu.memref_squeeze %dma_wait3A_237 : memref<1x64xi32, #tpu.memory_space<vmem>> -> memref<64xi32, #tpu.memory_space<vmem>>
        %dma_wait3A_239 = arith.constant 0 : i32
        %dma_wait3A_240 = arith.constant 0 : i32
        %dma_wait3A_241 = tpu.memref_slice %arg23[%dma_wait3A_239, %dma_wait3A_240] : memref<10240x16xf32, #tpu.memory_space<vmem_shared>> -> memref<10240x16xf32, #tpu.memory_space<vmem_shared>>
        tpu.wait_indirect_dma semaphore(%run_scoped3A : memref<!tpu.dma_semaphore, #tpu.memory_space<semaphore_mem>>) src(%arg18 : memref<64x16xf32, #tpu.memory_space<vmem>>) dst(%dma_wait3A_241 : memref<10240x16xf32, #tpu.memory_space<vmem_shared>>)
        tpu.yield
      }) : () -> ()
      "tpu.region"() ({
        %run_scoped3A = tpu.sem_alloc : memref<!tpu.dma_semaphore, #tpu.memory_space<semaphore_mem>>
        %dma_start3A_230 = arith.constant 0 : i32
        %dma_start3A_231 = tpu.memref_slice %arg11[%add3A_136, %dma_start3A_230] : memref<84x64xi32, #tpu.memory_space<vmem>> -> memref<1x64xi32, #tpu.memory_space<vmem>>
        %dma_start3A_232 = tpu.memref_squeeze %dma_start3A_231 : memref<1x64xi32, #tpu.memory_space<vmem>> -> memref<64xi32, #tpu.memory_space<vmem>>
        %dma_start3A_233 = arith.constant 0 : i32
        %dma_start3A_234 = arith.constant 0 : i32
        %dma_start3A_235 = tpu.memref_slice %arg22[%dma_start3A_233, %dma_start3A_234] : memref<10240x128xf32, #tpu.memory_space<vmem_shared>> -> memref<10240x128xf32, #tpu.memory_space<vmem_shared>>
        tpu.enqueue_indirect_dma source(%arg19 : memref<64x128xf32, #tpu.memory_space<vmem>>) target(%dma_start3A_235 : memref<10240x128xf32, #tpu.memory_space<vmem_shared>>) offsets(%dma_start3A_232 : memref<64xi32, #tpu.memory_space<vmem>>) semaphore(%run_scoped3A : memref<!tpu.dma_semaphore, #tpu.memory_space<semaphore_mem>>) {add = true}
        %dma_wait3A_236 = arith.constant 0 : i32
        %dma_wait3A_237 = tpu.memref_slice %arg11[%add3A_136, %dma_wait3A_236] : memref<84x64xi32, #tpu.memory_space<vmem>> -> memref<1x64xi32, #tpu.memory_space<vmem>>
        %dma_wait3A_238 = tpu.memref_squeeze %dma_wait3A_237 : memref<1x64xi32, #tpu.memory_space<vmem>> -> memref<64xi32, #tpu.memory_space<vmem>>
        %dma_wait3A_239 = arith.constant 0 : i32
        %dma_wait3A_240 = arith.constant 0 : i32
        %dma_wait3A_241 = tpu.memref_slice %arg22[%dma_wait3A_239, %dma_wait3A_240] : memref<10240x128xf32, #tpu.memory_space<vmem_shared>> -> memref<10240x128xf32, #tpu.memory_space<vmem_shared>>
        tpu.wait_indirect_dma semaphore(%run_scoped3A : memref<!tpu.dma_semaphore, #tpu.memory_space<semaphore_mem>>) src(%arg19 : memref<64x128xf32, #tpu.memory_space<vmem>>) dst(%dma_wait3A_241 : memref<10240x128xf32, #tpu.memory_space<vmem_shared>>)
        tpu.yield
      }) : () -> ()
      %mul3A_181 = arith.constant 2 : i32
      %mul3A_182 = arith.muli %scan3A_132, %mul3A_181 : i32
      %add3A_183 = arith.constant 1 : i32
      %add3A_184 = arith.addi %mul3A_182, %add3A_183 : i32
      %add3A_185 = arith.constant 1 : i32
      %add3A_186 = arith.addi %add3A_184, %add3A_185 : i32
      %min3A_187 = arith.constant 83 : i32
      %min3A_188 = arith.minsi %add3A_186, %min3A_187 : i32
      %dma_start3A_189 = arith.constant 0 : i32
      %dma_start3A_190 = tpu.memref_slice %arg12[%min3A_188, %dma_start3A_189] : memref<84x64xi32, #tpu.memory_space<vmem>> -> memref<1x64xi32, #tpu.memory_space<vmem>>
      %dma_start3A_191 = tpu.memref_squeeze %dma_start3A_190 : memref<1x64xi32, #tpu.memory_space<vmem>> -> memref<64xi32, #tpu.memory_space<vmem>>
      %dma_start3A_192 = arith.constant 0 : i32
      %dma_start3A_193 = arith.constant 0 : i32
      %dma_start3A_194 = tpu.memref_slice %arg6[%dma_start3A_192, %dma_start3A_193] : memref<92160x16xf32, #tpu.memory_space<hbm>> -> memref<92160x16xf32, #tpu.memory_space<hbm>>
      tpu.enqueue_indirect_dma source(%dma_start3A_194 : memref<92160x16xf32, #tpu.memory_space<hbm>>) target(%arg14 : memref<64x16xf32, #tpu.memory_space<vmem>>) offsets(%dma_start3A_191 : memref<64xi32, #tpu.memory_space<vmem>>) semaphore(%arg24 : memref<!tpu.dma_semaphore, #tpu.memory_space<semaphore_mem>>)
      %dma_start3A_195 = arith.constant 0 : i32
      %dma_start3A_196 = tpu.memref_slice %arg13[%min3A_188, %dma_start3A_195] : memref<84x64xi32, #tpu.memory_space<vmem>> -> memref<1x64xi32, #tpu.memory_space<vmem>>
      %dma_start3A_197 = tpu.memref_squeeze %dma_start3A_196 : memref<1x64xi32, #tpu.memory_space<vmem>> -> memref<64xi32, #tpu.memory_space<vmem>>
      %dma_start3A_198 = arith.constant 0 : i32
      %dma_start3A_199 = arith.constant 0 : i32
      %dma_start3A_200 = tpu.memref_slice %arg7[%dma_start3A_198, %dma_start3A_199] : memref<92160x16xf32, #tpu.memory_space<hbm>> -> memref<92160x16xf32, #tpu.memory_space<hbm>>
      tpu.enqueue_indirect_dma source(%dma_start3A_200 : memref<92160x16xf32, #tpu.memory_space<hbm>>) target(%arg16 : memref<64x16xf32, #tpu.memory_space<vmem>>) offsets(%dma_start3A_197 : memref<64xi32, #tpu.memory_space<vmem>>) semaphore(%arg24 : memref<!tpu.dma_semaphore, #tpu.memory_space<semaphore_mem>>)
      %dma_start3A_201 = arith.constant 0 : i32
      %dma_start3A_202 = tpu.memref_slice %arg12[%min3A_188, %dma_start3A_201] : memref<84x64xi32, #tpu.memory_space<vmem>> -> memref<1x64xi32, #tpu.memory_space<vmem>>
      %dma_start3A_203 = tpu.memref_squeeze %dma_start3A_202 : memref<1x64xi32, #tpu.memory_space<vmem>> -> memref<64xi32, #tpu.memory_space<vmem>>
      %dma_start3A_204 = arith.constant 0 : i32
      %dma_start3A_205 = arith.constant 0 : i32
      %dma_start3A_206 = tpu.memref_slice %arg8[%dma_start3A_204, %dma_start3A_205] : memref<92160x128xf32, #tpu.memory_space<hbm>> -> memref<92160x128xf32, #tpu.memory_space<hbm>>
      tpu.enqueue_indirect_dma source(%dma_start3A_206 : memref<92160x128xf32, #tpu.memory_space<hbm>>) target(%arg19 : memref<64x128xf32, #tpu.memory_space<vmem>>) offsets(%dma_start3A_203 : memref<64xi32, #tpu.memory_space<vmem>>) semaphore(%arg26 : memref<!tpu.dma_semaphore, #tpu.memory_space<semaphore_mem>>)
      "tpu.region"() ({
        %run_scoped3A = tpu.sem_alloc : memref<!tpu.dma_semaphore, #tpu.memory_space<semaphore_mem>>
        %dma_start3A_230 = arith.constant 0 : i32
        %dma_start3A_231 = arith.constant 0 : i32
        %dma_start3A_232 = tpu.memref_slice %arg5[%add3A, %add3A_184, %dma_start3A_230, %dma_start3A_231] : memref<32x84x64x16xf32, #tpu.memory_space<hbm>> -> memref<1x1x64x16xf32, #tpu.memory_space<hbm>>
        %dma_start3A_233 = tpu.memref_squeeze %dma_start3A_232 : memref<1x1x64x16xf32, #tpu.memory_space<hbm>> -> memref<64x16xf32, #tpu.memory_space<hbm>>
        %dma_start3A_234 = arith.constant 0 : i32
        %dma_start3A_235 = arith.constant 0 : i32
        %dma_start3A_236 = tpu.memref_slice %arg5[%add3A, %add3A_184, %dma_start3A_234, %dma_start3A_235] : memref<32x84x64x16xf32, #tpu.memory_space<hbm>> -> memref<1x1x64x16xf32, #tpu.memory_space<hbm>>
        %dma_start3A_237 = tpu.memref_squeeze %dma_start3A_236 : memref<1x1x64x16xf32, #tpu.memory_space<hbm>> -> memref<64x16xf32, #tpu.memory_space<hbm>>
        tpu.enqueue_dma source(%dma_start3A_237 : memref<64x16xf32, #tpu.memory_space<hbm>>) target(%arg21 : memref<64x16xf32, #tpu.memory_space<vmem>>) target_semaphore(%run_scoped3A : memref<!tpu.dma_semaphore, #tpu.memory_space<semaphore_mem>>)
        %dma_wait3A_238 = arith.constant 0 : i32
        %dma_wait3A_239 = arith.constant 0 : i32
        %dma_wait3A_240 = tpu.memref_slice %arg5[%add3A, %add3A_184, %dma_wait3A_238, %dma_wait3A_239] : memref<32x84x64x16xf32, #tpu.memory_space<hbm>> -> memref<1x1x64x16xf32, #tpu.memory_space<hbm>>
        %dma_wait3A_241 = tpu.memref_squeeze %dma_wait3A_240 : memref<1x1x64x16xf32, #tpu.memory_space<hbm>> -> memref<64x16xf32, #tpu.memory_space<hbm>>
        %dma_wait3A_242 = arith.constant 0 : i32
        %dma_wait3A_243 = arith.constant 0 : i32
        %dma_wait3A_244 = tpu.memref_slice %arg5[%add3A, %add3A_184, %dma_wait3A_242, %dma_wait3A_243] : memref<32x84x64x16xf32, #tpu.memory_space<hbm>> -> memref<1x1x64x16xf32, #tpu.memory_space<hbm>>
        %dma_wait3A_245 = tpu.memref_squeeze %dma_wait3A_244 : memref<1x1x64x16xf32, #tpu.memory_space<hbm>> -> memref<64x16xf32, #tpu.memory_space<hbm>>
        tpu.wait_dma2 semaphore(%run_scoped3A : memref<!tpu.dma_semaphore, #tpu.memory_space<semaphore_mem>>) src(%dma_wait3A_245 : memref<64x16xf32, #tpu.memory_space<hbm>>) dst(%arg21 : memref<64x16xf32, #tpu.memory_space<vmem>>)
        tpu.yield
      }) : () -> ()
      %dma_wait3A_207 = arith.constant 0 : i32
      %dma_wait3A_208 = tpu.memref_slice %arg12[%add3A_184, %dma_wait3A_207] : memref<84x64xi32, #tpu.memory_space<vmem>> -> memref<1x64xi32, #tpu.memory_space<vmem>>
      %dma_wait3A_209 = tpu.memref_squeeze %dma_wait3A_208 : memref<1x64xi32, #tpu.memory_space<vmem>> -> memref<64xi32, #tpu.memory_space<vmem>>
      %dma_wait3A_210 = arith.constant 0 : i32
      %dma_wait3A_211 = arith.constant 0 : i32
      %dma_wait3A_212 = tpu.memref_slice %arg6[%dma_wait3A_210, %dma_wait3A_211] : memref<92160x16xf32, #tpu.memory_space<hbm>> -> memref<92160x16xf32, #tpu.memory_space<hbm>>
      tpu.wait_indirect_dma semaphore(%arg25 : memref<!tpu.dma_semaphore, #tpu.memory_space<semaphore_mem>>) src(%dma_wait3A_212 : memref<92160x16xf32, #tpu.memory_space<hbm>>) dst(%arg15 : memref<64x16xf32, #tpu.memory_space<vmem>>)
      %dma_wait3A_213 = arith.constant 0 : i32
      %dma_wait3A_214 = tpu.memref_slice %arg13[%add3A_184, %dma_wait3A_213] : memref<84x64xi32, #tpu.memory_space<vmem>> -> memref<1x64xi32, #tpu.memory_space<vmem>>
      %dma_wait3A_215 = tpu.memref_squeeze %dma_wait3A_214 : memref<1x64xi32, #tpu.memory_space<vmem>> -> memref<64xi32, #tpu.memory_space<vmem>>
      %dma_wait3A_216 = arith.constant 0 : i32
      %dma_wait3A_217 = arith.constant 0 : i32
      %dma_wait3A_218 = tpu.memref_slice %arg7[%dma_wait3A_216, %dma_wait3A_217] : memref<92160x16xf32, #tpu.memory_space<hbm>> -> memref<92160x16xf32, #tpu.memory_space<hbm>>
      tpu.wait_indirect_dma semaphore(%arg25 : memref<!tpu.dma_semaphore, #tpu.memory_space<semaphore_mem>>) src(%dma_wait3A_218 : memref<92160x16xf32, #tpu.memory_space<hbm>>) dst(%arg17 : memref<64x16xf32, #tpu.memory_space<vmem>>)
      %dma_wait3A_219 = arith.constant 0 : i32
      %dma_wait3A_220 = tpu.memref_slice %arg12[%add3A_184, %dma_wait3A_219] : memref<84x64xi32, #tpu.memory_space<vmem>> -> memref<1x64xi32, #tpu.memory_space<vmem>>
      %dma_wait3A_221 = tpu.memref_squeeze %dma_wait3A_220 : memref<1x64xi32, #tpu.memory_space<vmem>> -> memref<64xi32, #tpu.memory_space<vmem>>
      %dma_wait3A_222 = arith.constant 0 : i32
      %dma_wait3A_223 = arith.constant 0 : i32
      %dma_wait3A_224 = tpu.memref_slice %arg8[%dma_wait3A_222, %dma_wait3A_223] : memref<92160x128xf32, #tpu.memory_space<hbm>> -> memref<92160x128xf32, #tpu.memory_space<hbm>>
      tpu.wait_indirect_dma semaphore(%arg27 : memref<!tpu.dma_semaphore, #tpu.memory_space<semaphore_mem>>) src(%dma_wait3A_224 : memref<92160x128xf32, #tpu.memory_space<hbm>>) dst(%arg20 : memref<64x128xf32, #tpu.memory_space<vmem>>)
      %scan3A_225 = arith.constant 0 : i32
      %scan3A_226 = arith.constant 32 : i32
      %scan3A_227 = arith.addi %scan3A_225, %scan3A_226 : i32
      %scan3A_228 = arith.constant 1 : i32
      scf.for %scan3A_230 = %scan3A_225 to %scan3A_227 step %scan3A_228  : i32 {
        %mul3A_231 = arith.constant 2 : i32
        %mul3A_232 = arith.muli %scan3A_230, %mul3A_231 : i32
        %add3A_233 = arith.constant 0 : i32
        %add3A_234 = arith.addi %mul3A_232, %add3A_233 : i32
        %get3A = arith.index_cast %add3A_234 : i32 to index
        %get3A_235 = arith.constant 0 : index
        %get3A_236 = tpu.vector_load %arg15[%get3A, %get3A_235] {strides = array<i32>} : memref<64x16xf32, #tpu.memory_space<vmem>>, vector<1x16xf32>,
        %get3A_237 = vector.shape_cast %get3A_236 : vector<1x16xf32> to vector<16xf32>
        %get3A_238 = arith.index_cast %add3A_234 : i32 to index
        %get3A_239 = arith.constant 0 : index
        %get3A_240 = tpu.vector_load %arg17[%get3A_238, %get3A_239] {strides = array<i32>} : memref<64x16xf32, #tpu.memory_space<vmem>>, vector<1x16xf32>,
        %get3A_241 = vector.shape_cast %get3A_240 : vector<1x16xf32> to vector<16xf32>
        %add3A_242 = arith.addf %get3A_237, %get3A_241 : vector<16xf32>
        %ge3A = arith.constant 0.000000e+00 : f32
        %ge3A_243 = vector.broadcast %ge3A : f32 to vector<16xf32>
        %ge3A_244 = arith.cmpf oge, %add3A_242, %ge3A_243 : vector<16xf32>
        %mul3A_245 = arith.constant 2.000000e-01 : f32
        %mul3A_246 = vector.broadcast %mul3A_245 : f32 to vector<16xf32>
        %mul3A_247 = arith.mulf %add3A_242, %mul3A_246 : vector<16xf32>
        %select_n3A = arith.select %ge3A_244, %add3A_242, %mul3A_247 : vector<16xi1>, vector<16xf32>
        %exp3A = math.exp %select_n3A : vector<16xf32>
        %get3A_248 = arith.index_cast %add3A_234 : i32 to index
        %get3A_249 = arith.constant 0 : index
        %get3A_250 = tpu.vector_load %arg21[%get3A_248, %get3A_249] {strides = array<i32>} : memref<64x16xf32, #tpu.memory_space<vmem>>, vector<1x16xf32>,
        %get3A_251 = vector.shape_cast %get3A_250 : vector<1x16xf32> to vector<16xf32>
        %mul3A_252 = arith.mulf %exp3A, %get3A_251 : vector<16xf32>
        %swap3A = arith.index_cast %add3A_234 : i32 to index
        %swap3A_253 = arith.constant 0 : index
        %swap3A_254 = tpu.vector_load %arg18[%swap3A, %swap3A_253] {strides = array<i32>} : memref<64x16xf32, #tpu.memory_space<vmem>>, vector<1x16xf32>,
        %swap3A_255 = vector.shape_cast %swap3A_254 : vector<1x16xf32> to vector<16xf32>
        %swap3A_256 = vector.shape_cast %mul3A_252 : vector<16xf32> to vector<1x16xf32>
        tpu.vector_store %arg18[%swap3A, %swap3A_253], %swap3A_256 {strides = array<i32>} : memref<64x16xf32, #tpu.memory_space<vmem>>, vector<1x16xf32>,
        %broadcast_in_dim3A_257 = arith.constant 0 : i32
        %broadcast_in_dim3A_258 = vector.broadcast %broadcast_in_dim3A_257 : i32 to vector<16x1xi32>
        %gather3A = vector.shape_cast %broadcast_in_dim3A_258 : vector<16x1xi32> to vector<16xi32>
        %gather3A_259 = tpu.dynamic_gather %mul3A_252[%gather3A] in [0] : vector<16xf32>, vector<16xi32> -> vector<16xf32>
        %get3A_260 = arith.index_cast %add3A_234 : i32 to index
        %get3A_261 = arith.constant 0 : index
        %get3A_262 = tpu.vector_load %arg20[%get3A_260, %get3A_261] {strides = array<i32>} : memref<64x128xf32, #tpu.memory_space<vmem>>, vector<1x16xf32>,
        %get3A_263 = vector.shape_cast %get3A_262 : vector<1x16xf32> to vector<16xf32>
        %mul3A_264 = arith.mulf %get3A_263, %gather3A_259 : vector<16xf32>
        %swap3A_265 = arith.index_cast %add3A_234 : i32 to index
        %swap3A_266 = arith.constant 0 : index
        %swap3A_267 = tpu.vector_load %arg20[%swap3A_265, %swap3A_266] {strides = array<i32>} : memref<64x128xf32, #tpu.memory_space<vmem>>, vector<1x16xf32>,
        %swap3A_268 = vector.shape_cast %swap3A_267 : vector<1x16xf32> to vector<16xf32>
        %swap3A_269 = vector.shape_cast %mul3A_264 : vector<16xf32> to vector<1x16xf32>
        tpu.vector_store %arg20[%swap3A_265, %swap3A_266], %swap3A_269 {strides = array<i32>} : memref<64x128xf32, #tpu.memory_space<vmem>>, vector<1x16xf32>,
        %get3A_270 = arith.index_cast %add3A_234 : i32 to index
        %get3A_271 = arith.constant 16 : index
        %get3A_272 = tpu.vector_load %arg20[%get3A_270, %get3A_271] {strides = array<i32>} : memref<64x128xf32, #tpu.memory_space<vmem>>, vector<1x16xf32>,
        %get3A_273 = vector.shape_cast %get3A_272 : vector<1x16xf32> to vector<16xf32>
        %mul3A_274 = arith.mulf %get3A_273, %gather3A_259 : vector<16xf32>
        %swap3A_275 = arith.index_cast %add3A_234 : i32 to index
        %swap3A_276 = arith.constant 16 : index
        %swap3A_277 = tpu.vector_load %arg20[%swap3A_275, %swap3A_276] {strides = array<i32>} : memref<64x128xf32, #tpu.memory_space<vmem>>, vector<1x16xf32>,
        %swap3A_278 = vector.shape_cast %swap3A_277 : vector<1x16xf32> to vector<16xf32>
        %swap3A_279 = vector.shape_cast %mul3A_274 : vector<16xf32> to vector<1x16xf32>
        tpu.vector_store %arg20[%swap3A_275, %swap3A_276], %swap3A_279 {strides = array<i32>} : memref<64x128xf32, #tpu.memory_space<vmem>>, vector<1x16xf32>,
        %broadcast_in_dim3A_280 = arith.constant 1 : i32
        %broadcast_in_dim3A_281 = vector.broadcast %broadcast_in_dim3A_280 : i32 to vector<16x1xi32>
        %gather3A_282 = vector.shape_cast %broadcast_in_dim3A_281 : vector<16x1xi32> to vector<16xi32>
        %gather3A_283 = tpu.dynamic_gather %mul3A_252[%gather3A_282] in [0] : vector<16xf32>, vector<16xi32> -> vector<16xf32>
        %get3A_284 = arith.index_cast %add3A_234 : i32 to index
        %get3A_285 = arith.constant 32 : index
        %get3A_286 = tpu.vector_load %arg20[%get3A_284, %get3A_285] {strides = array<i32>} : memref<64x128xf32, #tpu.memory_space<vmem>>, vector<1x16xf32>,
        %get3A_287 = vector.shape_cast %get3A_286 : vector<1x16xf32> to vector<16xf32>
        %mul3A_288 = arith.mulf %get3A_287, %gather3A_283 : vector<16xf32>
        %swap3A_289 = arith.index_cast %add3A_234 : i32 to index
        %swap3A_290 = arith.constant 32 : index
        %swap3A_291 = tpu.vector_load %arg20[%swap3A_289, %swap3A_290] {strides = array<i32>} : memref<64x128xf32, #tpu.memory_space<vmem>>, vector<1x16xf32>,
        %swap3A_292 = vector.shape_cast %swap3A_291 : vector<1x16xf32> to vector<16xf32>
        %swap3A_293 = vector.shape_cast %mul3A_288 : vector<16xf32> to vector<1x16xf32>
        tpu.vector_store %arg20[%swap3A_289, %swap3A_290], %swap3A_293 {strides = array<i32>} : memref<64x128xf32, #tpu.memory_space<vmem>>, vector<1x16xf32>,
        %get3A_294 = arith.index_cast %add3A_234 : i32 to index
        %get3A_295 = arith.constant 48 : index
        %get3A_296 = tpu.vector_load %arg20[%get3A_294, %get3A_295] {strides = array<i32>} : memref<64x128xf32, #tpu.memory_space<vmem>>, vector<1x16xf32>,
        %get3A_297 = vector.shape_cast %get3A_296 : vector<1x16xf32> to vector<16xf32>
        %mul3A_298 = arith.mulf %get3A_297, %gather3A_283 : vector<16xf32>
        %swap3A_299 = arith.index_cast %add3A_234 : i32 to index
        %swap3A_300 = arith.constant 48 : index
        %swap3A_301 = tpu.vector_load %arg20[%swap3A_299, %swap3A_300] {strides = array<i32>} : memref<64x128xf32, #tpu.memory_space<vmem>>, vector<1x16xf32>,
        %swap3A_302 = vector.shape_cast %swap3A_301 : vector<1x16xf32> to vector<16xf32>
        %swap3A_303 = vector.shape_cast %mul3A_298 : vector<16xf32> to vector<1x16xf32>
        tpu.vector_store %arg20[%swap3A_299, %swap3A_300], %swap3A_303 {strides = array<i32>} : memref<64x128xf32, #tpu.memory_space<vmem>>, vector<1x16xf32>,
        %broadcast_in_dim3A_304 = arith.constant 2 : i32
        %broadcast_in_dim3A_305 = vector.broadcast %broadcast_in_dim3A_304 : i32 to vector<16x1xi32>
        %gather3A_306 = vector.shape_cast %broadcast_in_dim3A_305 : vector<16x1xi32> to vector<16xi32>
        %gather3A_307 = tpu.dynamic_gather %mul3A_252[%gather3A_306] in [0] : vector<16xf32>, vector<16xi32> -> vector<16xf32>
        %get3A_308 = arith.index_cast %add3A_234 : i32 to index
        %get3A_309 = arith.constant 64 : index
        %get3A_310 = tpu.vector_load %arg20[%get3A_308, %get3A_309] {strides = array<i32>} : memref<64x128xf32, #tpu.memory_space<vmem>>, vector<1x16xf32>,
        %get3A_311 = vector.shape_cast %get3A_310 : vector<1x16xf32> to vector<16xf32>
        %mul3A_312 = arith.mulf %get3A_311, %gather3A_307 : vector<16xf32>
        %swap3A_313 = arith.index_cast %add3A_234 : i32 to index
        %swap3A_314 = arith.constant 64 : index
        %swap3A_315 = tpu.vector_load %arg20[%swap3A_313, %swap3A_314] {strides = array<i32>} : memref<64x128xf32, #tpu.memory_space<vmem>>, vector<1x16xf32>,
        %swap3A_316 = vector.shape_cast %swap3A_315 : vector<1x16xf32> to vector<16xf32>
        %swap3A_317 = vector.shape_cast %mul3A_312 : vector<16xf32> to vector<1x16xf32>
        tpu.vector_store %arg20[%swap3A_313, %swap3A_314], %swap3A_317 {strides = array<i32>} : memref<64x128xf32, #tpu.memory_space<vmem>>, vector<1x16xf32>,
        %get3A_318 = arith.index_cast %add3A_234 : i32 to index
        %get3A_319 = arith.constant 80 : index
        %get3A_320 = tpu.vector_load %arg20[%get3A_318, %get3A_319] {strides = array<i32>} : memref<64x128xf32, #tpu.memory_space<vmem>>, vector<1x16xf32>,
        %get3A_321 = vector.shape_cast %get3A_320 : vector<1x16xf32> to vector<16xf32>
        %mul3A_322 = arith.mulf %get3A_321, %gather3A_307 : vector<16xf32>
        %swap3A_323 = arith.index_cast %add3A_234 : i32 to index
        %swap3A_324 = arith.constant 80 : index
        %swap3A_325 = tpu.vector_load %arg20[%swap3A_323, %swap3A_324] {strides = array<i32>} : memref<64x128xf32, #tpu.memory_space<vmem>>, vector<1x16xf32>,
        %swap3A_326 = vector.shape_cast %swap3A_325 : vector<1x16xf32> to vector<16xf32>
        %swap3A_327 = vector.shape_cast %mul3A_322 : vector<16xf32> to vector<1x16xf32>
        tpu.vector_store %arg20[%swap3A_323, %swap3A_324], %swap3A_327 {strides = array<i32>} : memref<64x128xf32, #tpu.memory_space<vmem>>, vector<1x16xf32>,
        %broadcast_in_dim3A_328 = arith.constant 3 : i32
        %broadcast_in_dim3A_329 = vector.broadcast %broadcast_in_dim3A_328 : i32 to vector<16x1xi32>
        %gather3A_330 = vector.shape_cast %broadcast_in_dim3A_329 : vector<16x1xi32> to vector<16xi32>
        %gather3A_331 = tpu.dynamic_gather %mul3A_252[%gather3A_330] in [0] : vector<16xf32>, vector<16xi32> -> vector<16xf32>
        %get3A_332 = arith.index_cast %add3A_234 : i32 to index
        %get3A_333 = arith.constant 96 : index
        %get3A_334 = tpu.vector_load %arg20[%get3A_332, %get3A_333] {strides = array<i32>} : memref<64x128xf32, #tpu.memory_space<vmem>>, vector<1x16xf32>,
        %get3A_335 = vector.shape_cast %get3A_334 : vector<1x16xf32> to vector<16xf32>
        %mul3A_336 = arith.mulf %get3A_335, %gather3A_331 : vector<16xf32>
        %swap3A_337 = arith.index_cast %add3A_234 : i32 to index
        %swap3A_338 = arith.constant 96 : index
        %swap3A_339 = tpu.vector_load %arg20[%swap3A_337, %swap3A_338] {strides = array<i32>} : memref<64x128xf32, #tpu.memory_space<vmem>>, vector<1x16xf32>,
        %swap3A_340 = vector.shape_cast %swap3A_339 : vector<1x16xf32> to vector<16xf32>
        %swap3A_341 = vector.shape_cast %mul3A_336 : vector<16xf32> to vector<1x16xf32>
        tpu.vector_store %arg20[%swap3A_337, %swap3A_338], %swap3A_341 {strides = array<i32>} : memref<64x128xf32, #tpu.memory_space<vmem>>, vector<1x16xf32>,
        %get3A_342 = arith.index_cast %add3A_234 : i32 to index
        %get3A_343 = arith.constant 112 : index
        %get3A_344 = tpu.vector_load %arg20[%get3A_342, %get3A_343] {strides = array<i32>} : memref<64x128xf32, #tpu.memory_space<vmem>>, vector<1x16xf32>,
        %get3A_345 = vector.shape_cast %get3A_344 : vector<1x16xf32> to vector<16xf32>
        %mul3A_346 = arith.mulf %get3A_345, %gather3A_331 : vector<16xf32>
        %swap3A_347 = arith.index_cast %add3A_234 : i32 to index
        %swap3A_348 = arith.constant 112 : index
        %swap3A_349 = tpu.vector_load %arg20[%swap3A_347, %swap3A_348] {strides = array<i32>} : memref<64x128xf32, #tpu.memory_space<vmem>>, vector<1x16xf32>,
        %swap3A_350 = vector.shape_cast %swap3A_349 : vector<1x16xf32> to vector<16xf32>
        %swap3A_351 = vector.shape_cast %mul3A_346 : vector<16xf32> to vector<1x16xf32>
        tpu.vector_store %arg20[%swap3A_347, %swap3A_348], %swap3A_351 {strides = array<i32>} : memref<64x128xf32, #tpu.memory_space<vmem>>, vector<1x16xf32>,
        %mul3A_352 = arith.constant 2 : i32
        %mul3A_353 = arith.muli %scan3A_230, %mul3A_352 : i32
        %add3A_354 = arith.constant 1 : i32
        %add3A_355 = arith.addi %mul3A_353, %add3A_354 : i32
        %get3A_356 = arith.index_cast %add3A_355 : i32 to index
        %get3A_357 = arith.constant 0 : index
        %get3A_358 = tpu.vector_load %arg15[%get3A_356, %get3A_357] {strides = array<i32>} : memref<64x16xf32, #tpu.memory_space<vmem>>, vector<1x16xf32>,
        %get3A_359 = vector.shape_cast %get3A_358 : vector<1x16xf32> to vector<16xf32>
        %get3A_360 = arith.index_cast %add3A_355 : i32 to index
        %get3A_361 = arith.constant 0 : index
        %get3A_362 = tpu.vector_load %arg17[%get3A_360, %get3A_361] {strides = array<i32>} : memref<64x16xf32, #tpu.memory_space<vmem>>, vector<1x16xf32>,
        %get3A_363 = vector.shape_cast %get3A_362 : vector<1x16xf32> to vector<16xf32>
        %add3A_364 = arith.addf %get3A_359, %get3A_363 : vector<16xf32>
        %ge3A_365 = arith.constant 0.000000e+00 : f32
        %ge3A_366 = vector.broadcast %ge3A_365 : f32 to vector<16xf32>
        %ge3A_367 = arith.cmpf oge, %add3A_364, %ge3A_366 : vector<16xf32>
        %mul3A_368 = arith.constant 2.000000e-01 : f32
        %mul3A_369 = vector.broadcast %mul3A_368 : f32 to vector<16xf32>
        %mul3A_370 = arith.mulf %add3A_364, %mul3A_369 : vector<16xf32>
        %select_n3A_371 = arith.select %ge3A_367, %add3A_364, %mul3A_370 : vector<16xi1>, vector<16xf32>
        %exp3A_372 = math.exp %select_n3A_371 : vector<16xf32>
        %get3A_373 = arith.index_cast %add3A_355 : i32 to index
        %get3A_374 = arith.constant 0 : index
        %get3A_375 = tpu.vector_load %arg21[%get3A_373, %get3A_374] {strides = array<i32>} : memref<64x16xf32, #tpu.memory_space<vmem>>, vector<1x16xf32>,
        %get3A_376 = vector.shape_cast %get3A_375 : vector<1x16xf32> to vector<16xf32>
        %mul3A_377 = arith.mulf %exp3A_372, %get3A_376 : vector<16xf32>
        %swap3A_378 = arith.index_cast %add3A_355 : i32 to index
        %swap3A_379 = arith.constant 0 : index
        %swap3A_380 = tpu.vector_load %arg18[%swap3A_378, %swap3A_379] {strides = array<i32>} : memref<64x16xf32, #tpu.memory_space<vmem>>, vector<1x16xf32>,
        %swap3A_381 = vector.shape_cast %swap3A_380 : vector<1x16xf32> to vector<16xf32>
        %swap3A_382 = vector.shape_cast %mul3A_377 : vector<16xf32> to vector<1x16xf32>
        tpu.vector_store %arg18[%swap3A_378, %swap3A_379], %swap3A_382 {strides = array<i32>} : memref<64x16xf32, #tpu.memory_space<vmem>>, vector<1x16xf32>,
        %broadcast_in_dim3A_383 = arith.constant 0 : i32
        %broadcast_in_dim3A_384 = vector.broadcast %broadcast_in_dim3A_383 : i32 to vector<16x1xi32>
        %gather3A_385 = vector.shape_cast %broadcast_in_dim3A_384 : vector<16x1xi32> to vector<16xi32>
        %gather3A_386 = tpu.dynamic_gather %mul3A_377[%gather3A_385] in [0] : vector<16xf32>, vector<16xi32> -> vector<16xf32>
        %get3A_387 = arith.index_cast %add3A_355 : i32 to index
        %get3A_388 = arith.constant 0 : index
        %get3A_389 = tpu.vector_load %arg20[%get3A_387, %get3A_388] {strides = array<i32>} : memref<64x128xf32, #tpu.memory_space<vmem>>, vector<1x16xf32>,
        %get3A_390 = vector.shape_cast %get3A_389 : vector<1x16xf32> to vector<16xf32>
        %mul3A_391 = arith.mulf %get3A_390, %gather3A_386 : vector<16xf32>
        %swap3A_392 = arith.index_cast %add3A_355 : i32 to index
        %swap3A_393 = arith.constant 0 : index
        %swap3A_394 = tpu.vector_load %arg20[%swap3A_392, %swap3A_393] {strides = array<i32>} : memref<64x128xf32, #tpu.memory_space<vmem>>, vector<1x16xf32>,
        %swap3A_395 = vector.shape_cast %swap3A_394 : vector<1x16xf32> to vector<16xf32>
        %swap3A_396 = vector.shape_cast %mul3A_391 : vector<16xf32> to vector<1x16xf32>
        tpu.vector_store %arg20[%swap3A_392, %swap3A_393], %swap3A_396 {strides = array<i32>} : memref<64x128xf32, #tpu.memory_space<vmem>>, vector<1x16xf32>,
        %get3A_397 = arith.index_cast %add3A_355 : i32 to index
        %get3A_398 = arith.constant 16 : index
        %get3A_399 = tpu.vector_load %arg20[%get3A_397, %get3A_398] {strides = array<i32>} : memref<64x128xf32, #tpu.memory_space<vmem>>, vector<1x16xf32>,
        %get3A_400 = vector.shape_cast %get3A_399 : vector<1x16xf32> to vector<16xf32>
        %mul3A_401 = arith.mulf %get3A_400, %gather3A_386 : vector<16xf32>
        %swap3A_402 = arith.index_cast %add3A_355 : i32 to index
        %swap3A_403 = arith.constant 16 : index
        %swap3A_404 = tpu.vector_load %arg20[%swap3A_402, %swap3A_403] {strides = array<i32>} : memref<64x128xf32, #tpu.memory_space<vmem>>, vector<1x16xf32>,
        %swap3A_405 = vector.shape_cast %swap3A_404 : vector<1x16xf32> to vector<16xf32>
        %swap3A_406 = vector.shape_cast %mul3A_401 : vector<16xf32> to vector<1x16xf32>
        tpu.vector_store %arg20[%swap3A_402, %swap3A_403], %swap3A_406 {strides = array<i32>} : memref<64x128xf32, #tpu.memory_space<vmem>>, vector<1x16xf32>,
        %broadcast_in_dim3A_407 = arith.constant 1 : i32
        %broadcast_in_dim3A_408 = vector.broadcast %broadcast_in_dim3A_407 : i32 to vector<16x1xi32>
        %gather3A_409 = vector.shape_cast %broadcast_in_dim3A_408 : vector<16x1xi32> to vector<16xi32>
        %gather3A_410 = tpu.dynamic_gather %mul3A_377[%gather3A_409] in [0] : vector<16xf32>, vector<16xi32> -> vector<16xf32>
        %get3A_411 = arith.index_cast %add3A_355 : i32 to index
        %get3A_412 = arith.constant 32 : index
        %get3A_413 = tpu.vector_load %arg20[%get3A_411, %get3A_412] {strides = array<i32>} : memref<64x128xf32, #tpu.memory_space<vmem>>, vector<1x16xf32>,
        %get3A_414 = vector.shape_cast %get3A_413 : vector<1x16xf32> to vector<16xf32>
        %mul3A_415 = arith.mulf %get3A_414, %gather3A_410 : vector<16xf32>
        %swap3A_416 = arith.index_cast %add3A_355 : i32 to index
        %swap3A_417 = arith.constant 32 : index
        %swap3A_418 = tpu.vector_load %arg20[%swap3A_416, %swap3A_417] {strides = array<i32>} : memref<64x128xf32, #tpu.memory_space<vmem>>, vector<1x16xf32>,
        %swap3A_419 = vector.shape_cast %swap3A_418 : vector<1x16xf32> to vector<16xf32>
        %swap3A_420 = vector.shape_cast %mul3A_415 : vector<16xf32> to vector<1x16xf32>
        tpu.vector_store %arg20[%swap3A_416, %swap3A_417], %swap3A_420 {strides = array<i32>} : memref<64x128xf32, #tpu.memory_space<vmem>>, vector<1x16xf32>,
        %get3A_421 = arith.index_cast %add3A_355 : i32 to index
        %get3A_422 = arith.constant 48 : index
        %get3A_423 = tpu.vector_load %arg20[%get3A_421, %get3A_422] {strides = array<i32>} : memref<64x128xf32, #tpu.memory_space<vmem>>, vector<1x16xf32>,
        %get3A_424 = vector.shape_cast %get3A_423 : vector<1x16xf32> to vector<16xf32>
        %mul3A_425 = arith.mulf %get3A_424, %gather3A_410 : vector<16xf32>
        %swap3A_426 = arith.index_cast %add3A_355 : i32 to index
        %swap3A_427 = arith.constant 48 : index
        %swap3A_428 = tpu.vector_load %arg20[%swap3A_426, %swap3A_427] {strides = array<i32>} : memref<64x128xf32, #tpu.memory_space<vmem>>, vector<1x16xf32>,
        %swap3A_429 = vector.shape_cast %swap3A_428 : vector<1x16xf32> to vector<16xf32>
        %swap3A_430 = vector.shape_cast %mul3A_425 : vector<16xf32> to vector<1x16xf32>
        tpu.vector_store %arg20[%swap3A_426, %swap3A_427], %swap3A_430 {strides = array<i32>} : memref<64x128xf32, #tpu.memory_space<vmem>>, vector<1x16xf32>,
        %broadcast_in_dim3A_431 = arith.constant 2 : i32
        %broadcast_in_dim3A_432 = vector.broadcast %broadcast_in_dim3A_431 : i32 to vector<16x1xi32>
        %gather3A_433 = vector.shape_cast %broadcast_in_dim3A_432 : vector<16x1xi32> to vector<16xi32>
        %gather3A_434 = tpu.dynamic_gather %mul3A_377[%gather3A_433] in [0] : vector<16xf32>, vector<16xi32> -> vector<16xf32>
        %get3A_435 = arith.index_cast %add3A_355 : i32 to index
        %get3A_436 = arith.constant 64 : index
        %get3A_437 = tpu.vector_load %arg20[%get3A_435, %get3A_436] {strides = array<i32>} : memref<64x128xf32, #tpu.memory_space<vmem>>, vector<1x16xf32>,
        %get3A_438 = vector.shape_cast %get3A_437 : vector<1x16xf32> to vector<16xf32>
        %mul3A_439 = arith.mulf %get3A_438, %gather3A_434 : vector<16xf32>
        %swap3A_440 = arith.index_cast %add3A_355 : i32 to index
        %swap3A_441 = arith.constant 64 : index
        %swap3A_442 = tpu.vector_load %arg20[%swap3A_440, %swap3A_441] {strides = array<i32>} : memref<64x128xf32, #tpu.memory_space<vmem>>, vector<1x16xf32>,
        %swap3A_443 = vector.shape_cast %swap3A_442 : vector<1x16xf32> to vector<16xf32>
        %swap3A_444 = vector.shape_cast %mul3A_439 : vector<16xf32> to vector<1x16xf32>
        tpu.vector_store %arg20[%swap3A_440, %swap3A_441], %swap3A_444 {strides = array<i32>} : memref<64x128xf32, #tpu.memory_space<vmem>>, vector<1x16xf32>,
        %get3A_445 = arith.index_cast %add3A_355 : i32 to index
        %get3A_446 = arith.constant 80 : index
        %get3A_447 = tpu.vector_load %arg20[%get3A_445, %get3A_446] {strides = array<i32>} : memref<64x128xf32, #tpu.memory_space<vmem>>, vector<1x16xf32>,
        %get3A_448 = vector.shape_cast %get3A_447 : vector<1x16xf32> to vector<16xf32>
        %mul3A_449 = arith.mulf %get3A_448, %gather3A_434 : vector<16xf32>
        %swap3A_450 = arith.index_cast %add3A_355 : i32 to index
        %swap3A_451 = arith.constant 80 : index
        %swap3A_452 = tpu.vector_load %arg20[%swap3A_450, %swap3A_451] {strides = array<i32>} : memref<64x128xf32, #tpu.memory_space<vmem>>, vector<1x16xf32>,
        %swap3A_453 = vector.shape_cast %swap3A_452 : vector<1x16xf32> to vector<16xf32>
        %swap3A_454 = vector.shape_cast %mul3A_449 : vector<16xf32> to vector<1x16xf32>
        tpu.vector_store %arg20[%swap3A_450, %swap3A_451], %swap3A_454 {strides = array<i32>} : memref<64x128xf32, #tpu.memory_space<vmem>>, vector<1x16xf32>,
        %broadcast_in_dim3A_455 = arith.constant 3 : i32
        %broadcast_in_dim3A_456 = vector.broadcast %broadcast_in_dim3A_455 : i32 to vector<16x1xi32>
        %gather3A_457 = vector.shape_cast %broadcast_in_dim3A_456 : vector<16x1xi32> to vector<16xi32>
        %gather3A_458 = tpu.dynamic_gather %mul3A_377[%gather3A_457] in [0] : vector<16xf32>, vector<16xi32> -> vector<16xf32>
        %get3A_459 = arith.index_cast %add3A_355 : i32 to index
        %get3A_460 = arith.constant 96 : index
        %get3A_461 = tpu.vector_load %arg20[%get3A_459, %get3A_460] {strides = array<i32>} : memref<64x128xf32, #tpu.memory_space<vmem>>, vector<1x16xf32>,
        %get3A_462 = vector.shape_cast %get3A_461 : vector<1x16xf32> to vector<16xf32>
        %mul3A_463 = arith.mulf %get3A_462, %gather3A_458 : vector<16xf32>
        %swap3A_464 = arith.index_cast %add3A_355 : i32 to index
        %swap3A_465 = arith.constant 96 : index
        %swap3A_466 = tpu.vector_load %arg20[%swap3A_464, %swap3A_465] {strides = array<i32>} : memref<64x128xf32, #tpu.memory_space<vmem>>, vector<1x16xf32>,
        %swap3A_467 = vector.shape_cast %swap3A_466 : vector<1x16xf32> to vector<16xf32>
        %swap3A_468 = vector.shape_cast %mul3A_463 : vector<16xf32> to vector<1x16xf32>
        tpu.vector_store %arg20[%swap3A_464, %swap3A_465], %swap3A_468 {strides = array<i32>} : memref<64x128xf32, #tpu.memory_space<vmem>>, vector<1x16xf32>,
        %get3A_469 = arith.index_cast %add3A_355 : i32 to index
        %get3A_470 = arith.constant 112 : index
        %get3A_471 = tpu.vector_load %arg20[%get3A_469, %get3A_470] {strides = array<i32>} : memref<64x128xf32, #tpu.memory_space<vmem>>, vector<1x16xf32>,
        %get3A_472 = vector.shape_cast %get3A_471 : vector<1x16xf32> to vector<16xf32>
        %mul3A_473 = arith.mulf %get3A_472, %gather3A_458 : vector<16xf32>
        %swap3A_474 = arith.index_cast %add3A_355 : i32 to index
        %swap3A_475 = arith.constant 112 : index
        %swap3A_476 = tpu.vector_load %arg20[%swap3A_474, %swap3A_475] {strides = array<i32>} : memref<64x128xf32, #tpu.memory_space<vmem>>, vector<1x16xf32>,
        %swap3A_477 = vector.shape_cast %swap3A_476 : vector<1x16xf32> to vector<16xf32>
        %swap3A_478 = vector.shape_cast %mul3A_473 : vector<16xf32> to vector<1x16xf32>
        tpu.vector_store %arg20[%swap3A_474, %swap3A_475], %swap3A_478 {strides = array<i32>} : memref<64x128xf32, #tpu.memory_space<vmem>>, vector<1x16xf32>,
      }
      %scan3A_229 = arith.constant 32 : i32
      "tpu.region"() ({
        %run_scoped3A = tpu.sem_alloc : memref<!tpu.dma_semaphore, #tpu.memory_space<semaphore_mem>>
        %dma_start3A_230 = arith.constant 0 : i32
        %dma_start3A_231 = tpu.memref_slice %arg11[%add3A_184, %dma_start3A_230] : memref<84x64xi32, #tpu.memory_space<vmem>> -> memref<1x64xi32, #tpu.memory_space<vmem>>
        %dma_start3A_232 = tpu.memref_squeeze %dma_start3A_231 : memref<1x64xi32, #tpu.memory_space<vmem>> -> memref<64xi32, #tpu.memory_space<vmem>>
        %dma_start3A_233 = arith.constant 0 : i32
        %dma_start3A_234 = arith.constant 0 : i32
        %dma_start3A_235 = tpu.memref_slice %arg23[%dma_start3A_233, %dma_start3A_234] : memref<10240x16xf32, #tpu.memory_space<vmem_shared>> -> memref<10240x16xf32, #tpu.memory_space<vmem_shared>>
        tpu.enqueue_indirect_dma source(%arg18 : memref<64x16xf32, #tpu.memory_space<vmem>>) target(%dma_start3A_235 : memref<10240x16xf32, #tpu.memory_space<vmem_shared>>) offsets(%dma_start3A_232 : memref<64xi32, #tpu.memory_space<vmem>>) semaphore(%run_scoped3A : memref<!tpu.dma_semaphore, #tpu.memory_space<semaphore_mem>>) {add = true}
        %dma_wait3A_236 = arith.constant 0 : i32
        %dma_wait3A_237 = tpu.memref_slice %arg11[%add3A_184, %dma_wait3A_236] : memref<84x64xi32, #tpu.memory_space<vmem>> -> memref<1x64xi32, #tpu.memory_space<vmem>>
        %dma_wait3A_238 = tpu.memref_squeeze %dma_wait3A_237 : memref<1x64xi32, #tpu.memory_space<vmem>> -> memref<64xi32, #tpu.memory_space<vmem>>
        %dma_wait3A_239 = arith.constant 0 : i32
        %dma_wait3A_240 = arith.constant 0 : i32
        %dma_wait3A_241 = tpu.memref_slice %arg23[%dma_wait3A_239, %dma_wait3A_240] : memref<10240x16xf32, #tpu.memory_space<vmem_shared>> -> memref<10240x16xf32, #tpu.memory_space<vmem_shared>>
        tpu.wait_indirect_dma semaphore(%run_scoped3A : memref<!tpu.dma_semaphore, #tpu.memory_space<semaphore_mem>>) src(%arg18 : memref<64x16xf32, #tpu.memory_space<vmem>>) dst(%dma_wait3A_241 : memref<10240x16xf32, #tpu.memory_space<vmem_shared>>)
        tpu.yield
      }) : () -> ()
      "tpu.region"() ({
        %run_scoped3A = tpu.sem_alloc : memref<!tpu.dma_semaphore, #tpu.memory_space<semaphore_mem>>
        %dma_start3A_230 = arith.constant 0 : i32
        %dma_start3A_231 = tpu.memref_slice %arg11[%add3A_184, %dma_start3A_230] : memref<84x64xi32, #tpu.memory_space<vmem>> -> memref<1x64xi32, #tpu.memory_space<vmem>>
        %dma_start3A_232 = tpu.memref_squeeze %dma_start3A_231 : memref<1x64xi32, #tpu.memory_space<vmem>> -> memref<64xi32, #tpu.memory_space<vmem>>
        %dma_start3A_233 = arith.constant 0 : i32
        %dma_start3A_234 = arith.constant 0 : i32
        %dma_start3A_235 = tpu.memref_slice %arg22[%dma_start3A_233, %dma_start3A_234] : memref<10240x128xf32, #tpu.memory_space<vmem_shared>> -> memref<10240x128xf32, #tpu.memory_space<vmem_shared>>
        tpu.enqueue_indirect_dma source(%arg20 : memref<64x128xf32, #tpu.memory_space<vmem>>) target(%dma_start3A_235 : memref<10240x128xf32, #tpu.memory_space<vmem_shared>>) offsets(%dma_start3A_232 : memref<64xi32, #tpu.memory_space<vmem>>) semaphore(%run_scoped3A : memref<!tpu.dma_semaphore, #tpu.memory_space<semaphore_mem>>) {add = true}
        %dma_wait3A_236 = arith.constant 0 : i32
        %dma_wait3A_237 = tpu.memref_slice %arg11[%add3A_184, %dma_wait3A_236] : memref<84x64xi32, #tpu.memory_space<vmem>> -> memref<1x64xi32, #tpu.memory_space<vmem>>
        %dma_wait3A_238 = tpu.memref_squeeze %dma_wait3A_237 : memref<1x64xi32, #tpu.memory_space<vmem>> -> memref<64xi32, #tpu.memory_space<vmem>>
        %dma_wait3A_239 = arith.constant 0 : i32
        %dma_wait3A_240 = arith.constant 0 : i32
        %dma_wait3A_241 = tpu.memref_slice %arg22[%dma_wait3A_239, %dma_wait3A_240] : memref<10240x128xf32, #tpu.memory_space<vmem_shared>> -> memref<10240x128xf32, #tpu.memory_space<vmem_shared>>
        tpu.wait_indirect_dma semaphore(%run_scoped3A : memref<!tpu.dma_semaphore, #tpu.memory_space<semaphore_mem>>) src(%arg20 : memref<64x128xf32, #tpu.memory_space<vmem>>) dst(%dma_wait3A_241 : memref<10240x128xf32, #tpu.memory_space<vmem_shared>>)
        tpu.yield
      }) : () -> ()
    }
    %scan3A_70 = arith.constant 42 : i32
    %dma_wait3A = arith.constant 83 : i32
    %dma_wait3A_71 = arith.constant 0 : i32
    %dma_wait3A_72 = tpu.memref_slice %arg12[%dma_wait3A, %dma_wait3A_71] : memref<84x64xi32, #tpu.memory_space<vmem>> -> memref<1x64xi32, #tpu.memory_space<vmem>>
    %dma_wait3A_73 = tpu.memref_squeeze %dma_wait3A_72 : memref<1x64xi32, #tpu.memory_space<vmem>> -> memref<64xi32, #tpu.memory_space<vmem>>
    %dma_wait3A_74 = arith.constant 0 : i32
    %dma_wait3A_75 = arith.constant 0 : i32
    %dma_wait3A_76 = tpu.memref_slice %arg6[%dma_wait3A_74, %dma_wait3A_75] : memref<92160x16xf32, #tpu.memory_space<hbm>> -> memref<92160x16xf32, #tpu.memory_space<hbm>>
    tpu.wait_indirect_dma semaphore(%arg24 : memref<!tpu.dma_semaphore, #tpu.memory_space<semaphore_mem>>) src(%dma_wait3A_76 : memref<92160x16xf32, #tpu.memory_space<hbm>>) dst(%arg14 : memref<64x16xf32, #tpu.memory_space<vmem>>)
    %dma_wait3A_77 = arith.constant 83 : i32
    %dma_wait3A_78 = arith.constant 0 : i32
    %dma_wait3A_79 = tpu.memref_slice %arg13[%dma_wait3A_77, %dma_wait3A_78] : memref<84x64xi32, #tpu.memory_space<vmem>> -> memref<1x64xi32, #tpu.memory_space<vmem>>
    %dma_wait3A_80 = tpu.memref_squeeze %dma_wait3A_79 : memref<1x64xi32, #tpu.memory_space<vmem>> -> memref<64xi32, #tpu.memory_space<vmem>>
    %dma_wait3A_81 = arith.constant 0 : i32
    %dma_wait3A_82 = arith.constant 0 : i32
    %dma_wait3A_83 = tpu.memref_slice %arg7[%dma_wait3A_81, %dma_wait3A_82] : memref<92160x16xf32, #tpu.memory_space<hbm>> -> memref<92160x16xf32, #tpu.memory_space<hbm>>
    tpu.wait_indirect_dma semaphore(%arg24 : memref<!tpu.dma_semaphore, #tpu.memory_space<semaphore_mem>>) src(%dma_wait3A_83 : memref<92160x16xf32, #tpu.memory_space<hbm>>) dst(%arg16 : memref<64x16xf32, #tpu.memory_space<vmem>>)
    %dma_wait3A_84 = arith.constant 83 : i32
    %dma_wait3A_85 = arith.constant 0 : i32
    %dma_wait3A_86 = tpu.memref_slice %arg12[%dma_wait3A_84, %dma_wait3A_85] : memref<84x64xi32, #tpu.memory_space<vmem>> -> memref<1x64xi32, #tpu.memory_space<vmem>>
    %dma_wait3A_87 = tpu.memref_squeeze %dma_wait3A_86 : memref<1x64xi32, #tpu.memory_space<vmem>> -> memref<64xi32, #tpu.memory_space<vmem>>
    %dma_wait3A_88 = arith.constant 0 : i32
    %dma_wait3A_89 = arith.constant 0 : i32
    %dma_wait3A_90 = tpu.memref_slice %arg8[%dma_wait3A_88, %dma_wait3A_89] : memref<92160x128xf32, #tpu.memory_space<hbm>> -> memref<92160x128xf32, #tpu.memory_space<hbm>>
    tpu.wait_indirect_dma semaphore(%arg26 : memref<!tpu.dma_semaphore, #tpu.memory_space<semaphore_mem>>) src(%dma_wait3A_90 : memref<92160x128xf32, #tpu.memory_space<hbm>>) dst(%arg19 : memref<64x128xf32, #tpu.memory_space<vmem>>)
    %barrier3A_91 = arith.constant 0 : index
    tpu.barrier barrier_id(%barrier3A_91)
    %mul3A_92 = arith.constant 640 : i32
    %mul3A_93 = arith.muli %arg1, %mul3A_92 : i32
    %add3A_94 = arith.constant 0 : i32
    %add3A_95 = arith.addi %mul3A_93, %add3A_94 : i32
    "tpu.region"() ({
      %run_scoped3A = tpu.sem_alloc : memref<!tpu.dma_semaphore, #tpu.memory_space<semaphore_mem>>
      %dma_start3A_132 = arith.constant 0 : i32
      %dma_start3A_133 = tpu.memref_slice %arg22[%add3A_95, %dma_start3A_132] : memref<10240x128xf32, #tpu.memory_space<vmem_shared>> -> memref<64x128xf32, #tpu.memory_space<vmem_shared>>
      %dma_start3A_134 = arith.constant 0 : i32
      %dma_start3A_135 = tpu.memref_slice %arg22[%add3A_95, %dma_start3A_134] : memref<10240x128xf32, #tpu.memory_space<vmem_shared>> -> memref<64x128xf32, #tpu.memory_space<vmem_shared>>
      tpu.enqueue_dma source(%dma_start3A_135 : memref<64x128xf32, #tpu.memory_space<vmem_shared>>) target(%arg19 : memref<64x128xf32, #tpu.memory_space<vmem>>) target_semaphore(%run_scoped3A : memref<!tpu.dma_semaphore, #tpu.memory_space<semaphore_mem>>)
      %dma_wait3A_136 = arith.constant 0 : i32
      %dma_wait3A_137 = tpu.memref_slice %arg22[%add3A_95, %dma_wait3A_136] : memref<10240x128xf32, #tpu.memory_space<vmem_shared>> -> memref<64x128xf32, #tpu.memory_space<vmem_shared>>
      %dma_wait3A_138 = arith.constant 0 : i32
      %dma_wait3A_139 = tpu.memref_slice %arg22[%add3A_95, %dma_wait3A_138] : memref<10240x128xf32, #tpu.memory_space<vmem_shared>> -> memref<64x128xf32, #tpu.memory_space<vmem_shared>>
      tpu.wait_dma2 semaphore(%run_scoped3A : memref<!tpu.dma_semaphore, #tpu.memory_space<semaphore_mem>>) src(%dma_wait3A_139 : memref<64x128xf32, #tpu.memory_space<vmem_shared>>) dst(%arg19 : memref<64x128xf32, #tpu.memory_space<vmem>>)
      tpu.yield
    }) : () -> ()
    "tpu.region"() ({
      %run_scoped3A = tpu.sem_alloc : memref<!tpu.dma_semaphore, #tpu.memory_space<semaphore_mem>>
      %dma_start3A_132 = arith.constant 0 : i32
      %dma_start3A_133 = tpu.memref_slice %arg9[%arg0, %add3A_95, %dma_start3A_132] : memref<2x10240x128xf32, #tpu.memory_space<hbm>> -> memref<1x64x128xf32, #tpu.memory_space<hbm>>
      %dma_start3A_134 = tpu.memref_squeeze %dma_start3A_133 : memref<1x64x128xf32, #tpu.memory_space<hbm>> -> memref<64x128xf32, #tpu.memory_space<hbm>>
      %dma_start3A_135 = arith.constant 0 : i32
      %dma_start3A_136 = tpu.memref_slice %arg9[%arg0, %add3A_95, %dma_start3A_135] : memref<2x10240x128xf32, #tpu.memory_space<hbm>> -> memref<1x64x128xf32, #tpu.memory_space<hbm>>
      %dma_start3A_137 = tpu.memref_squeeze %dma_start3A_136 : memref<1x64x128xf32, #tpu.memory_space<hbm>> -> memref<64x128xf32, #tpu.memory_space<hbm>>
      tpu.enqueue_dma source(%arg19 : memref<64x128xf32, #tpu.memory_space<vmem>>) target(%dma_start3A_137 : memref<64x128xf32, #tpu.memory_space<hbm>>) target_semaphore(%run_scoped3A : memref<!tpu.dma_semaphore, #tpu.memory_space<semaphore_mem>>)
      %dma_wait3A_138 = arith.constant 0 : i32
      %dma_wait3A_139 = tpu.memref_slice %arg9[%arg0, %add3A_95, %dma_wait3A_138] : memref<2x10240x128xf32, #tpu.memory_space<hbm>> -> memref<1x64x128xf32, #tpu.memory_space<hbm>>
      %dma_wait3A_140 = tpu.memref_squeeze %dma_wait3A_139 : memref<1x64x128xf32, #tpu.memory_space<hbm>> -> memref<64x128xf32, #tpu.memory_space<hbm>>
      %dma_wait3A_141 = arith.constant 0 : i32
      %dma_wait3A_142 = tpu.memref_slice %arg9[%arg0, %add3A_95, %dma_wait3A_141] : memref<2x10240x128xf32, #tpu.memory_space<hbm>> -> memref<1x64x128xf32, #tpu.memory_space<hbm>>
      %dma_wait3A_143 = tpu.memref_squeeze %dma_wait3A_142 : memref<1x64x128xf32, #tpu.memory_space<hbm>> -> memref<64x128xf32, #tpu.memory_space<hbm>>
      tpu.wait_dma2 semaphore(%run_scoped3A : memref<!tpu.dma_semaphore, #tpu.memory_space<semaphore_mem>>) src(%arg19 : memref<64x128xf32, #tpu.memory_space<vmem>>) dst(%dma_wait3A_143 : memref<64x128xf32, #tpu.memory_space<hbm>>)
      tpu.yield
    }) : () -> ()
    "tpu.region"() ({
      %run_scoped3A = tpu.sem_alloc : memref<!tpu.dma_semaphore, #tpu.memory_space<semaphore_mem>>
      %dma_start3A_132 = arith.constant 0 : i32
      %dma_start3A_133 = tpu.memref_slice %arg23[%add3A_95, %dma_start3A_132] : memref<10240x16xf32, #tpu.memory_space<vmem_shared>> -> memref<64x16xf32, #tpu.memory_space<vmem_shared>>
      %dma_start3A_134 = arith.constant 0 : i32
      %dma_start3A_135 = tpu.memref_slice %arg23[%add3A_95, %dma_start3A_134] : memref<10240x16xf32, #tpu.memory_space<vmem_shared>> -> memref<64x16xf32, #tpu.memory_space<vmem_shared>>
      tpu.enqueue_dma source(%dma_start3A_135 : memref<64x16xf32, #tpu.memory_space<vmem_shared>>) target(%arg18 : memref<64x16xf32, #tpu.memory_space<vmem>>) target_semaphore(%run_scoped3A : memref<!tpu.dma_semaphore, #tpu.memory_space<semaphore_mem>>)
      %dma_wait3A_136 = arith.constant 0 : i32
      %dma_wait3A_137 = tpu.memref_slice %arg23[%add3A_95, %dma_wait3A_136] : memref<10240x16xf32, #tpu.memory_space<vmem_shared>> -> memref<64x16xf32, #tpu.memory_space<vmem_shared>>
      %dma_wait3A_138 = arith.constant 0 : i32
      %dma_wait3A_139 = tpu.memref_slice %arg23[%add3A_95, %dma_wait3A_138] : memref<10240x16xf32, #tpu.memory_space<vmem_shared>> -> memref<64x16xf32, #tpu.memory_space<vmem_shared>>
      tpu.wait_dma2 semaphore(%run_scoped3A : memref<!tpu.dma_semaphore, #tpu.memory_space<semaphore_mem>>) src(%dma_wait3A_139 : memref<64x16xf32, #tpu.memory_space<vmem_shared>>) dst(%arg18 : memref<64x16xf32, #tpu.memory_space<vmem>>)
      tpu.yield
    }) : () -> ()
    "tpu.region"() ({
      %run_scoped3A = tpu.sem_alloc : memref<!tpu.dma_semaphore, #tpu.memory_space<semaphore_mem>>
      %dma_start3A_132 = arith.constant 0 : i32
      %dma_start3A_133 = tpu.memref_slice %arg10[%arg0, %add3A_95, %dma_start3A_132] : memref<2x10240x16xf32, #tpu.memory_space<hbm>> -> memref<1x64x16xf32, #tpu.memory_space<hbm>>
      %dma_start3A_134 = tpu.memref_squeeze %dma_start3A_133 : memref<1x64x16xf32, #tpu.memory_space<hbm>> -> memref<64x16xf32, #tpu.memory_space<hbm>>
      %dma_start3A_135 = arith.constant 0 : i32
      %dma_start3A_136 = tpu.memref_slice %arg10[%arg0, %add3A_95, %dma_start3A_135] : memref<2x10240x16xf32, #tpu.memory_space<hbm>> -> memref<1x64x16xf32, #tpu.memory_space<hbm>>
      %dma_start3A_137 = tpu.memref_squeeze %dma_start3A_136 : memref<1x64x16xf32, #tpu.memory_space<hbm>> -> memref<64x16xf32, #tpu.memory_space<hbm>>
      tpu.enqueue_dma source(%arg18 : memref<64x16xf32, #tpu.memory_space<vmem>>) target(%dma_start3A_137 : memref<64x16xf32, #tpu.memory_space<hbm>>) target_semaphore(%run_scoped3A : memref<!tpu.dma_semaphore, #tpu.memory_space<semaphore_mem>>)
      %dma_wait3A_138 = arith.constant 0 : i32
      %dma_wait3A_139 = tpu.memref_slice %arg10[%arg0, %add3A_95, %dma_wait3A_138] : memref<2x10240x16xf32, #tpu.memory_space<hbm>> -> memref<1x64x16xf32, #tpu.memory_space<hbm>>
      %dma_wait3A_140 = tpu.memref_squeeze %dma_wait3A_139 : memref<1x64x16xf32, #tpu.memory_space<hbm>> -> memref<64x16xf32, #tpu.memory_space<hbm>>
      %dma_wait3A_141 = arith.constant 0 : i32
      %dma_wait3A_142 = tpu.memref_slice %arg10[%arg0, %add3A_95, %dma_wait3A_141] : memref<2x10240x16xf32, #tpu.memory_space<hbm>> -> memref<1x64x16xf32, #tpu.memory_space<hbm>>
      %dma_wait3A_143 = tpu.memref_squeeze %dma_wait3A_142 : memref<1x64x16xf32, #tpu.memory_space<hbm>> -> memref<64x16xf32, #tpu.memory_space<hbm>>
      tpu.wait_dma2 semaphore(%run_scoped3A : memref<!tpu.dma_semaphore, #tpu.memory_space<semaphore_mem>>) src(%arg18 : memref<64x16xf32, #tpu.memory_space<vmem>>) dst(%dma_wait3A_143 : memref<64x16xf32, #tpu.memory_space<hbm>>)
      tpu.yield
    }) : () -> ()
    %mul3A_96 = arith.constant 640 : i32
    %mul3A_97 = arith.muli %arg1, %mul3A_96 : i32
    %add3A_98 = arith.constant 64 : i32
    %add3A_99 = arith.addi %mul3A_97, %add3A_98 : i32
    "tpu.region"() ({
      %run_scoped3A = tpu.sem_alloc : memref<!tpu.dma_semaphore, #tpu.memory_space<semaphore_mem>>
      %dma_start3A_132 = arith.constant 0 : i32
      %dma_start3A_133 = tpu.memref_slice %arg22[%add3A_99, %dma_start3A_132] : memref<10240x128xf32, #tpu.memory_space<vmem_shared>> -> memref<64x128xf32, #tpu.memory_space<vmem_shared>>
      %dma_start3A_134 = arith.constant 0 : i32
      %dma_start3A_135 = tpu.memref_slice %arg22[%add3A_99, %dma_start3A_134] : memref<10240x128xf32, #tpu.memory_space<vmem_shared>> -> memref<64x128xf32, #tpu.memory_space<vmem_shared>>
      tpu.enqueue_dma source(%dma_start3A_135 : memref<64x128xf32, #tpu.memory_space<vmem_shared>>) target(%arg19 : memref<64x128xf32, #tpu.memory_space<vmem>>) target_semaphore(%run_scoped3A : memref<!tpu.dma_semaphore, #tpu.memory_space<semaphore_mem>>)
      %dma_wait3A_136 = arith.constant 0 : i32
      %dma_wait3A_137 = tpu.memref_slice %arg22[%add3A_99, %dma_wait3A_136] : memref<10240x128xf32, #tpu.memory_space<vmem_shared>> -> memref<64x128xf32, #tpu.memory_space<vmem_shared>>
      %dma_wait3A_138 = arith.constant 0 : i32
      %dma_wait3A_139 = tpu.memref_slice %arg22[%add3A_99, %dma_wait3A_138] : memref<10240x128xf32, #tpu.memory_space<vmem_shared>> -> memref<64x128xf32, #tpu.memory_space<vmem_shared>>
      tpu.wait_dma2 semaphore(%run_scoped3A : memref<!tpu.dma_semaphore, #tpu.memory_space<semaphore_mem>>) src(%dma_wait3A_139 : memref<64x128xf32, #tpu.memory_space<vmem_shared>>) dst(%arg19 : memref<64x128xf32, #tpu.memory_space<vmem>>)
      tpu.yield
    }) : () -> ()
    "tpu.region"() ({
      %run_scoped3A = tpu.sem_alloc : memref<!tpu.dma_semaphore, #tpu.memory_space<semaphore_mem>>
      %dma_start3A_132 = arith.constant 0 : i32
      %dma_start3A_133 = tpu.memref_slice %arg9[%arg0, %add3A_99, %dma_start3A_132] : memref<2x10240x128xf32, #tpu.memory_space<hbm>> -> memref<1x64x128xf32, #tpu.memory_space<hbm>>
      %dma_start3A_134 = tpu.memref_squeeze %dma_start3A_133 : memref<1x64x128xf32, #tpu.memory_space<hbm>> -> memref<64x128xf32, #tpu.memory_space<hbm>>
      %dma_start3A_135 = arith.constant 0 : i32
      %dma_start3A_136 = tpu.memref_slice %arg9[%arg0, %add3A_99, %dma_start3A_135] : memref<2x10240x128xf32, #tpu.memory_space<hbm>> -> memref<1x64x128xf32, #tpu.memory_space<hbm>>
      %dma_start3A_137 = tpu.memref_squeeze %dma_start3A_136 : memref<1x64x128xf32, #tpu.memory_space<hbm>> -> memref<64x128xf32, #tpu.memory_space<hbm>>
      tpu.enqueue_dma source(%arg19 : memref<64x128xf32, #tpu.memory_space<vmem>>) target(%dma_start3A_137 : memref<64x128xf32, #tpu.memory_space<hbm>>) target_semaphore(%run_scoped3A : memref<!tpu.dma_semaphore, #tpu.memory_space<semaphore_mem>>)
      %dma_wait3A_138 = arith.constant 0 : i32
      %dma_wait3A_139 = tpu.memref_slice %arg9[%arg0, %add3A_99, %dma_wait3A_138] : memref<2x10240x128xf32, #tpu.memory_space<hbm>> -> memref<1x64x128xf32, #tpu.memory_space<hbm>>
      %dma_wait3A_140 = tpu.memref_squeeze %dma_wait3A_139 : memref<1x64x128xf32, #tpu.memory_space<hbm>> -> memref<64x128xf32, #tpu.memory_space<hbm>>
      %dma_wait3A_141 = arith.constant 0 : i32
      %dma_wait3A_142 = tpu.memref_slice %arg9[%arg0, %add3A_99, %dma_wait3A_141] : memref<2x10240x128xf32, #tpu.memory_space<hbm>> -> memref<1x64x128xf32, #tpu.memory_space<hbm>>
      %dma_wait3A_143 = tpu.memref_squeeze %dma_wait3A_142 : memref<1x64x128xf32, #tpu.memory_space<hbm>> -> memref<64x128xf32, #tpu.memory_space<hbm>>
      tpu.wait_dma2 semaphore(%run_scoped3A : memref<!tpu.dma_semaphore, #tpu.memory_space<semaphore_mem>>) src(%arg19 : memref<64x128xf32, #tpu.memory_space<vmem>>) dst(%dma_wait3A_143 : memref<64x128xf32, #tpu.memory_space<hbm>>)
      tpu.yield
    }) : () -> ()
    "tpu.region"() ({
      %run_scoped3A = tpu.sem_alloc : memref<!tpu.dma_semaphore, #tpu.memory_space<semaphore_mem>>
      %dma_start3A_132 = arith.constant 0 : i32
      %dma_start3A_133 = tpu.memref_slice %arg23[%add3A_99, %dma_start3A_132] : memref<10240x16xf32, #tpu.memory_space<vmem_shared>> -> memref<64x16xf32, #tpu.memory_space<vmem_shared>>
      %dma_start3A_134 = arith.constant 0 : i32
      %dma_start3A_135 = tpu.memref_slice %arg23[%add3A_99, %dma_start3A_134] : memref<10240x16xf32, #tpu.memory_space<vmem_shared>> -> memref<64x16xf32, #tpu.memory_space<vmem_shared>>
      tpu.enqueue_dma source(%dma_start3A_135 : memref<64x16xf32, #tpu.memory_space<vmem_shared>>) target(%arg18 : memref<64x16xf32, #tpu.memory_space<vmem>>) target_semaphore(%run_scoped3A : memref<!tpu.dma_semaphore, #tpu.memory_space<semaphore_mem>>)
      %dma_wait3A_136 = arith.constant 0 : i32
      %dma_wait3A_137 = tpu.memref_slice %arg23[%add3A_99, %dma_wait3A_136] : memref<10240x16xf32, #tpu.memory_space<vmem_shared>> -> memref<64x16xf32, #tpu.memory_space<vmem_shared>>
      %dma_wait3A_138 = arith.constant 0 : i32
      %dma_wait3A_139 = tpu.memref_slice %arg23[%add3A_99, %dma_wait3A_138] : memref<10240x16xf32, #tpu.memory_space<vmem_shared>> -> memref<64x16xf32, #tpu.memory_space<vmem_shared>>
      tpu.wait_dma2 semaphore(%run_scoped3A : memref<!tpu.dma_semaphore, #tpu.memory_space<semaphore_mem>>) src(%dma_wait3A_139 : memref<64x16xf32, #tpu.memory_space<vmem_shared>>) dst(%arg18 : memref<64x16xf32, #tpu.memory_space<vmem>>)
      tpu.yield
    }) : () -> ()
    "tpu.region"() ({
      %run_scoped3A = tpu.sem_alloc : memref<!tpu.dma_semaphore, #tpu.memory_space<semaphore_mem>>
      %dma_start3A_132 = arith.constant 0 : i32
      %dma_start3A_133 = tpu.memref_slice %arg10[%arg0, %add3A_99, %dma_start3A_132] : memref<2x10240x16xf32, #tpu.memory_space<hbm>> -> memref<1x64x16xf32, #tpu.memory_space<hbm>>
      %dma_start3A_134 = tpu.memref_squeeze %dma_start3A_133 : memref<1x64x16xf32, #tpu.memory_space<hbm>> -> memref<64x16xf32, #tpu.memory_space<hbm>>
      %dma_start3A_135 = arith.constant 0 : i32
      %dma_start3A_136 = tpu.memref_slice %arg10[%arg0, %add3A_99, %dma_start3A_135] : memref<2x10240x16xf32, #tpu.memory_space<hbm>> -> memref<1x64x16xf32, #tpu.memory_space<hbm>>
      %dma_start3A_137 = tpu.memref_squeeze %dma_start3A_136 : memref<1x64x16xf32, #tpu.memory_space<hbm>> -> memref<64x16xf32, #tpu.memory_space<hbm>>
      tpu.enqueue_dma source(%arg18 : memref<64x16xf32, #tpu.memory_space<vmem>>) target(%dma_start3A_137 : memref<64x16xf32, #tpu.memory_space<hbm>>) target_semaphore(%run_scoped3A : memref<!tpu.dma_semaphore, #tpu.memory_space<semaphore_mem>>)
      %dma_wait3A_138 = arith.constant 0 : i32
      %dma_wait3A_139 = tpu.memref_slice %arg10[%arg0, %add3A_99, %dma_wait3A_138] : memref<2x10240x16xf32, #tpu.memory_space<hbm>> -> memref<1x64x16xf32, #tpu.memory_space<hbm>>
      %dma_wait3A_140 = tpu.memref_squeeze %dma_wait3A_139 : memref<1x64x16xf32, #tpu.memory_space<hbm>> -> memref<64x16xf32, #tpu.memory_space<hbm>>
      %dma_wait3A_141 = arith.constant 0 : i32
      %dma_wait3A_142 = tpu.memref_slice %arg10[%arg0, %add3A_99, %dma_wait3A_141] : memref<2x10240x16xf32, #tpu.memory_space<hbm>> -> memref<1x64x16xf32, #tpu.memory_space<hbm>>
      %dma_wait3A_143 = tpu.memref_squeeze %dma_wait3A_142 : memref<1x64x16xf32, #tpu.memory_space<hbm>> -> memref<64x16xf32, #tpu.memory_space<hbm>>
      tpu.wait_dma2 semaphore(%run_scoped3A : memref<!tpu.dma_semaphore, #tpu.memory_space<semaphore_mem>>) src(%arg18 : memref<64x16xf32, #tpu.memory_space<vmem>>) dst(%dma_wait3A_143 : memref<64x16xf32, #tpu.memory_space<hbm>>)
      tpu.yield
    }) : () -> ()
    %mul3A_100 = arith.constant 640 : i32
    %mul3A_101 = arith.muli %arg1, %mul3A_100 : i32
    %add3A_102 = arith.constant 128 : i32
    %add3A_103 = arith.addi %mul3A_101, %add3A_102 : i32
    "tpu.region"() ({
      %run_scoped3A = tpu.sem_alloc : memref<!tpu.dma_semaphore, #tpu.memory_space<semaphore_mem>>
      %dma_start3A_132 = arith.constant 0 : i32
      %dma_start3A_133 = tpu.memref_slice %arg22[%add3A_103, %dma_start3A_132] : memref<10240x128xf32, #tpu.memory_space<vmem_shared>> -> memref<64x128xf32, #tpu.memory_space<vmem_shared>>
      %dma_start3A_134 = arith.constant 0 : i32
      %dma_start3A_135 = tpu.memref_slice %arg22[%add3A_103, %dma_start3A_134] : memref<10240x128xf32, #tpu.memory_space<vmem_shared>> -> memref<64x128xf32, #tpu.memory_space<vmem_shared>>
      tpu.enqueue_dma source(%dma_start3A_135 : memref<64x128xf32, #tpu.memory_space<vmem_shared>>) target(%arg19 : memref<64x128xf32, #tpu.memory_space<vmem>>) target_semaphore(%run_scoped3A : memref<!tpu.dma_semaphore, #tpu.memory_space<semaphore_mem>>)
      %dma_wait3A_136 = arith.constant 0 : i32
      %dma_wait3A_137 = tpu.memref_slice %arg22[%add3A_103, %dma_wait3A_136] : memref<10240x128xf32, #tpu.memory_space<vmem_shared>> -> memref<64x128xf32, #tpu.memory_space<vmem_shared>>
      %dma_wait3A_138 = arith.constant 0 : i32
      %dma_wait3A_139 = tpu.memref_slice %arg22[%add3A_103, %dma_wait3A_138] : memref<10240x128xf32, #tpu.memory_space<vmem_shared>> -> memref<64x128xf32, #tpu.memory_space<vmem_shared>>
      tpu.wait_dma2 semaphore(%run_scoped3A : memref<!tpu.dma_semaphore, #tpu.memory_space<semaphore_mem>>) src(%dma_wait3A_139 : memref<64x128xf32, #tpu.memory_space<vmem_shared>>) dst(%arg19 : memref<64x128xf32, #tpu.memory_space<vmem>>)
      tpu.yield
    }) : () -> ()
    "tpu.region"() ({
      %run_scoped3A = tpu.sem_alloc : memref<!tpu.dma_semaphore, #tpu.memory_space<semaphore_mem>>
      %dma_start3A_132 = arith.constant 0 : i32
      %dma_start3A_133 = tpu.memref_slice %arg9[%arg0, %add3A_103, %dma_start3A_132] : memref<2x10240x128xf32, #tpu.memory_space<hbm>> -> memref<1x64x128xf32, #tpu.memory_space<hbm>>
      %dma_start3A_134 = tpu.memref_squeeze %dma_start3A_133 : memref<1x64x128xf32, #tpu.memory_space<hbm>> -> memref<64x128xf32, #tpu.memory_space<hbm>>
      %dma_start3A_135 = arith.constant 0 : i32
      %dma_start3A_136 = tpu.memref_slice %arg9[%arg0, %add3A_103, %dma_start3A_135] : memref<2x10240x128xf32, #tpu.memory_space<hbm>> -> memref<1x64x128xf32, #tpu.memory_space<hbm>>
      %dma_start3A_137 = tpu.memref_squeeze %dma_start3A_136 : memref<1x64x128xf32, #tpu.memory_space<hbm>> -> memref<64x128xf32, #tpu.memory_space<hbm>>
      tpu.enqueue_dma source(%arg19 : memref<64x128xf32, #tpu.memory_space<vmem>>) target(%dma_start3A_137 : memref<64x128xf32, #tpu.memory_space<hbm>>) target_semaphore(%run_scoped3A : memref<!tpu.dma_semaphore, #tpu.memory_space<semaphore_mem>>)
      %dma_wait3A_138 = arith.constant 0 : i32
      %dma_wait3A_139 = tpu.memref_slice %arg9[%arg0, %add3A_103, %dma_wait3A_138] : memref<2x10240x128xf32, #tpu.memory_space<hbm>> -> memref<1x64x128xf32, #tpu.memory_space<hbm>>
      %dma_wait3A_140 = tpu.memref_squeeze %dma_wait3A_139 : memref<1x64x128xf32, #tpu.memory_space<hbm>> -> memref<64x128xf32, #tpu.memory_space<hbm>>
      %dma_wait3A_141 = arith.constant 0 : i32
      %dma_wait3A_142 = tpu.memref_slice %arg9[%arg0, %add3A_103, %dma_wait3A_141] : memref<2x10240x128xf32, #tpu.memory_space<hbm>> -> memref<1x64x128xf32, #tpu.memory_space<hbm>>
      %dma_wait3A_143 = tpu.memref_squeeze %dma_wait3A_142 : memref<1x64x128xf32, #tpu.memory_space<hbm>> -> memref<64x128xf32, #tpu.memory_space<hbm>>
      tpu.wait_dma2 semaphore(%run_scoped3A : memref<!tpu.dma_semaphore, #tpu.memory_space<semaphore_mem>>) src(%arg19 : memref<64x128xf32, #tpu.memory_space<vmem>>) dst(%dma_wait3A_143 : memref<64x128xf32, #tpu.memory_space<hbm>>)
      tpu.yield
    }) : () -> ()
    "tpu.region"() ({
      %run_scoped3A = tpu.sem_alloc : memref<!tpu.dma_semaphore, #tpu.memory_space<semaphore_mem>>
      %dma_start3A_132 = arith.constant 0 : i32
      %dma_start3A_133 = tpu.memref_slice %arg23[%add3A_103, %dma_start3A_132] : memref<10240x16xf32, #tpu.memory_space<vmem_shared>> -> memref<64x16xf32, #tpu.memory_space<vmem_shared>>
      %dma_start3A_134 = arith.constant 0 : i32
      %dma_start3A_135 = tpu.memref_slice %arg23[%add3A_103, %dma_start3A_134] : memref<10240x16xf32, #tpu.memory_space<vmem_shared>> -> memref<64x16xf32, #tpu.memory_space<vmem_shared>>
      tpu.enqueue_dma source(%dma_start3A_135 : memref<64x16xf32, #tpu.memory_space<vmem_shared>>) target(%arg18 : memref<64x16xf32, #tpu.memory_space<vmem>>) target_semaphore(%run_scoped3A : memref<!tpu.dma_semaphore, #tpu.memory_space<semaphore_mem>>)
      %dma_wait3A_136 = arith.constant 0 : i32
      %dma_wait3A_137 = tpu.memref_slice %arg23[%add3A_103, %dma_wait3A_136] : memref<10240x16xf32, #tpu.memory_space<vmem_shared>> -> memref<64x16xf32, #tpu.memory_space<vmem_shared>>
      %dma_wait3A_138 = arith.constant 0 : i32
      %dma_wait3A_139 = tpu.memref_slice %arg23[%add3A_103, %dma_wait3A_138] : memref<10240x16xf32, #tpu.memory_space<vmem_shared>> -> memref<64x16xf32, #tpu.memory_space<vmem_shared>>
      tpu.wait_dma2 semaphore(%run_scoped3A : memref<!tpu.dma_semaphore, #tpu.memory_space<semaphore_mem>>) src(%dma_wait3A_139 : memref<64x16xf32, #tpu.memory_space<vmem_shared>>) dst(%arg18 : memref<64x16xf32, #tpu.memory_space<vmem>>)
      tpu.yield
    }) : () -> ()
    "tpu.region"() ({
      %run_scoped3A = tpu.sem_alloc : memref<!tpu.dma_semaphore, #tpu.memory_space<semaphore_mem>>
      %dma_start3A_132 = arith.constant 0 : i32
      %dma_start3A_133 = tpu.memref_slice %arg10[%arg0, %add3A_103, %dma_start3A_132] : memref<2x10240x16xf32, #tpu.memory_space<hbm>> -> memref<1x64x16xf32, #tpu.memory_space<hbm>>
      %dma_start3A_134 = tpu.memref_squeeze %dma_start3A_133 : memref<1x64x16xf32, #tpu.memory_space<hbm>> -> memref<64x16xf32, #tpu.memory_space<hbm>>
      %dma_start3A_135 = arith.constant 0 : i32
      %dma_start3A_136 = tpu.memref_slice %arg10[%arg0, %add3A_103, %dma_start3A_135] : memref<2x10240x16xf32, #tpu.memory_space<hbm>> -> memref<1x64x16xf32, #tpu.memory_space<hbm>>
      %dma_start3A_137 = tpu.memref_squeeze %dma_start3A_136 : memref<1x64x16xf32, #tpu.memory_space<hbm>> -> memref<64x16xf32, #tpu.memory_space<hbm>>
      tpu.enqueue_dma source(%arg18 : memref<64x16xf32, #tpu.memory_space<vmem>>) target(%dma_start3A_137 : memref<64x16xf32, #tpu.memory_space<hbm>>) target_semaphore(%run_scoped3A : memref<!tpu.dma_semaphore, #tpu.memory_space<semaphore_mem>>)
      %dma_wait3A_138 = arith.constant 0 : i32
      %dma_wait3A_139 = tpu.memref_slice %arg10[%arg0, %add3A_103, %dma_wait3A_138] : memref<2x10240x16xf32, #tpu.memory_space<hbm>> -> memref<1x64x16xf32, #tpu.memory_space<hbm>>
      %dma_wait3A_140 = tpu.memref_squeeze %dma_wait3A_139 : memref<1x64x16xf32, #tpu.memory_space<hbm>> -> memref<64x16xf32, #tpu.memory_space<hbm>>
      %dma_wait3A_141 = arith.constant 0 : i32
      %dma_wait3A_142 = tpu.memref_slice %arg10[%arg0, %add3A_103, %dma_wait3A_141] : memref<2x10240x16xf32, #tpu.memory_space<hbm>> -> memref<1x64x16xf32, #tpu.memory_space<hbm>>
      %dma_wait3A_143 = tpu.memref_squeeze %dma_wait3A_142 : memref<1x64x16xf32, #tpu.memory_space<hbm>> -> memref<64x16xf32, #tpu.memory_space<hbm>>
      tpu.wait_dma2 semaphore(%run_scoped3A : memref<!tpu.dma_semaphore, #tpu.memory_space<semaphore_mem>>) src(%arg18 : memref<64x16xf32, #tpu.memory_space<vmem>>) dst(%dma_wait3A_143 : memref<64x16xf32, #tpu.memory_space<hbm>>)
      tpu.yield
    }) : () -> ()
    %mul3A_104 = arith.constant 640 : i32
    %mul3A_105 = arith.muli %arg1, %mul3A_104 : i32
    %add3A_106 = arith.constant 192 : i32
    %add3A_107 = arith.addi %mul3A_105, %add3A_106 : i32
    "tpu.region"() ({
      %run_scoped3A = tpu.sem_alloc : memref<!tpu.dma_semaphore, #tpu.memory_space<semaphore_mem>>
      %dma_start3A_132 = arith.constant 0 : i32
      %dma_start3A_133 = tpu.memref_slice %arg22[%add3A_107, %dma_start3A_132] : memref<10240x128xf32, #tpu.memory_space<vmem_shared>> -> memref<64x128xf32, #tpu.memory_space<vmem_shared>>
      %dma_start3A_134 = arith.constant 0 : i32
      %dma_start3A_135 = tpu.memref_slice %arg22[%add3A_107, %dma_start3A_134] : memref<10240x128xf32, #tpu.memory_space<vmem_shared>> -> memref<64x128xf32, #tpu.memory_space<vmem_shared>>
      tpu.enqueue_dma source(%dma_start3A_135 : memref<64x128xf32, #tpu.memory_space<vmem_shared>>) target(%arg19 : memref<64x128xf32, #tpu.memory_space<vmem>>) target_semaphore(%run_scoped3A : memref<!tpu.dma_semaphore, #tpu.memory_space<semaphore_mem>>)
      %dma_wait3A_136 = arith.constant 0 : i32
      %dma_wait3A_137 = tpu.memref_slice %arg22[%add3A_107, %dma_wait3A_136] : memref<10240x128xf32, #tpu.memory_space<vmem_shared>> -> memref<64x128xf32, #tpu.memory_space<vmem_shared>>
      %dma_wait3A_138 = arith.constant 0 : i32
      %dma_wait3A_139 = tpu.memref_slice %arg22[%add3A_107, %dma_wait3A_138] : memref<10240x128xf32, #tpu.memory_space<vmem_shared>> -> memref<64x128xf32, #tpu.memory_space<vmem_shared>>
      tpu.wait_dma2 semaphore(%run_scoped3A : memref<!tpu.dma_semaphore, #tpu.memory_space<semaphore_mem>>) src(%dma_wait3A_139 : memref<64x128xf32, #tpu.memory_space<vmem_shared>>) dst(%arg19 : memref<64x128xf32, #tpu.memory_space<vmem>>)
      tpu.yield
    }) : () -> ()
    "tpu.region"() ({
      %run_scoped3A = tpu.sem_alloc : memref<!tpu.dma_semaphore, #tpu.memory_space<semaphore_mem>>
      %dma_start3A_132 = arith.constant 0 : i32
      %dma_start3A_133 = tpu.memref_slice %arg9[%arg0, %add3A_107, %dma_start3A_132] : memref<2x10240x128xf32, #tpu.memory_space<hbm>> -> memref<1x64x128xf32, #tpu.memory_space<hbm>>
      %dma_start3A_134 = tpu.memref_squeeze %dma_start3A_133 : memref<1x64x128xf32, #tpu.memory_space<hbm>> -> memref<64x128xf32, #tpu.memory_space<hbm>>
      %dma_start3A_135 = arith.constant 0 : i32
      %dma_start3A_136 = tpu.memref_slice %arg9[%arg0, %add3A_107, %dma_start3A_135] : memref<2x10240x128xf32, #tpu.memory_space<hbm>> -> memref<1x64x128xf32, #tpu.memory_space<hbm>>
      %dma_start3A_137 = tpu.memref_squeeze %dma_start3A_136 : memref<1x64x128xf32, #tpu.memory_space<hbm>> -> memref<64x128xf32, #tpu.memory_space<hbm>>
      tpu.enqueue_dma source(%arg19 : memref<64x128xf32, #tpu.memory_space<vmem>>) target(%dma_start3A_137 : memref<64x128xf32, #tpu.memory_space<hbm>>) target_semaphore(%run_scoped3A : memref<!tpu.dma_semaphore, #tpu.memory_space<semaphore_mem>>)
      %dma_wait3A_138 = arith.constant 0 : i32
      %dma_wait3A_139 = tpu.memref_slice %arg9[%arg0, %add3A_107, %dma_wait3A_138] : memref<2x10240x128xf32, #tpu.memory_space<hbm>> -> memref<1x64x128xf32, #tpu.memory_space<hbm>>
      %dma_wait3A_140 = tpu.memref_squeeze %dma_wait3A_139 : memref<1x64x128xf32, #tpu.memory_space<hbm>> -> memref<64x128xf32, #tpu.memory_space<hbm>>
      %dma_wait3A_141 = arith.constant 0 : i32
      %dma_wait3A_142 = tpu.memref_slice %arg9[%arg0, %add3A_107, %dma_wait3A_141] : memref<2x10240x128xf32, #tpu.memory_space<hbm>> -> memref<1x64x128xf32, #tpu.memory_space<hbm>>
      %dma_wait3A_143 = tpu.memref_squeeze %dma_wait3A_142 : memref<1x64x128xf32, #tpu.memory_space<hbm>> -> memref<64x128xf32, #tpu.memory_space<hbm>>
      tpu.wait_dma2 semaphore(%run_scoped3A : memref<!tpu.dma_semaphore, #tpu.memory_space<semaphore_mem>>) src(%arg19 : memref<64x128xf32, #tpu.memory_space<vmem>>) dst(%dma_wait3A_143 : memref<64x128xf32, #tpu.memory_space<hbm>>)
      tpu.yield
    }) : () -> ()
    "tpu.region"() ({
      %run_scoped3A = tpu.sem_alloc : memref<!tpu.dma_semaphore, #tpu.memory_space<semaphore_mem>>
      %dma_start3A_132 = arith.constant 0 : i32
      %dma_start3A_133 = tpu.memref_slice %arg23[%add3A_107, %dma_start3A_132] : memref<10240x16xf32, #tpu.memory_space<vmem_shared>> -> memref<64x16xf32, #tpu.memory_space<vmem_shared>>
      %dma_start3A_134 = arith.constant 0 : i32
      %dma_start3A_135 = tpu.memref_slice %arg23[%add3A_107, %dma_start3A_134] : memref<10240x16xf32, #tpu.memory_space<vmem_shared>> -> memref<64x16xf32, #tpu.memory_space<vmem_shared>>
      tpu.enqueue_dma source(%dma_start3A_135 : memref<64x16xf32, #tpu.memory_space<vmem_shared>>) target(%arg18 : memref<64x16xf32, #tpu.memory_space<vmem>>) target_semaphore(%run_scoped3A : memref<!tpu.dma_semaphore, #tpu.memory_space<semaphore_mem>>)
      %dma_wait3A_136 = arith.constant 0 : i32
      %dma_wait3A_137 = tpu.memref_slice %arg23[%add3A_107, %dma_wait3A_136] : memref<10240x16xf32, #tpu.memory_space<vmem_shared>> -> memref<64x16xf32, #tpu.memory_space<vmem_shared>>
      %dma_wait3A_138 = arith.constant 0 : i32
      %dma_wait3A_139 = tpu.memref_slice %arg23[%add3A_107, %dma_wait3A_138] : memref<10240x16xf32, #tpu.memory_space<vmem_shared>> -> memref<64x16xf32, #tpu.memory_space<vmem_shared>>
      tpu.wait_dma2 semaphore(%run_scoped3A : memref<!tpu.dma_semaphore, #tpu.memory_space<semaphore_mem>>) src(%dma_wait3A_139 : memref<64x16xf32, #tpu.memory_space<vmem_shared>>) dst(%arg18 : memref<64x16xf32, #tpu.memory_space<vmem>>)
      tpu.yield
    }) : () -> ()
    "tpu.region"() ({
      %run_scoped3A = tpu.sem_alloc : memref<!tpu.dma_semaphore, #tpu.memory_space<semaphore_mem>>
      %dma_start3A_132 = arith.constant 0 : i32
      %dma_start3A_133 = tpu.memref_slice %arg10[%arg0, %add3A_107, %dma_start3A_132] : memref<2x10240x16xf32, #tpu.memory_space<hbm>> -> memref<1x64x16xf32, #tpu.memory_space<hbm>>
      %dma_start3A_134 = tpu.memref_squeeze %dma_start3A_133 : memref<1x64x16xf32, #tpu.memory_space<hbm>> -> memref<64x16xf32, #tpu.memory_space<hbm>>
      %dma_start3A_135 = arith.constant 0 : i32
      %dma_start3A_136 = tpu.memref_slice %arg10[%arg0, %add3A_107, %dma_start3A_135] : memref<2x10240x16xf32, #tpu.memory_space<hbm>> -> memref<1x64x16xf32, #tpu.memory_space<hbm>>
      %dma_start3A_137 = tpu.memref_squeeze %dma_start3A_136 : memref<1x64x16xf32, #tpu.memory_space<hbm>> -> memref<64x16xf32, #tpu.memory_space<hbm>>
      tpu.enqueue_dma source(%arg18 : memref<64x16xf32, #tpu.memory_space<vmem>>) target(%dma_start3A_137 : memref<64x16xf32, #tpu.memory_space<hbm>>) target_semaphore(%run_scoped3A : memref<!tpu.dma_semaphore, #tpu.memory_space<semaphore_mem>>)
      %dma_wait3A_138 = arith.constant 0 : i32
      %dma_wait3A_139 = tpu.memref_slice %arg10[%arg0, %add3A_107, %dma_wait3A_138] : memref<2x10240x16xf32, #tpu.memory_space<hbm>> -> memref<1x64x16xf32, #tpu.memory_space<hbm>>
      %dma_wait3A_140 = tpu.memref_squeeze %dma_wait3A_139 : memref<1x64x16xf32, #tpu.memory_space<hbm>> -> memref<64x16xf32, #tpu.memory_space<hbm>>
      %dma_wait3A_141 = arith.constant 0 : i32
      %dma_wait3A_142 = tpu.memref_slice %arg10[%arg0, %add3A_107, %dma_wait3A_141] : memref<2x10240x16xf32, #tpu.memory_space<hbm>> -> memref<1x64x16xf32, #tpu.memory_space<hbm>>
      %dma_wait3A_143 = tpu.memref_squeeze %dma_wait3A_142 : memref<1x64x16xf32, #tpu.memory_space<hbm>> -> memref<64x16xf32, #tpu.memory_space<hbm>>
      tpu.wait_dma2 semaphore(%run_scoped3A : memref<!tpu.dma_semaphore, #tpu.memory_space<semaphore_mem>>) src(%arg18 : memref<64x16xf32, #tpu.memory_space<vmem>>) dst(%dma_wait3A_143 : memref<64x16xf32, #tpu.memory_space<hbm>>)
      tpu.yield
    }) : () -> ()
    %mul3A_108 = arith.constant 640 : i32
    %mul3A_109 = arith.muli %arg1, %mul3A_108 : i32
    %add3A_110 = arith.constant 256 : i32
    %add3A_111 = arith.addi %mul3A_109, %add3A_110 : i32
    "tpu.region"() ({
      %run_scoped3A = tpu.sem_alloc : memref<!tpu.dma_semaphore, #tpu.memory_space<semaphore_mem>>
      %dma_start3A_132 = arith.constant 0 : i32
      %dma_start3A_133 = tpu.memref_slice %arg22[%add3A_111, %dma_start3A_132] : memref<10240x128xf32, #tpu.memory_space<vmem_shared>> -> memref<64x128xf32, #tpu.memory_space<vmem_shared>>
      %dma_start3A_134 = arith.constant 0 : i32
      %dma_start3A_135 = tpu.memref_slice %arg22[%add3A_111, %dma_start3A_134] : memref<10240x128xf32, #tpu.memory_space<vmem_shared>> -> memref<64x128xf32, #tpu.memory_space<vmem_shared>>
      tpu.enqueue_dma source(%dma_start3A_135 : memref<64x128xf32, #tpu.memory_space<vmem_shared>>) target(%arg19 : memref<64x128xf32, #tpu.memory_space<vmem>>) target_semaphore(%run_scoped3A : memref<!tpu.dma_semaphore, #tpu.memory_space<semaphore_mem>>)
      %dma_wait3A_136 = arith.constant 0 : i32
      %dma_wait3A_137 = tpu.memref_slice %arg22[%add3A_111, %dma_wait3A_136] : memref<10240x128xf32, #tpu.memory_space<vmem_shared>> -> memref<64x128xf32, #tpu.memory_space<vmem_shared>>
      %dma_wait3A_138 = arith.constant 0 : i32
      %dma_wait3A_139 = tpu.memref_slice %arg22[%add3A_111, %dma_wait3A_138] : memref<10240x128xf32, #tpu.memory_space<vmem_shared>> -> memref<64x128xf32, #tpu.memory_space<vmem_shared>>
      tpu.wait_dma2 semaphore(%run_scoped3A : memref<!tpu.dma_semaphore, #tpu.memory_space<semaphore_mem>>) src(%dma_wait3A_139 : memref<64x128xf32, #tpu.memory_space<vmem_shared>>) dst(%arg19 : memref<64x128xf32, #tpu.memory_space<vmem>>)
      tpu.yield
    }) : () -> ()
    "tpu.region"() ({
      %run_scoped3A = tpu.sem_alloc : memref<!tpu.dma_semaphore, #tpu.memory_space<semaphore_mem>>
      %dma_start3A_132 = arith.constant 0 : i32
      %dma_start3A_133 = tpu.memref_slice %arg9[%arg0, %add3A_111, %dma_start3A_132] : memref<2x10240x128xf32, #tpu.memory_space<hbm>> -> memref<1x64x128xf32, #tpu.memory_space<hbm>>
      %dma_start3A_134 = tpu.memref_squeeze %dma_start3A_133 : memref<1x64x128xf32, #tpu.memory_space<hbm>> -> memref<64x128xf32, #tpu.memory_space<hbm>>
      %dma_start3A_135 = arith.constant 0 : i32
      %dma_start3A_136 = tpu.memref_slice %arg9[%arg0, %add3A_111, %dma_start3A_135] : memref<2x10240x128xf32, #tpu.memory_space<hbm>> -> memref<1x64x128xf32, #tpu.memory_space<hbm>>
      %dma_start3A_137 = tpu.memref_squeeze %dma_start3A_136 : memref<1x64x128xf32, #tpu.memory_space<hbm>> -> memref<64x128xf32, #tpu.memory_space<hbm>>
      tpu.enqueue_dma source(%arg19 : memref<64x128xf32, #tpu.memory_space<vmem>>) target(%dma_start3A_137 : memref<64x128xf32, #tpu.memory_space<hbm>>) target_semaphore(%run_scoped3A : memref<!tpu.dma_semaphore, #tpu.memory_space<semaphore_mem>>)
      %dma_wait3A_138 = arith.constant 0 : i32
      %dma_wait3A_139 = tpu.memref_slice %arg9[%arg0, %add3A_111, %dma_wait3A_138] : memref<2x10240x128xf32, #tpu.memory_space<hbm>> -> memref<1x64x128xf32, #tpu.memory_space<hbm>>
      %dma_wait3A_140 = tpu.memref_squeeze %dma_wait3A_139 : memref<1x64x128xf32, #tpu.memory_space<hbm>> -> memref<64x128xf32, #tpu.memory_space<hbm>>
      %dma_wait3A_141 = arith.constant 0 : i32
      %dma_wait3A_142 = tpu.memref_slice %arg9[%arg0, %add3A_111, %dma_wait3A_141] : memref<2x10240x128xf32, #tpu.memory_space<hbm>> -> memref<1x64x128xf32, #tpu.memory_space<hbm>>
      %dma_wait3A_143 = tpu.memref_squeeze %dma_wait3A_142 : memref<1x64x128xf32, #tpu.memory_space<hbm>> -> memref<64x128xf32, #tpu.memory_space<hbm>>
      tpu.wait_dma2 semaphore(%run_scoped3A : memref<!tpu.dma_semaphore, #tpu.memory_space<semaphore_mem>>) src(%arg19 : memref<64x128xf32, #tpu.memory_space<vmem>>) dst(%dma_wait3A_143 : memref<64x128xf32, #tpu.memory_space<hbm>>)
      tpu.yield
    }) : () -> ()
    "tpu.region"() ({
      %run_scoped3A = tpu.sem_alloc : memref<!tpu.dma_semaphore, #tpu.memory_space<semaphore_mem>>
      %dma_start3A_132 = arith.constant 0 : i32
      %dma_start3A_133 = tpu.memref_slice %arg23[%add3A_111, %dma_start3A_132] : memref<10240x16xf32, #tpu.memory_space<vmem_shared>> -> memref<64x16xf32, #tpu.memory_space<vmem_shared>>
      %dma_start3A_134 = arith.constant 0 : i32
      %dma_start3A_135 = tpu.memref_slice %arg23[%add3A_111, %dma_start3A_134] : memref<10240x16xf32, #tpu.memory_space<vmem_shared>> -> memref<64x16xf32, #tpu.memory_space<vmem_shared>>
      tpu.enqueue_dma source(%dma_start3A_135 : memref<64x16xf32, #tpu.memory_space<vmem_shared>>) target(%arg18 : memref<64x16xf32, #tpu.memory_space<vmem>>) target_semaphore(%run_scoped3A : memref<!tpu.dma_semaphore, #tpu.memory_space<semaphore_mem>>)
      %dma_wait3A_136 = arith.constant 0 : i32
      %dma_wait3A_137 = tpu.memref_slice %arg23[%add3A_111, %dma_wait3A_136] : memref<10240x16xf32, #tpu.memory_space<vmem_shared>> -> memref<64x16xf32, #tpu.memory_space<vmem_shared>>
      %dma_wait3A_138 = arith.constant 0 : i32
      %dma_wait3A_139 = tpu.memref_slice %arg23[%add3A_111, %dma_wait3A_138] : memref<10240x16xf32, #tpu.memory_space<vmem_shared>> -> memref<64x16xf32, #tpu.memory_space<vmem_shared>>
      tpu.wait_dma2 semaphore(%run_scoped3A : memref<!tpu.dma_semaphore, #tpu.memory_space<semaphore_mem>>) src(%dma_wait3A_139 : memref<64x16xf32, #tpu.memory_space<vmem_shared>>) dst(%arg18 : memref<64x16xf32, #tpu.memory_space<vmem>>)
      tpu.yield
    }) : () -> ()
    "tpu.region"() ({
      %run_scoped3A = tpu.sem_alloc : memref<!tpu.dma_semaphore, #tpu.memory_space<semaphore_mem>>
      %dma_start3A_132 = arith.constant 0 : i32
      %dma_start3A_133 = tpu.memref_slice %arg10[%arg0, %add3A_111, %dma_start3A_132] : memref<2x10240x16xf32, #tpu.memory_space<hbm>> -> memref<1x64x16xf32, #tpu.memory_space<hbm>>
      %dma_start3A_134 = tpu.memref_squeeze %dma_start3A_133 : memref<1x64x16xf32, #tpu.memory_space<hbm>> -> memref<64x16xf32, #tpu.memory_space<hbm>>
      %dma_start3A_135 = arith.constant 0 : i32
      %dma_start3A_136 = tpu.memref_slice %arg10[%arg0, %add3A_111, %dma_start3A_135] : memref<2x10240x16xf32, #tpu.memory_space<hbm>> -> memref<1x64x16xf32, #tpu.memory_space<hbm>>
      %dma_start3A_137 = tpu.memref_squeeze %dma_start3A_136 : memref<1x64x16xf32, #tpu.memory_space<hbm>> -> memref<64x16xf32, #tpu.memory_space<hbm>>
      tpu.enqueue_dma source(%arg18 : memref<64x16xf32, #tpu.memory_space<vmem>>) target(%dma_start3A_137 : memref<64x16xf32, #tpu.memory_space<hbm>>) target_semaphore(%run_scoped3A : memref<!tpu.dma_semaphore, #tpu.memory_space<semaphore_mem>>)
      %dma_wait3A_138 = arith.constant 0 : i32
      %dma_wait3A_139 = tpu.memref_slice %arg10[%arg0, %add3A_111, %dma_wait3A_138] : memref<2x10240x16xf32, #tpu.memory_space<hbm>> -> memref<1x64x16xf32, #tpu.memory_space<hbm>>
      %dma_wait3A_140 = tpu.memref_squeeze %dma_wait3A_139 : memref<1x64x16xf32, #tpu.memory_space<hbm>> -> memref<64x16xf32, #tpu.memory_space<hbm>>
      %dma_wait3A_141 = arith.constant 0 : i32
      %dma_wait3A_142 = tpu.memref_slice %arg10[%arg0, %add3A_111, %dma_wait3A_141] : memref<2x10240x16xf32, #tpu.memory_space<hbm>> -> memref<1x64x16xf32, #tpu.memory_space<hbm>>
      %dma_wait3A_143 = tpu.memref_squeeze %dma_wait3A_142 : memref<1x64x16xf32, #tpu.memory_space<hbm>> -> memref<64x16xf32, #tpu.memory_space<hbm>>
      tpu.wait_dma2 semaphore(%run_scoped3A : memref<!tpu.dma_semaphore, #tpu.memory_space<semaphore_mem>>) src(%arg18 : memref<64x16xf32, #tpu.memory_space<vmem>>) dst(%dma_wait3A_143 : memref<64x16xf32, #tpu.memory_space<hbm>>)
      tpu.yield
    }) : () -> ()
    %mul3A_112 = arith.constant 640 : i32
    %mul3A_113 = arith.muli %arg1, %mul3A_112 : i32
    %add3A_114 = arith.constant 320 : i32
    %add3A_115 = arith.addi %mul3A_113, %add3A_114 : i32
    "tpu.region"() ({
      %run_scoped3A = tpu.sem_alloc : memref<!tpu.dma_semaphore, #tpu.memory_space<semaphore_mem>>
      %dma_start3A_132 = arith.constant 0 : i32
      %dma_start3A_133 = tpu.memref_slice %arg22[%add3A_115, %dma_start3A_132] : memref<10240x128xf32, #tpu.memory_space<vmem_shared>> -> memref<64x128xf32, #tpu.memory_space<vmem_shared>>
      %dma_start3A_134 = arith.constant 0 : i32
      %dma_start3A_135 = tpu.memref_slice %arg22[%add3A_115, %dma_start3A_134] : memref<10240x128xf32, #tpu.memory_space<vmem_shared>> -> memref<64x128xf32, #tpu.memory_space<vmem_shared>>
      tpu.enqueue_dma source(%dma_start3A_135 : memref<64x128xf32, #tpu.memory_space<vmem_shared>>) target(%arg19 : memref<64x128xf32, #tpu.memory_space<vmem>>) target_semaphore(%run_scoped3A : memref<!tpu.dma_semaphore, #tpu.memory_space<semaphore_mem>>)
      %dma_wait3A_136 = arith.constant 0 : i32
      %dma_wait3A_137 = tpu.memref_slice %arg22[%add3A_115, %dma_wait3A_136] : memref<10240x128xf32, #tpu.memory_space<vmem_shared>> -> memref<64x128xf32, #tpu.memory_space<vmem_shared>>
      %dma_wait3A_138 = arith.constant 0 : i32
      %dma_wait3A_139 = tpu.memref_slice %arg22[%add3A_115, %dma_wait3A_138] : memref<10240x128xf32, #tpu.memory_space<vmem_shared>> -> memref<64x128xf32, #tpu.memory_space<vmem_shared>>
      tpu.wait_dma2 semaphore(%run_scoped3A : memref<!tpu.dma_semaphore, #tpu.memory_space<semaphore_mem>>) src(%dma_wait3A_139 : memref<64x128xf32, #tpu.memory_space<vmem_shared>>) dst(%arg19 : memref<64x128xf32, #tpu.memory_space<vmem>>)
      tpu.yield
    }) : () -> ()
    "tpu.region"() ({
      %run_scoped3A = tpu.sem_alloc : memref<!tpu.dma_semaphore, #tpu.memory_space<semaphore_mem>>
      %dma_start3A_132 = arith.constant 0 : i32
      %dma_start3A_133 = tpu.memref_slice %arg9[%arg0, %add3A_115, %dma_start3A_132] : memref<2x10240x128xf32, #tpu.memory_space<hbm>> -> memref<1x64x128xf32, #tpu.memory_space<hbm>>
      %dma_start3A_134 = tpu.memref_squeeze %dma_start3A_133 : memref<1x64x128xf32, #tpu.memory_space<hbm>> -> memref<64x128xf32, #tpu.memory_space<hbm>>
      %dma_start3A_135 = arith.constant 0 : i32
      %dma_start3A_136 = tpu.memref_slice %arg9[%arg0, %add3A_115, %dma_start3A_135] : memref<2x10240x128xf32, #tpu.memory_space<hbm>> -> memref<1x64x128xf32, #tpu.memory_space<hbm>>
      %dma_start3A_137 = tpu.memref_squeeze %dma_start3A_136 : memref<1x64x128xf32, #tpu.memory_space<hbm>> -> memref<64x128xf32, #tpu.memory_space<hbm>>
      tpu.enqueue_dma source(%arg19 : memref<64x128xf32, #tpu.memory_space<vmem>>) target(%dma_start3A_137 : memref<64x128xf32, #tpu.memory_space<hbm>>) target_semaphore(%run_scoped3A : memref<!tpu.dma_semaphore, #tpu.memory_space<semaphore_mem>>)
      %dma_wait3A_138 = arith.constant 0 : i32
      %dma_wait3A_139 = tpu.memref_slice %arg9[%arg0, %add3A_115, %dma_wait3A_138] : memref<2x10240x128xf32, #tpu.memory_space<hbm>> -> memref<1x64x128xf32, #tpu.memory_space<hbm>>
      %dma_wait3A_140 = tpu.memref_squeeze %dma_wait3A_139 : memref<1x64x128xf32, #tpu.memory_space<hbm>> -> memref<64x128xf32, #tpu.memory_space<hbm>>
      %dma_wait3A_141 = arith.constant 0 : i32
      %dma_wait3A_142 = tpu.memref_slice %arg9[%arg0, %add3A_115, %dma_wait3A_141] : memref<2x10240x128xf32, #tpu.memory_space<hbm>> -> memref<1x64x128xf32, #tpu.memory_space<hbm>>
      %dma_wait3A_143 = tpu.memref_squeeze %dma_wait3A_142 : memref<1x64x128xf32, #tpu.memory_space<hbm>> -> memref<64x128xf32, #tpu.memory_space<hbm>>
      tpu.wait_dma2 semaphore(%run_scoped3A : memref<!tpu.dma_semaphore, #tpu.memory_space<semaphore_mem>>) src(%arg19 : memref<64x128xf32, #tpu.memory_space<vmem>>) dst(%dma_wait3A_143 : memref<64x128xf32, #tpu.memory_space<hbm>>)
      tpu.yield
    }) : () -> ()
    "tpu.region"() ({
      %run_scoped3A = tpu.sem_alloc : memref<!tpu.dma_semaphore, #tpu.memory_space<semaphore_mem>>
      %dma_start3A_132 = arith.constant 0 : i32
      %dma_start3A_133 = tpu.memref_slice %arg23[%add3A_115, %dma_start3A_132] : memref<10240x16xf32, #tpu.memory_space<vmem_shared>> -> memref<64x16xf32, #tpu.memory_space<vmem_shared>>
      %dma_start3A_134 = arith.constant 0 : i32
      %dma_start3A_135 = tpu.memref_slice %arg23[%add3A_115, %dma_start3A_134] : memref<10240x16xf32, #tpu.memory_space<vmem_shared>> -> memref<64x16xf32, #tpu.memory_space<vmem_shared>>
      tpu.enqueue_dma source(%dma_start3A_135 : memref<64x16xf32, #tpu.memory_space<vmem_shared>>) target(%arg18 : memref<64x16xf32, #tpu.memory_space<vmem>>) target_semaphore(%run_scoped3A : memref<!tpu.dma_semaphore, #tpu.memory_space<semaphore_mem>>)
      %dma_wait3A_136 = arith.constant 0 : i32
      %dma_wait3A_137 = tpu.memref_slice %arg23[%add3A_115, %dma_wait3A_136] : memref<10240x16xf32, #tpu.memory_space<vmem_shared>> -> memref<64x16xf32, #tpu.memory_space<vmem_shared>>
      %dma_wait3A_138 = arith.constant 0 : i32
      %dma_wait3A_139 = tpu.memref_slice %arg23[%add3A_115, %dma_wait3A_138] : memref<10240x16xf32, #tpu.memory_space<vmem_shared>> -> memref<64x16xf32, #tpu.memory_space<vmem_shared>>
      tpu.wait_dma2 semaphore(%run_scoped3A : memref<!tpu.dma_semaphore, #tpu.memory_space<semaphore_mem>>) src(%dma_wait3A_139 : memref<64x16xf32, #tpu.memory_space<vmem_shared>>) dst(%arg18 : memref<64x16xf32, #tpu.memory_space<vmem>>)
      tpu.yield
    }) : () -> ()
    "tpu.region"() ({
      %run_scoped3A = tpu.sem_alloc : memref<!tpu.dma_semaphore, #tpu.memory_space<semaphore_mem>>
      %dma_start3A_132 = arith.constant 0 : i32
      %dma_start3A_133 = tpu.memref_slice %arg10[%arg0, %add3A_115, %dma_start3A_132] : memref<2x10240x16xf32, #tpu.memory_space<hbm>> -> memref<1x64x16xf32, #tpu.memory_space<hbm>>
      %dma_start3A_134 = tpu.memref_squeeze %dma_start3A_133 : memref<1x64x16xf32, #tpu.memory_space<hbm>> -> memref<64x16xf32, #tpu.memory_space<hbm>>
      %dma_start3A_135 = arith.constant 0 : i32
      %dma_start3A_136 = tpu.memref_slice %arg10[%arg0, %add3A_115, %dma_start3A_135] : memref<2x10240x16xf32, #tpu.memory_space<hbm>> -> memref<1x64x16xf32, #tpu.memory_space<hbm>>
      %dma_start3A_137 = tpu.memref_squeeze %dma_start3A_136 : memref<1x64x16xf32, #tpu.memory_space<hbm>> -> memref<64x16xf32, #tpu.memory_space<hbm>>
      tpu.enqueue_dma source(%arg18 : memref<64x16xf32, #tpu.memory_space<vmem>>) target(%dma_start3A_137 : memref<64x16xf32, #tpu.memory_space<hbm>>) target_semaphore(%run_scoped3A : memref<!tpu.dma_semaphore, #tpu.memory_space<semaphore_mem>>)
      %dma_wait3A_138 = arith.constant 0 : i32
      %dma_wait3A_139 = tpu.memref_slice %arg10[%arg0, %add3A_115, %dma_wait3A_138] : memref<2x10240x16xf32, #tpu.memory_space<hbm>> -> memref<1x64x16xf32, #tpu.memory_space<hbm>>
      %dma_wait3A_140 = tpu.memref_squeeze %dma_wait3A_139 : memref<1x64x16xf32, #tpu.memory_space<hbm>> -> memref<64x16xf32, #tpu.memory_space<hbm>>
      %dma_wait3A_141 = arith.constant 0 : i32
      %dma_wait3A_142 = tpu.memref_slice %arg10[%arg0, %add3A_115, %dma_wait3A_141] : memref<2x10240x16xf32, #tpu.memory_space<hbm>> -> memref<1x64x16xf32, #tpu.memory_space<hbm>>
      %dma_wait3A_143 = tpu.memref_squeeze %dma_wait3A_142 : memref<1x64x16xf32, #tpu.memory_space<hbm>> -> memref<64x16xf32, #tpu.memory_space<hbm>>
      tpu.wait_dma2 semaphore(%run_scoped3A : memref<!tpu.dma_semaphore, #tpu.memory_space<semaphore_mem>>) src(%arg18 : memref<64x16xf32, #tpu.memory_space<vmem>>) dst(%dma_wait3A_143 : memref<64x16xf32, #tpu.memory_space<hbm>>)
      tpu.yield
    }) : () -> ()
    %mul3A_116 = arith.constant 640 : i32
    %mul3A_117 = arith.muli %arg1, %mul3A_116 : i32
    %add3A_118 = arith.constant 384 : i32
    %add3A_119 = arith.addi %mul3A_117, %add3A_118 : i32
    "tpu.region"() ({
      %run_scoped3A = tpu.sem_alloc : memref<!tpu.dma_semaphore, #tpu.memory_space<semaphore_mem>>
      %dma_start3A_132 = arith.constant 0 : i32
      %dma_start3A_133 = tpu.memref_slice %arg22[%add3A_119, %dma_start3A_132] : memref<10240x128xf32, #tpu.memory_space<vmem_shared>> -> memref<64x128xf32, #tpu.memory_space<vmem_shared>>
      %dma_start3A_134 = arith.constant 0 : i32
      %dma_start3A_135 = tpu.memref_slice %arg22[%add3A_119, %dma_start3A_134] : memref<10240x128xf32, #tpu.memory_space<vmem_shared>> -> memref<64x128xf32, #tpu.memory_space<vmem_shared>>
      tpu.enqueue_dma source(%dma_start3A_135 : memref<64x128xf32, #tpu.memory_space<vmem_shared>>) target(%arg19 : memref<64x128xf32, #tpu.memory_space<vmem>>) target_semaphore(%run_scoped3A : memref<!tpu.dma_semaphore, #tpu.memory_space<semaphore_mem>>)
      %dma_wait3A_136 = arith.constant 0 : i32
      %dma_wait3A_137 = tpu.memref_slice %arg22[%add3A_119, %dma_wait3A_136] : memref<10240x128xf32, #tpu.memory_space<vmem_shared>> -> memref<64x128xf32, #tpu.memory_space<vmem_shared>>
      %dma_wait3A_138 = arith.constant 0 : i32
      %dma_wait3A_139 = tpu.memref_slice %arg22[%add3A_119, %dma_wait3A_138] : memref<10240x128xf32, #tpu.memory_space<vmem_shared>> -> memref<64x128xf32, #tpu.memory_space<vmem_shared>>
      tpu.wait_dma2 semaphore(%run_scoped3A : memref<!tpu.dma_semaphore, #tpu.memory_space<semaphore_mem>>) src(%dma_wait3A_139 : memref<64x128xf32, #tpu.memory_space<vmem_shared>>) dst(%arg19 : memref<64x128xf32, #tpu.memory_space<vmem>>)
      tpu.yield
    }) : () -> ()
    "tpu.region"() ({
      %run_scoped3A = tpu.sem_alloc : memref<!tpu.dma_semaphore, #tpu.memory_space<semaphore_mem>>
      %dma_start3A_132 = arith.constant 0 : i32
      %dma_start3A_133 = tpu.memref_slice %arg9[%arg0, %add3A_119, %dma_start3A_132] : memref<2x10240x128xf32, #tpu.memory_space<hbm>> -> memref<1x64x128xf32, #tpu.memory_space<hbm>>
      %dma_start3A_134 = tpu.memref_squeeze %dma_start3A_133 : memref<1x64x128xf32, #tpu.memory_space<hbm>> -> memref<64x128xf32, #tpu.memory_space<hbm>>
      %dma_start3A_135 = arith.constant 0 : i32
      %dma_start3A_136 = tpu.memref_slice %arg9[%arg0, %add3A_119, %dma_start3A_135] : memref<2x10240x128xf32, #tpu.memory_space<hbm>> -> memref<1x64x128xf32, #tpu.memory_space<hbm>>
      %dma_start3A_137 = tpu.memref_squeeze %dma_start3A_136 : memref<1x64x128xf32, #tpu.memory_space<hbm>> -> memref<64x128xf32, #tpu.memory_space<hbm>>
      tpu.enqueue_dma source(%arg19 : memref<64x128xf32, #tpu.memory_space<vmem>>) target(%dma_start3A_137 : memref<64x128xf32, #tpu.memory_space<hbm>>) target_semaphore(%run_scoped3A : memref<!tpu.dma_semaphore, #tpu.memory_space<semaphore_mem>>)
      %dma_wait3A_138 = arith.constant 0 : i32
      %dma_wait3A_139 = tpu.memref_slice %arg9[%arg0, %add3A_119, %dma_wait3A_138] : memref<2x10240x128xf32, #tpu.memory_space<hbm>> -> memref<1x64x128xf32, #tpu.memory_space<hbm>>
      %dma_wait3A_140 = tpu.memref_squeeze %dma_wait3A_139 : memref<1x64x128xf32, #tpu.memory_space<hbm>> -> memref<64x128xf32, #tpu.memory_space<hbm>>
      %dma_wait3A_141 = arith.constant 0 : i32
      %dma_wait3A_142 = tpu.memref_slice %arg9[%arg0, %add3A_119, %dma_wait3A_141] : memref<2x10240x128xf32, #tpu.memory_space<hbm>> -> memref<1x64x128xf32, #tpu.memory_space<hbm>>
      %dma_wait3A_143 = tpu.memref_squeeze %dma_wait3A_142 : memref<1x64x128xf32, #tpu.memory_space<hbm>> -> memref<64x128xf32, #tpu.memory_space<hbm>>
      tpu.wait_dma2 semaphore(%run_scoped3A : memref<!tpu.dma_semaphore, #tpu.memory_space<semaphore_mem>>) src(%arg19 : memref<64x128xf32, #tpu.memory_space<vmem>>) dst(%dma_wait3A_143 : memref<64x128xf32, #tpu.memory_space<hbm>>)
      tpu.yield
    }) : () -> ()
    "tpu.region"() ({
      %run_scoped3A = tpu.sem_alloc : memref<!tpu.dma_semaphore, #tpu.memory_space<semaphore_mem>>
      %dma_start3A_132 = arith.constant 0 : i32
      %dma_start3A_133 = tpu.memref_slice %arg23[%add3A_119, %dma_start3A_132] : memref<10240x16xf32, #tpu.memory_space<vmem_shared>> -> memref<64x16xf32, #tpu.memory_space<vmem_shared>>
      %dma_start3A_134 = arith.constant 0 : i32
      %dma_start3A_135 = tpu.memref_slice %arg23[%add3A_119, %dma_start3A_134] : memref<10240x16xf32, #tpu.memory_space<vmem_shared>> -> memref<64x16xf32, #tpu.memory_space<vmem_shared>>
      tpu.enqueue_dma source(%dma_start3A_135 : memref<64x16xf32, #tpu.memory_space<vmem_shared>>) target(%arg18 : memref<64x16xf32, #tpu.memory_space<vmem>>) target_semaphore(%run_scoped3A : memref<!tpu.dma_semaphore, #tpu.memory_space<semaphore_mem>>)
      %dma_wait3A_136 = arith.constant 0 : i32
      %dma_wait3A_137 = tpu.memref_slice %arg23[%add3A_119, %dma_wait3A_136] : memref<10240x16xf32, #tpu.memory_space<vmem_shared>> -> memref<64x16xf32, #tpu.memory_space<vmem_shared>>
      %dma_wait3A_138 = arith.constant 0 : i32
      %dma_wait3A_139 = tpu.memref_slice %arg23[%add3A_119, %dma_wait3A_138] : memref<10240x16xf32, #tpu.memory_space<vmem_shared>> -> memref<64x16xf32, #tpu.memory_space<vmem_shared>>
      tpu.wait_dma2 semaphore(%run_scoped3A : memref<!tpu.dma_semaphore, #tpu.memory_space<semaphore_mem>>) src(%dma_wait3A_139 : memref<64x16xf32, #tpu.memory_space<vmem_shared>>) dst(%arg18 : memref<64x16xf32, #tpu.memory_space<vmem>>)
      tpu.yield
    }) : () -> ()
    "tpu.region"() ({
      %run_scoped3A = tpu.sem_alloc : memref<!tpu.dma_semaphore, #tpu.memory_space<semaphore_mem>>
      %dma_start3A_132 = arith.constant 0 : i32
      %dma_start3A_133 = tpu.memref_slice %arg10[%arg0, %add3A_119, %dma_start3A_132] : memref<2x10240x16xf32, #tpu.memory_space<hbm>> -> memref<1x64x16xf32, #tpu.memory_space<hbm>>
      %dma_start3A_134 = tpu.memref_squeeze %dma_start3A_133 : memref<1x64x16xf32, #tpu.memory_space<hbm>> -> memref<64x16xf32, #tpu.memory_space<hbm>>
      %dma_start3A_135 = arith.constant 0 : i32
      %dma_start3A_136 = tpu.memref_slice %arg10[%arg0, %add3A_119, %dma_start3A_135] : memref<2x10240x16xf32, #tpu.memory_space<hbm>> -> memref<1x64x16xf32, #tpu.memory_space<hbm>>
      %dma_start3A_137 = tpu.memref_squeeze %dma_start3A_136 : memref<1x64x16xf32, #tpu.memory_space<hbm>> -> memref<64x16xf32, #tpu.memory_space<hbm>>
      tpu.enqueue_dma source(%arg18 : memref<64x16xf32, #tpu.memory_space<vmem>>) target(%dma_start3A_137 : memref<64x16xf32, #tpu.memory_space<hbm>>) target_semaphore(%run_scoped3A : memref<!tpu.dma_semaphore, #tpu.memory_space<semaphore_mem>>)
      %dma_wait3A_138 = arith.constant 0 : i32
      %dma_wait3A_139 = tpu.memref_slice %arg10[%arg0, %add3A_119, %dma_wait3A_138] : memref<2x10240x16xf32, #tpu.memory_space<hbm>> -> memref<1x64x16xf32, #tpu.memory_space<hbm>>
      %dma_wait3A_140 = tpu.memref_squeeze %dma_wait3A_139 : memref<1x64x16xf32, #tpu.memory_space<hbm>> -> memref<64x16xf32, #tpu.memory_space<hbm>>
      %dma_wait3A_141 = arith.constant 0 : i32
      %dma_wait3A_142 = tpu.memref_slice %arg10[%arg0, %add3A_119, %dma_wait3A_141] : memref<2x10240x16xf32, #tpu.memory_space<hbm>> -> memref<1x64x16xf32, #tpu.memory_space<hbm>>
      %dma_wait3A_143 = tpu.memref_squeeze %dma_wait3A_142 : memref<1x64x16xf32, #tpu.memory_space<hbm>> -> memref<64x16xf32, #tpu.memory_space<hbm>>
      tpu.wait_dma2 semaphore(%run_scoped3A : memref<!tpu.dma_semaphore, #tpu.memory_space<semaphore_mem>>) src(%arg18 : memref<64x16xf32, #tpu.memory_space<vmem>>) dst(%dma_wait3A_143 : memref<64x16xf32, #tpu.memory_space<hbm>>)
      tpu.yield
    }) : () -> ()
    %mul3A_120 = arith.constant 640 : i32
    %mul3A_121 = arith.muli %arg1, %mul3A_120 : i32
    %add3A_122 = arith.constant 448 : i32
    %add3A_123 = arith.addi %mul3A_121, %add3A_122 : i32
    "tpu.region"() ({
      %run_scoped3A = tpu.sem_alloc : memref<!tpu.dma_semaphore, #tpu.memory_space<semaphore_mem>>
      %dma_start3A_132 = arith.constant 0 : i32
      %dma_start3A_133 = tpu.memref_slice %arg22[%add3A_123, %dma_start3A_132] : memref<10240x128xf32, #tpu.memory_space<vmem_shared>> -> memref<64x128xf32, #tpu.memory_space<vmem_shared>>
      %dma_start3A_134 = arith.constant 0 : i32
      %dma_start3A_135 = tpu.memref_slice %arg22[%add3A_123, %dma_start3A_134] : memref<10240x128xf32, #tpu.memory_space<vmem_shared>> -> memref<64x128xf32, #tpu.memory_space<vmem_shared>>
      tpu.enqueue_dma source(%dma_start3A_135 : memref<64x128xf32, #tpu.memory_space<vmem_shared>>) target(%arg19 : memref<64x128xf32, #tpu.memory_space<vmem>>) target_semaphore(%run_scoped3A : memref<!tpu.dma_semaphore, #tpu.memory_space<semaphore_mem>>)
      %dma_wait3A_136 = arith.constant 0 : i32
      %dma_wait3A_137 = tpu.memref_slice %arg22[%add3A_123, %dma_wait3A_136] : memref<10240x128xf32, #tpu.memory_space<vmem_shared>> -> memref<64x128xf32, #tpu.memory_space<vmem_shared>>
      %dma_wait3A_138 = arith.constant 0 : i32
      %dma_wait3A_139 = tpu.memref_slice %arg22[%add3A_123, %dma_wait3A_138] : memref<10240x128xf32, #tpu.memory_space<vmem_shared>> -> memref<64x128xf32, #tpu.memory_space<vmem_shared>>
      tpu.wait_dma2 semaphore(%run_scoped3A : memref<!tpu.dma_semaphore, #tpu.memory_space<semaphore_mem>>) src(%dma_wait3A_139 : memref<64x128xf32, #tpu.memory_space<vmem_shared>>) dst(%arg19 : memref<64x128xf32, #tpu.memory_space<vmem>>)
      tpu.yield
    }) : () -> ()
    "tpu.region"() ({
      %run_scoped3A = tpu.sem_alloc : memref<!tpu.dma_semaphore, #tpu.memory_space<semaphore_mem>>
      %dma_start3A_132 = arith.constant 0 : i32
      %dma_start3A_133 = tpu.memref_slice %arg9[%arg0, %add3A_123, %dma_start3A_132] : memref<2x10240x128xf32, #tpu.memory_space<hbm>> -> memref<1x64x128xf32, #tpu.memory_space<hbm>>
      %dma_start3A_134 = tpu.memref_squeeze %dma_start3A_133 : memref<1x64x128xf32, #tpu.memory_space<hbm>> -> memref<64x128xf32, #tpu.memory_space<hbm>>
      %dma_start3A_135 = arith.constant 0 : i32
      %dma_start3A_136 = tpu.memref_slice %arg9[%arg0, %add3A_123, %dma_start3A_135] : memref<2x10240x128xf32, #tpu.memory_space<hbm>> -> memref<1x64x128xf32, #tpu.memory_space<hbm>>
      %dma_start3A_137 = tpu.memref_squeeze %dma_start3A_136 : memref<1x64x128xf32, #tpu.memory_space<hbm>> -> memref<64x128xf32, #tpu.memory_space<hbm>>
      tpu.enqueue_dma source(%arg19 : memref<64x128xf32, #tpu.memory_space<vmem>>) target(%dma_start3A_137 : memref<64x128xf32, #tpu.memory_space<hbm>>) target_semaphore(%run_scoped3A : memref<!tpu.dma_semaphore, #tpu.memory_space<semaphore_mem>>)
      %dma_wait3A_138 = arith.constant 0 : i32
      %dma_wait3A_139 = tpu.memref_slice %arg9[%arg0, %add3A_123, %dma_wait3A_138] : memref<2x10240x128xf32, #tpu.memory_space<hbm>> -> memref<1x64x128xf32, #tpu.memory_space<hbm>>
      %dma_wait3A_140 = tpu.memref_squeeze %dma_wait3A_139 : memref<1x64x128xf32, #tpu.memory_space<hbm>> -> memref<64x128xf32, #tpu.memory_space<hbm>>
      %dma_wait3A_141 = arith.constant 0 : i32
      %dma_wait3A_142 = tpu.memref_slice %arg9[%arg0, %add3A_123, %dma_wait3A_141] : memref<2x10240x128xf32, #tpu.memory_space<hbm>> -> memref<1x64x128xf32, #tpu.memory_space<hbm>>
      %dma_wait3A_143 = tpu.memref_squeeze %dma_wait3A_142 : memref<1x64x128xf32, #tpu.memory_space<hbm>> -> memref<64x128xf32, #tpu.memory_space<hbm>>
      tpu.wait_dma2 semaphore(%run_scoped3A : memref<!tpu.dma_semaphore, #tpu.memory_space<semaphore_mem>>) src(%arg19 : memref<64x128xf32, #tpu.memory_space<vmem>>) dst(%dma_wait3A_143 : memref<64x128xf32, #tpu.memory_space<hbm>>)
      tpu.yield
    }) : () -> ()
    "tpu.region"() ({
      %run_scoped3A = tpu.sem_alloc : memref<!tpu.dma_semaphore, #tpu.memory_space<semaphore_mem>>
      %dma_start3A_132 = arith.constant 0 : i32
      %dma_start3A_133 = tpu.memref_slice %arg23[%add3A_123, %dma_start3A_132] : memref<10240x16xf32, #tpu.memory_space<vmem_shared>> -> memref<64x16xf32, #tpu.memory_space<vmem_shared>>
      %dma_start3A_134 = arith.constant 0 : i32
      %dma_start3A_135 = tpu.memref_slice %arg23[%add3A_123, %dma_start3A_134] : memref<10240x16xf32, #tpu.memory_space<vmem_shared>> -> memref<64x16xf32, #tpu.memory_space<vmem_shared>>
      tpu.enqueue_dma source(%dma_start3A_135 : memref<64x16xf32, #tpu.memory_space<vmem_shared>>) target(%arg18 : memref<64x16xf32, #tpu.memory_space<vmem>>) target_semaphore(%run_scoped3A : memref<!tpu.dma_semaphore, #tpu.memory_space<semaphore_mem>>)
      %dma_wait3A_136 = arith.constant 0 : i32
      %dma_wait3A_137 = tpu.memref_slice %arg23[%add3A_123, %dma_wait3A_136] : memref<10240x16xf32, #tpu.memory_space<vmem_shared>> -> memref<64x16xf32, #tpu.memory_space<vmem_shared>>
      %dma_wait3A_138 = arith.constant 0 : i32
      %dma_wait3A_139 = tpu.memref_slice %arg23[%add3A_123, %dma_wait3A_138] : memref<10240x16xf32, #tpu.memory_space<vmem_shared>> -> memref<64x16xf32, #tpu.memory_space<vmem_shared>>
      tpu.wait_dma2 semaphore(%run_scoped3A : memref<!tpu.dma_semaphore, #tpu.memory_space<semaphore_mem>>) src(%dma_wait3A_139 : memref<64x16xf32, #tpu.memory_space<vmem_shared>>) dst(%arg18 : memref<64x16xf32, #tpu.memory_space<vmem>>)
      tpu.yield
    }) : () -> ()
    "tpu.region"() ({
      %run_scoped3A = tpu.sem_alloc : memref<!tpu.dma_semaphore, #tpu.memory_space<semaphore_mem>>
      %dma_start3A_132 = arith.constant 0 : i32
      %dma_start3A_133 = tpu.memref_slice %arg10[%arg0, %add3A_123, %dma_start3A_132] : memref<2x10240x16xf32, #tpu.memory_space<hbm>> -> memref<1x64x16xf32, #tpu.memory_space<hbm>>
      %dma_start3A_134 = tpu.memref_squeeze %dma_start3A_133 : memref<1x64x16xf32, #tpu.memory_space<hbm>> -> memref<64x16xf32, #tpu.memory_space<hbm>>
      %dma_start3A_135 = arith.constant 0 : i32
      %dma_start3A_136 = tpu.memref_slice %arg10[%arg0, %add3A_123, %dma_start3A_135] : memref<2x10240x16xf32, #tpu.memory_space<hbm>> -> memref<1x64x16xf32, #tpu.memory_space<hbm>>
      %dma_start3A_137 = tpu.memref_squeeze %dma_start3A_136 : memref<1x64x16xf32, #tpu.memory_space<hbm>> -> memref<64x16xf32, #tpu.memory_space<hbm>>
      tpu.enqueue_dma source(%arg18 : memref<64x16xf32, #tpu.memory_space<vmem>>) target(%dma_start3A_137 : memref<64x16xf32, #tpu.memory_space<hbm>>) target_semaphore(%run_scoped3A : memref<!tpu.dma_semaphore, #tpu.memory_space<semaphore_mem>>)
      %dma_wait3A_138 = arith.constant 0 : i32
      %dma_wait3A_139 = tpu.memref_slice %arg10[%arg0, %add3A_123, %dma_wait3A_138] : memref<2x10240x16xf32, #tpu.memory_space<hbm>> -> memref<1x64x16xf32, #tpu.memory_space<hbm>>
      %dma_wait3A_140 = tpu.memref_squeeze %dma_wait3A_139 : memref<1x64x16xf32, #tpu.memory_space<hbm>> -> memref<64x16xf32, #tpu.memory_space<hbm>>
      %dma_wait3A_141 = arith.constant 0 : i32
      %dma_wait3A_142 = tpu.memref_slice %arg10[%arg0, %add3A_123, %dma_wait3A_141] : memref<2x10240x16xf32, #tpu.memory_space<hbm>> -> memref<1x64x16xf32, #tpu.memory_space<hbm>>
      %dma_wait3A_143 = tpu.memref_squeeze %dma_wait3A_142 : memref<1x64x16xf32, #tpu.memory_space<hbm>> -> memref<64x16xf32, #tpu.memory_space<hbm>>
      tpu.wait_dma2 semaphore(%run_scoped3A : memref<!tpu.dma_semaphore, #tpu.memory_space<semaphore_mem>>) src(%arg18 : memref<64x16xf32, #tpu.memory_space<vmem>>) dst(%dma_wait3A_143 : memref<64x16xf32, #tpu.memory_space<hbm>>)
      tpu.yield
    }) : () -> ()
    %mul3A_124 = arith.constant 640 : i32
    %mul3A_125 = arith.muli %arg1, %mul3A_124 : i32
    %add3A_126 = arith.constant 512 : i32
    %add3A_127 = arith.addi %mul3A_125, %add3A_126 : i32
    "tpu.region"() ({
      %run_scoped3A = tpu.sem_alloc : memref<!tpu.dma_semaphore, #tpu.memory_space<semaphore_mem>>
      %dma_start3A_132 = arith.constant 0 : i32
      %dma_start3A_133 = tpu.memref_slice %arg22[%add3A_127, %dma_start3A_132] : memref<10240x128xf32, #tpu.memory_space<vmem_shared>> -> memref<64x128xf32, #tpu.memory_space<vmem_shared>>
      %dma_start3A_134 = arith.constant 0 : i32
      %dma_start3A_135 = tpu.memref_slice %arg22[%add3A_127, %dma_start3A_134] : memref<10240x128xf32, #tpu.memory_space<vmem_shared>> -> memref<64x128xf32, #tpu.memory_space<vmem_shared>>
      tpu.enqueue_dma source(%dma_start3A_135 : memref<64x128xf32, #tpu.memory_space<vmem_shared>>) target(%arg19 : memref<64x128xf32, #tpu.memory_space<vmem>>) target_semaphore(%run_scoped3A : memref<!tpu.dma_semaphore, #tpu.memory_space<semaphore_mem>>)
      %dma_wait3A_136 = arith.constant 0 : i32
      %dma_wait3A_137 = tpu.memref_slice %arg22[%add3A_127, %dma_wait3A_136] : memref<10240x128xf32, #tpu.memory_space<vmem_shared>> -> memref<64x128xf32, #tpu.memory_space<vmem_shared>>
      %dma_wait3A_138 = arith.constant 0 : i32
      %dma_wait3A_139 = tpu.memref_slice %arg22[%add3A_127, %dma_wait3A_138] : memref<10240x128xf32, #tpu.memory_space<vmem_shared>> -> memref<64x128xf32, #tpu.memory_space<vmem_shared>>
      tpu.wait_dma2 semaphore(%run_scoped3A : memref<!tpu.dma_semaphore, #tpu.memory_space<semaphore_mem>>) src(%dma_wait3A_139 : memref<64x128xf32, #tpu.memory_space<vmem_shared>>) dst(%arg19 : memref<64x128xf32, #tpu.memory_space<vmem>>)
      tpu.yield
    }) : () -> ()
    "tpu.region"() ({
      %run_scoped3A = tpu.sem_alloc : memref<!tpu.dma_semaphore, #tpu.memory_space<semaphore_mem>>
      %dma_start3A_132 = arith.constant 0 : i32
      %dma_start3A_133 = tpu.memref_slice %arg9[%arg0, %add3A_127, %dma_start3A_132] : memref<2x10240x128xf32, #tpu.memory_space<hbm>> -> memref<1x64x128xf32, #tpu.memory_space<hbm>>
      %dma_start3A_134 = tpu.memref_squeeze %dma_start3A_133 : memref<1x64x128xf32, #tpu.memory_space<hbm>> -> memref<64x128xf32, #tpu.memory_space<hbm>>
      %dma_start3A_135 = arith.constant 0 : i32
      %dma_start3A_136 = tpu.memref_slice %arg9[%arg0, %add3A_127, %dma_start3A_135] : memref<2x10240x128xf32, #tpu.memory_space<hbm>> -> memref<1x64x128xf32, #tpu.memory_space<hbm>>
      %dma_start3A_137 = tpu.memref_squeeze %dma_start3A_136 : memref<1x64x128xf32, #tpu.memory_space<hbm>> -> memref<64x128xf32, #tpu.memory_space<hbm>>
      tpu.enqueue_dma source(%arg19 : memref<64x128xf32, #tpu.memory_space<vmem>>) target(%dma_start3A_137 : memref<64x128xf32, #tpu.memory_space<hbm>>) target_semaphore(%run_scoped3A : memref<!tpu.dma_semaphore, #tpu.memory_space<semaphore_mem>>)
      %dma_wait3A_138 = arith.constant 0 : i32
      %dma_wait3A_139 = tpu.memref_slice %arg9[%arg0, %add3A_127, %dma_wait3A_138] : memref<2x10240x128xf32, #tpu.memory_space<hbm>> -> memref<1x64x128xf32, #tpu.memory_space<hbm>>
      %dma_wait3A_140 = tpu.memref_squeeze %dma_wait3A_139 : memref<1x64x128xf32, #tpu.memory_space<hbm>> -> memref<64x128xf32, #tpu.memory_space<hbm>>
      %dma_wait3A_141 = arith.constant 0 : i32
      %dma_wait3A_142 = tpu.memref_slice %arg9[%arg0, %add3A_127, %dma_wait3A_141] : memref<2x10240x128xf32, #tpu.memory_space<hbm>> -> memref<1x64x128xf32, #tpu.memory_space<hbm>>
      %dma_wait3A_143 = tpu.memref_squeeze %dma_wait3A_142 : memref<1x64x128xf32, #tpu.memory_space<hbm>> -> memref<64x128xf32, #tpu.memory_space<hbm>>
      tpu.wait_dma2 semaphore(%run_scoped3A : memref<!tpu.dma_semaphore, #tpu.memory_space<semaphore_mem>>) src(%arg19 : memref<64x128xf32, #tpu.memory_space<vmem>>) dst(%dma_wait3A_143 : memref<64x128xf32, #tpu.memory_space<hbm>>)
      tpu.yield
    }) : () -> ()
    "tpu.region"() ({
      %run_scoped3A = tpu.sem_alloc : memref<!tpu.dma_semaphore, #tpu.memory_space<semaphore_mem>>
      %dma_start3A_132 = arith.constant 0 : i32
      %dma_start3A_133 = tpu.memref_slice %arg23[%add3A_127, %dma_start3A_132] : memref<10240x16xf32, #tpu.memory_space<vmem_shared>> -> memref<64x16xf32, #tpu.memory_space<vmem_shared>>
      %dma_start3A_134 = arith.constant 0 : i32
      %dma_start3A_135 = tpu.memref_slice %arg23[%add3A_127, %dma_start3A_134] : memref<10240x16xf32, #tpu.memory_space<vmem_shared>> -> memref<64x16xf32, #tpu.memory_space<vmem_shared>>
      tpu.enqueue_dma source(%dma_start3A_135 : memref<64x16xf32, #tpu.memory_space<vmem_shared>>) target(%arg18 : memref<64x16xf32, #tpu.memory_space<vmem>>) target_semaphore(%run_scoped3A : memref<!tpu.dma_semaphore, #tpu.memory_space<semaphore_mem>>)
      %dma_wait3A_136 = arith.constant 0 : i32
      %dma_wait3A_137 = tpu.memref_slice %arg23[%add3A_127, %dma_wait3A_136] : memref<10240x16xf32, #tpu.memory_space<vmem_shared>> -> memref<64x16xf32, #tpu.memory_space<vmem_shared>>
      %dma_wait3A_138 = arith.constant 0 : i32
      %dma_wait3A_139 = tpu.memref_slice %arg23[%add3A_127, %dma_wait3A_138] : memref<10240x16xf32, #tpu.memory_space<vmem_shared>> -> memref<64x16xf32, #tpu.memory_space<vmem_shared>>
      tpu.wait_dma2 semaphore(%run_scoped3A : memref<!tpu.dma_semaphore, #tpu.memory_space<semaphore_mem>>) src(%dma_wait3A_139 : memref<64x16xf32, #tpu.memory_space<vmem_shared>>) dst(%arg18 : memref<64x16xf32, #tpu.memory_space<vmem>>)
      tpu.yield
    }) : () -> ()
    "tpu.region"() ({
      %run_scoped3A = tpu.sem_alloc : memref<!tpu.dma_semaphore, #tpu.memory_space<semaphore_mem>>
      %dma_start3A_132 = arith.constant 0 : i32
      %dma_start3A_133 = tpu.memref_slice %arg10[%arg0, %add3A_127, %dma_start3A_132] : memref<2x10240x16xf32, #tpu.memory_space<hbm>> -> memref<1x64x16xf32, #tpu.memory_space<hbm>>
      %dma_start3A_134 = tpu.memref_squeeze %dma_start3A_133 : memref<1x64x16xf32, #tpu.memory_space<hbm>> -> memref<64x16xf32, #tpu.memory_space<hbm>>
      %dma_start3A_135 = arith.constant 0 : i32
      %dma_start3A_136 = tpu.memref_slice %arg10[%arg0, %add3A_127, %dma_start3A_135] : memref<2x10240x16xf32, #tpu.memory_space<hbm>> -> memref<1x64x16xf32, #tpu.memory_space<hbm>>
      %dma_start3A_137 = tpu.memref_squeeze %dma_start3A_136 : memref<1x64x16xf32, #tpu.memory_space<hbm>> -> memref<64x16xf32, #tpu.memory_space<hbm>>
      tpu.enqueue_dma source(%arg18 : memref<64x16xf32, #tpu.memory_space<vmem>>) target(%dma_start3A_137 : memref<64x16xf32, #tpu.memory_space<hbm>>) target_semaphore(%run_scoped3A : memref<!tpu.dma_semaphore, #tpu.memory_space<semaphore_mem>>)
      %dma_wait3A_138 = arith.constant 0 : i32
      %dma_wait3A_139 = tpu.memref_slice %arg10[%arg0, %add3A_127, %dma_wait3A_138] : memref<2x10240x16xf32, #tpu.memory_space<hbm>> -> memref<1x64x16xf32, #tpu.memory_space<hbm>>
      %dma_wait3A_140 = tpu.memref_squeeze %dma_wait3A_139 : memref<1x64x16xf32, #tpu.memory_space<hbm>> -> memref<64x16xf32, #tpu.memory_space<hbm>>
      %dma_wait3A_141 = arith.constant 0 : i32
      %dma_wait3A_142 = tpu.memref_slice %arg10[%arg0, %add3A_127, %dma_wait3A_141] : memref<2x10240x16xf32, #tpu.memory_space<hbm>> -> memref<1x64x16xf32, #tpu.memory_space<hbm>>
      %dma_wait3A_143 = tpu.memref_squeeze %dma_wait3A_142 : memref<1x64x16xf32, #tpu.memory_space<hbm>> -> memref<64x16xf32, #tpu.memory_space<hbm>>
      tpu.wait_dma2 semaphore(%run_scoped3A : memref<!tpu.dma_semaphore, #tpu.memory_space<semaphore_mem>>) src(%arg18 : memref<64x16xf32, #tpu.memory_space<vmem>>) dst(%dma_wait3A_143 : memref<64x16xf32, #tpu.memory_space<hbm>>)
      tpu.yield
    }) : () -> ()
    %mul3A_128 = arith.constant 640 : i32
    %mul3A_129 = arith.muli %arg1, %mul3A_128 : i32
    %add3A_130 = arith.constant 576 : i32
    %add3A_131 = arith.addi %mul3A_129, %add3A_130 : i32
    "tpu.region"() ({
      %run_scoped3A = tpu.sem_alloc : memref<!tpu.dma_semaphore, #tpu.memory_space<semaphore_mem>>
      %dma_start3A_132 = arith.constant 0 : i32
      %dma_start3A_133 = tpu.memref_slice %arg22[%add3A_131, %dma_start3A_132] : memref<10240x128xf32, #tpu.memory_space<vmem_shared>> -> memref<64x128xf32, #tpu.memory_space<vmem_shared>>
      %dma_start3A_134 = arith.constant 0 : i32
      %dma_start3A_135 = tpu.memref_slice %arg22[%add3A_131, %dma_start3A_134] : memref<10240x128xf32, #tpu.memory_space<vmem_shared>> -> memref<64x128xf32, #tpu.memory_space<vmem_shared>>
      tpu.enqueue_dma source(%dma_start3A_135 : memref<64x128xf32, #tpu.memory_space<vmem_shared>>) target(%arg19 : memref<64x128xf32, #tpu.memory_space<vmem>>) target_semaphore(%run_scoped3A : memref<!tpu.dma_semaphore, #tpu.memory_space<semaphore_mem>>)
      %dma_wait3A_136 = arith.constant 0 : i32
      %dma_wait3A_137 = tpu.memref_slice %arg22[%add3A_131, %dma_wait3A_136] : memref<10240x128xf32, #tpu.memory_space<vmem_shared>> -> memref<64x128xf32, #tpu.memory_space<vmem_shared>>
      %dma_wait3A_138 = arith.constant 0 : i32
      %dma_wait3A_139 = tpu.memref_slice %arg22[%add3A_131, %dma_wait3A_138] : memref<10240x128xf32, #tpu.memory_space<vmem_shared>> -> memref<64x128xf32, #tpu.memory_space<vmem_shared>>
      tpu.wait_dma2 semaphore(%run_scoped3A : memref<!tpu.dma_semaphore, #tpu.memory_space<semaphore_mem>>) src(%dma_wait3A_139 : memref<64x128xf32, #tpu.memory_space<vmem_shared>>) dst(%arg19 : memref<64x128xf32, #tpu.memory_space<vmem>>)
      tpu.yield
    }) : () -> ()
    "tpu.region"() ({
      %run_scoped3A = tpu.sem_alloc : memref<!tpu.dma_semaphore, #tpu.memory_space<semaphore_mem>>
      %dma_start3A_132 = arith.constant 0 : i32
      %dma_start3A_133 = tpu.memref_slice %arg9[%arg0, %add3A_131, %dma_start3A_132] : memref<2x10240x128xf32, #tpu.memory_space<hbm>> -> memref<1x64x128xf32, #tpu.memory_space<hbm>>
      %dma_start3A_134 = tpu.memref_squeeze %dma_start3A_133 : memref<1x64x128xf32, #tpu.memory_space<hbm>> -> memref<64x128xf32, #tpu.memory_space<hbm>>
      %dma_start3A_135 = arith.constant 0 : i32
      %dma_start3A_136 = tpu.memref_slice %arg9[%arg0, %add3A_131, %dma_start3A_135] : memref<2x10240x128xf32, #tpu.memory_space<hbm>> -> memref<1x64x128xf32, #tpu.memory_space<hbm>>
      %dma_start3A_137 = tpu.memref_squeeze %dma_start3A_136 : memref<1x64x128xf32, #tpu.memory_space<hbm>> -> memref<64x128xf32, #tpu.memory_space<hbm>>
      tpu.enqueue_dma source(%arg19 : memref<64x128xf32, #tpu.memory_space<vmem>>) target(%dma_start3A_137 : memref<64x128xf32, #tpu.memory_space<hbm>>) target_semaphore(%run_scoped3A : memref<!tpu.dma_semaphore, #tpu.memory_space<semaphore_mem>>)
      %dma_wait3A_138 = arith.constant 0 : i32
      %dma_wait3A_139 = tpu.memref_slice %arg9[%arg0, %add3A_131, %dma_wait3A_138] : memref<2x10240x128xf32, #tpu.memory_space<hbm>> -> memref<1x64x128xf32, #tpu.memory_space<hbm>>
      %dma_wait3A_140 = tpu.memref_squeeze %dma_wait3A_139 : memref<1x64x128xf32, #tpu.memory_space<hbm>> -> memref<64x128xf32, #tpu.memory_space<hbm>>
      %dma_wait3A_141 = arith.constant 0 : i32
      %dma_wait3A_142 = tpu.memref_slice %arg9[%arg0, %add3A_131, %dma_wait3A_141] : memref<2x10240x128xf32, #tpu.memory_space<hbm>> -> memref<1x64x128xf32, #tpu.memory_space<hbm>>
      %dma_wait3A_143 = tpu.memref_squeeze %dma_wait3A_142 : memref<1x64x128xf32, #tpu.memory_space<hbm>> -> memref<64x128xf32, #tpu.memory_space<hbm>>
      tpu.wait_dma2 semaphore(%run_scoped3A : memref<!tpu.dma_semaphore, #tpu.memory_space<semaphore_mem>>) src(%arg19 : memref<64x128xf32, #tpu.memory_space<vmem>>) dst(%dma_wait3A_143 : memref<64x128xf32, #tpu.memory_space<hbm>>)
      tpu.yield
    }) : () -> ()
    "tpu.region"() ({
      %run_scoped3A = tpu.sem_alloc : memref<!tpu.dma_semaphore, #tpu.memory_space<semaphore_mem>>
      %dma_start3A_132 = arith.constant 0 : i32
      %dma_start3A_133 = tpu.memref_slice %arg23[%add3A_131, %dma_start3A_132] : memref<10240x16xf32, #tpu.memory_space<vmem_shared>> -> memref<64x16xf32, #tpu.memory_space<vmem_shared>>
      %dma_start3A_134 = arith.constant 0 : i32
      %dma_start3A_135 = tpu.memref_slice %arg23[%add3A_131, %dma_start3A_134] : memref<10240x16xf32, #tpu.memory_space<vmem_shared>> -> memref<64x16xf32, #tpu.memory_space<vmem_shared>>
      tpu.enqueue_dma source(%dma_start3A_135 : memref<64x16xf32, #tpu.memory_space<vmem_shared>>) target(%arg18 : memref<64x16xf32, #tpu.memory_space<vmem>>) target_semaphore(%run_scoped3A : memref<!tpu.dma_semaphore, #tpu.memory_space<semaphore_mem>>)
      %dma_wait3A_136 = arith.constant 0 : i32
      %dma_wait3A_137 = tpu.memref_slice %arg23[%add3A_131, %dma_wait3A_136] : memref<10240x16xf32, #tpu.memory_space<vmem_shared>> -> memref<64x16xf32, #tpu.memory_space<vmem_shared>>
      %dma_wait3A_138 = arith.constant 0 : i32
      %dma_wait3A_139 = tpu.memref_slice %arg23[%add3A_131, %dma_wait3A_138] : memref<10240x16xf32, #tpu.memory_space<vmem_shared>> -> memref<64x16xf32, #tpu.memory_space<vmem_shared>>
      tpu.wait_dma2 semaphore(%run_scoped3A : memref<!tpu.dma_semaphore, #tpu.memory_space<semaphore_mem>>) src(%dma_wait3A_139 : memref<64x16xf32, #tpu.memory_space<vmem_shared>>) dst(%arg18 : memref<64x16xf32, #tpu.memory_space<vmem>>)
      tpu.yield
    }) : () -> ()
    "tpu.region"() ({
      %run_scoped3A = tpu.sem_alloc : memref<!tpu.dma_semaphore, #tpu.memory_space<semaphore_mem>>
      %dma_start3A_132 = arith.constant 0 : i32
      %dma_start3A_133 = tpu.memref_slice %arg10[%arg0, %add3A_131, %dma_start3A_132] : memref<2x10240x16xf32, #tpu.memory_space<hbm>> -> memref<1x64x16xf32, #tpu.memory_space<hbm>>
      %dma_start3A_134 = tpu.memref_squeeze %dma_start3A_133 : memref<1x64x16xf32, #tpu.memory_space<hbm>> -> memref<64x16xf32, #tpu.memory_space<hbm>>
      %dma_start3A_135 = arith.constant 0 : i32
      %dma_start3A_136 = tpu.memref_slice %arg10[%arg0, %add3A_131, %dma_start3A_135] : memref<2x10240x16xf32, #tpu.memory_space<hbm>> -> memref<1x64x16xf32, #tpu.memory_space<hbm>>
      %dma_start3A_137 = tpu.memref_squeeze %dma_start3A_136 : memref<1x64x16xf32, #tpu.memory_space<hbm>> -> memref<64x16xf32, #tpu.memory_space<hbm>>
      tpu.enqueue_dma source(%arg18 : memref<64x16xf32, #tpu.memory_space<vmem>>) target(%dma_start3A_137 : memref<64x16xf32, #tpu.memory_space<hbm>>) target_semaphore(%run_scoped3A : memref<!tpu.dma_semaphore, #tpu.memory_space<semaphore_mem>>)
      %dma_wait3A_138 = arith.constant 0 : i32
      %dma_wait3A_139 = tpu.memref_slice %arg10[%arg0, %add3A_131, %dma_wait3A_138] : memref<2x10240x16xf32, #tpu.memory_space<hbm>> -> memref<1x64x16xf32, #tpu.memory_space<hbm>>
      %dma_wait3A_140 = tpu.memref_squeeze %dma_wait3A_139 : memref<1x64x16xf32, #tpu.memory_space<hbm>> -> memref<64x16xf32, #tpu.memory_space<hbm>>
      %dma_wait3A_141 = arith.constant 0 : i32
      %dma_wait3A_142 = tpu.memref_slice %arg10[%arg0, %add3A_131, %dma_wait3A_141] : memref<2x10240x16xf32, #tpu.memory_space<hbm>> -> memref<1x64x16xf32, #tpu.memory_space<hbm>>
      %dma_wait3A_143 = tpu.memref_squeeze %dma_wait3A_142 : memref<1x64x16xf32, #tpu.memory_space<hbm>> -> memref<64x16xf32, #tpu.memory_space<hbm>>
      tpu.wait_dma2 semaphore(%run_scoped3A : memref<!tpu.dma_semaphore, #tpu.memory_space<semaphore_mem>>) src(%arg18 : memref<64x16xf32, #tpu.memory_space<vmem>>) dst(%dma_wait3A_143 : memref<64x16xf32, #tpu.memory_space<hbm>>)
      tpu.yield
    }) : () -> ()
    return
  }
}

module attributes {stable_mosaic.version = 14 : i64} {
  func.func @_tc_hidden_body(%arg0: i32, %arg1: i32, %arg2: memref<256x128xf32, #tpu.memory_space<vmem>>, %arg3: memref<1x128x128xf32, #tpu.memory_space<vmem>>, %arg4: memref<1x128x16xf32, #tpu.memory_space<vmem>>, %arg5: memref<1x128x16xf32, #tpu.memory_space<vmem>>, %arg6: memref<1x256x128xf32, #tpu.memory_space<vmem>>, %arg7: memref<1x256x16xf32, #tpu.memory_space<vmem>>, %arg8: memref<1x256x16xf32, #tpu.memory_space<vmem>>) attributes {dimension_semantics = [#tpu.dimension_semantics<arbitrary>, #tpu.dimension_semantics<arbitrary>], iteration_bounds = array<i64: 9, 40>, scalar_prefetch = 0 : i64, scratch_operands = 0 : i64, tpu.core_type = #tpu.core_type<tc>, window_params = [{transform_indices = @transform_0, window_bounds = array<i64: 256, 128>}, {transform_indices = @transform_1, window_bounds = array<i64: 1, 128, 128>}, {transform_indices = @transform_2, window_bounds = array<i64: 1, 128, 16>}, {transform_indices = @transform_3, window_bounds = array<i64: 1, 128, 16>}, {transform_indices = @transform_4, window_bounds = array<i64: 1, 256, 128>}, {transform_indices = @transform_5, window_bounds = array<i64: 1, 256, 16>}, {transform_indices = @transform_6, window_bounds = array<i64: 1, 256, 16>}]} {
    %get3A = arith.constant 0 : index
    %get3A_0 = arith.constant 0 : index
    %get3A_1 = vector.load %arg2[%get3A, %get3A_0] : memref<256x128xf32, #tpu.memory_space<vmem>>, vector<256x128xf32>
    %get3A_2 = arith.constant 0 : index
    %get3A_3 = arith.constant 0 : index
    %get3A_4 = arith.constant 0 : index
    %get3A_5 = vector.load %arg3[%get3A_2, %get3A_3, %get3A_4] : memref<1x128x128xf32, #tpu.memory_space<vmem>>, vector<1x128x128xf32>
    %get3A_6 = vector.shape_cast %get3A_5 : vector<1x128x128xf32> to vector<128x128xf32>
    %dot_general3A = arith.constant dense<0.000000e+00> : vector<256x128xf32>
    %dot_general3A_7 = tpu.matmul %get3A_1, %get3A_6, %dot_general3A {dimension_numbers = #tpu.dot_dimension_numbers<[1], [1], [0], [0], [0, 0, 1, 0], [], []>, transpose_lhs_hint = false} : vector<256x128xf32>, vector<128x128xf32>, vector<256x128xf32> -> vector<256x128xf32>
    %broadcast_in_dim3A = vector.shape_cast %dot_general3A_7 : vector<256x128xf32> to vector<1x256x128xf32>
    %swap3A = arith.constant 0 : index
    %swap3A_8 = arith.constant 0 : index
    %swap3A_9 = arith.constant 0 : index
    %swap3A_10 = vector.load %arg6[%swap3A, %swap3A_8, %swap3A_9] : memref<1x256x128xf32, #tpu.memory_space<vmem>>, vector<1x256x128xf32>
    tpu.vector_store %arg6[%swap3A, %swap3A_8, %swap3A_9], %broadcast_in_dim3A {strides = array<i32>} : memref<1x256x128xf32, #tpu.memory_space<vmem>>, vector<1x256x128xf32>,
    %get3A_11 = arith.constant 0 : index
    %get3A_12 = arith.constant 0 : index
    %get3A_13 = arith.constant 0 : index
    %get3A_14 = vector.load %arg4[%get3A_11, %get3A_12, %get3A_13] : memref<1x128x16xf32, #tpu.memory_space<vmem>>, vector<1x128x16xf32>
    %get3A_15 = vector.shape_cast %get3A_14 : vector<1x128x16xf32> to vector<128x16xf32>
    %dot_general3A_16 = arith.constant dense<0.000000e+00> : vector<256x16xf32>
    %dot_general3A_17 = tpu.matmul %dot_general3A_7, %get3A_15, %dot_general3A_16 {dimension_numbers = #tpu.dot_dimension_numbers<[1], [0], [0], [1], [0, 0, 1, 1], [], []>, transpose_lhs_hint = false} : vector<256x128xf32>, vector<128x16xf32>, vector<256x16xf32> -> vector<256x16xf32>
    %broadcast_in_dim3A_18 = vector.shape_cast %dot_general3A_17 : vector<256x16xf32> to vector<1x256x16xf32>
    %swap3A_19 = arith.constant 0 : index
    %swap3A_20 = arith.constant 0 : index
    %swap3A_21 = arith.constant 0 : index
    %swap3A_22 = vector.load %arg7[%swap3A_19, %swap3A_20, %swap3A_21] : memref<1x256x16xf32, #tpu.memory_space<vmem>>, vector<1x256x16xf32>
    tpu.vector_store %arg7[%swap3A_19, %swap3A_20, %swap3A_21], %broadcast_in_dim3A_18 {strides = array<i32>} : memref<1x256x16xf32, #tpu.memory_space<vmem>>, vector<1x256x16xf32>,
    %get3A_23 = arith.constant 0 : index
    %get3A_24 = arith.constant 0 : index
    %get3A_25 = arith.constant 0 : index
    %get3A_26 = vector.load %arg5[%get3A_23, %get3A_24, %get3A_25] : memref<1x128x16xf32, #tpu.memory_space<vmem>>, vector<1x128x16xf32>
    %get3A_27 = vector.shape_cast %get3A_26 : vector<1x128x16xf32> to vector<128x16xf32>
    %dot_general3A_28 = arith.constant dense<0.000000e+00> : vector<256x16xf32>
    %dot_general3A_29 = tpu.matmul %dot_general3A_7, %get3A_27, %dot_general3A_28 {dimension_numbers = #tpu.dot_dimension_numbers<[1], [0], [0], [1], [0, 0, 1, 1], [], []>, transpose_lhs_hint = false} : vector<256x128xf32>, vector<128x16xf32>, vector<256x16xf32> -> vector<256x16xf32>
    %broadcast_in_dim3A_30 = vector.shape_cast %dot_general3A_29 : vector<256x16xf32> to vector<1x256x16xf32>
    %swap3A_31 = arith.constant 0 : index
    %swap3A_32 = arith.constant 0 : index
    %swap3A_33 = arith.constant 0 : index
    %swap3A_34 = vector.load %arg8[%swap3A_31, %swap3A_32, %swap3A_33] : memref<1x256x16xf32, #tpu.memory_space<vmem>>, vector<1x256x16xf32>
    tpu.vector_store %arg8[%swap3A_31, %swap3A_32, %swap3A_33], %broadcast_in_dim3A_30 {strides = array<i32>} : memref<1x256x16xf32, #tpu.memory_space<vmem>>, vector<1x256x16xf32>,
    return
  }
  func.func @transform_0(%arg0: i32, %arg1: i32) -> (i32, i32) {
    %c0_i32 = arith.constant 0 : i32
    %c0_i32_0 = arith.constant 0 : i32
    return %arg1, %c0_i32 : i32, i32
  }
  func.func @transform_1(%arg0: i32, %arg1: i32) -> (i32, i32, i32) {
    %c0_i32 = arith.constant 0 : i32
    %c0_i32_0 = arith.constant 0 : i32
    %c0_i32_1 = arith.constant 0 : i32
    return %arg0, %c0_i32, %c0_i32_0 : i32, i32, i32
  }
  func.func @transform_2(%arg0: i32, %arg1: i32) -> (i32, i32, i32) {
    %c0_i32 = arith.constant 0 : i32
    %c0_i32_0 = arith.constant 0 : i32
    %c0_i32_1 = arith.constant 0 : i32
    return %arg0, %c0_i32, %c0_i32_0 : i32, i32, i32
  }
  func.func @transform_3(%arg0: i32, %arg1: i32) -> (i32, i32, i32) {
    %c0_i32 = arith.constant 0 : i32
    %c0_i32_0 = arith.constant 0 : i32
    %c0_i32_1 = arith.constant 0 : i32
    return %arg0, %c0_i32, %c0_i32_0 : i32, i32, i32
  }
  func.func @transform_4(%arg0: i32, %arg1: i32) -> (i32, i32, i32) {
    %c0_i32 = arith.constant 0 : i32
    %c0_i32_0 = arith.constant 0 : i32
    return %arg0, %arg1, %c0_i32 : i32, i32, i32
  }
  func.func @transform_5(%arg0: i32, %arg1: i32) -> (i32, i32, i32) {
    %c0_i32 = arith.constant 0 : i32
    %c0_i32_0 = arith.constant 0 : i32
    return %arg0, %arg1, %c0_i32 : i32, i32, i32
  }
  func.func @transform_6(%arg0: i32, %arg1: i32) -> (i32, i32, i32) {
    %c0_i32 = arith.constant 0 : i32
    %c0_i32_0 = arith.constant 0 : i32
    return %arg0, %arg1, %c0_i32 : i32, i32, i32
  }
}

module attributes {stable_mosaic.version = 14 : i64} {
  func.func @_tc_epilogue_body(%arg0: i32, %arg1: memref<2x256x128xf32, #tpu.memory_space<vmem>>, %arg2: memref<2x256x16xf32, #tpu.memory_space<vmem>>, %arg3: memref<16x128xf32, #tpu.memory_space<vmem>>, %arg4: memref<256x128xf32, #tpu.memory_space<vmem>>) attributes {dimension_semantics = [#tpu.dimension_semantics<arbitrary>], iteration_bounds = array<i64: 40>, scalar_prefetch = 0 : i64, scratch_operands = 0 : i64, tpu.core_type = #tpu.core_type<tc>, window_params = [{transform_indices = @transform_0, window_bounds = array<i64: 2, 256, 128>}, {transform_indices = @transform_1, window_bounds = array<i64: 2, 256, 16>}, {pipeline_mode = #tpu.pipeline_mode<synchronous>, transform_indices = @transform_2, window_bounds = array<i64: 16, 128>}, {transform_indices = @transform_3, window_bounds = array<i64: 256, 128>}]} {
    %get3A = arith.constant 0 : index
    %get3A_0 = arith.constant 0 : index
    %get3A_1 = arith.constant 0 : index
    %get3A_2 = vector.load %arg1[%get3A, %get3A_0, %get3A_1] : memref<2x256x128xf32, #tpu.memory_space<vmem>>, vector<1x256x128xf32>
    %get3A_3 = vector.shape_cast %get3A_2 : vector<1x256x128xf32> to vector<256x128xf32>
    %get3A_4 = arith.constant 1 : index
    %get3A_5 = arith.constant 0 : index
    %get3A_6 = arith.constant 0 : index
    %get3A_7 = vector.load %arg1[%get3A_4, %get3A_5, %get3A_6] : memref<2x256x128xf32, #tpu.memory_space<vmem>>, vector<1x256x128xf32>
    %get3A_8 = vector.shape_cast %get3A_7 : vector<1x256x128xf32> to vector<256x128xf32>
    %add3A = arith.addf %get3A_3, %get3A_8 : vector<256x128xf32>
    %get3A_9 = arith.constant 0 : index
    %get3A_10 = arith.constant 0 : index
    %get3A_11 = arith.constant 0 : index
    %get3A_12 = vector.load %arg2[%get3A_9, %get3A_10, %get3A_11] : memref<2x256x16xf32, #tpu.memory_space<vmem>>, vector<1x256x16xf32>
    %get3A_13 = vector.shape_cast %get3A_12 : vector<1x256x16xf32> to vector<256x16xf32>
    %get3A_14 = arith.constant 1 : index
    %get3A_15 = arith.constant 0 : index
    %get3A_16 = arith.constant 0 : index
    %get3A_17 = vector.load %arg2[%get3A_14, %get3A_15, %get3A_16] : memref<2x256x16xf32, #tpu.memory_space<vmem>>, vector<1x256x16xf32>
    %get3A_18 = vector.shape_cast %get3A_17 : vector<1x256x16xf32> to vector<256x16xf32>
    %add3A_19 = arith.addf %get3A_13, %get3A_18 : vector<256x16xf32>
    %get3A_20 = arith.constant 0 : index
    %get3A_21 = arith.constant 0 : index
    %get3A_22 = vector.load %arg3[%get3A_20, %get3A_21] : memref<16x128xf32, #tpu.memory_space<vmem>>, vector<16x128xf32>
    %dot_general3A = arith.constant dense<0.000000e+00> : vector<256x128xf32>
    %dot_general3A_23 = tpu.matmul %add3A_19, %get3A_22, %dot_general3A {dimension_numbers = #tpu.dot_dimension_numbers<[1], [0], [0], [1], [0, 0, 1, 1], [], []>, transpose_lhs_hint = false} : vector<256x16xf32>, vector<16x128xf32>, vector<256x128xf32> -> vector<256x128xf32>
    %div3A = arith.divf %add3A, %dot_general3A_23 : vector<256x128xf32>
    %max3A = arith.constant 0.000000e+00 : f32
    %max3A_24 = vector.broadcast %max3A : f32 to vector<256x128xf32>
    %max3A_25 = arith.maximumf %div3A, %max3A_24 : vector<256x128xf32>
    %swap3A = arith.constant 0 : index
    %swap3A_26 = arith.constant 0 : index
    %swap3A_27 = vector.load %arg4[%swap3A, %swap3A_26] : memref<256x128xf32, #tpu.memory_space<vmem>>, vector<256x128xf32>
    tpu.vector_store %arg4[%swap3A, %swap3A_26], %max3A_25 {strides = array<i32>} : memref<256x128xf32, #tpu.memory_space<vmem>>, vector<256x128xf32>,
    return
  }
  func.func @transform_0(%arg0: i32) -> (i32, i32, i32) {
    %c0_i32 = arith.constant 0 : i32
    %c0_i32_0 = arith.constant 0 : i32
    %c0_i32_1 = arith.constant 0 : i32
    return %c0_i32, %arg0, %c0_i32_0 : i32, i32, i32
  }
  func.func @transform_1(%arg0: i32) -> (i32, i32, i32) {
    %c0_i32 = arith.constant 0 : i32
    %c0_i32_0 = arith.constant 0 : i32
    %c0_i32_1 = arith.constant 0 : i32
    return %c0_i32, %arg0, %c0_i32_0 : i32, i32, i32
  }
  func.func @transform_2(%arg0: i32) -> (i32, i32) {
    %c0_i32 = arith.constant 0 : i32
    %c0_i32_0 = arith.constant 0 : i32
    %c0_i32_1 = arith.constant 0 : i32
    return %c0_i32, %c0_i32_0 : i32, i32
  }
  func.func @transform_3(%arg0: i32) -> (i32, i32) {
    %c0_i32 = arith.constant 0 : i32
    %c0_i32_0 = arith.constant 0 : i32
    return %arg0, %c0_i32 : i32, i32
  }
}

</mosaic_0001>

<sc_bundles>
// kernel: kernel.5.cloned.1.call-start
scs
__scs_entry_jumppad:
0x0: {  	(pc) =	sbr.rel $0x88, $3  }
0x1: {  	(tag) =	ssettag $0x0;
	lr =	simm.s32 $0x1  }
0x2: {  	[smem:$0x3F9B] =	sst lr;
	_ =	strace $0xD0000000  }
0x3: {  	_ = 	snop  }
0x4: {  	_ = 	snop  }
0x5: {  	_ = 	snop  }
0x6: {  	_ = 	snop  }
0x7: {  	_ = 	snop  }
__scs_overlays_trampoline_lowered:
0x8: {  	[smem:$0x3FAA] =	sst s0  }
0x9: {  	[smem:$0x3FAB] =	sst s1  }
0xa: {  	[smem:$0x3FAC] =	sst s2  }
0xb: {  	[smem:$0x3FAD] =	sst s3  }
0xc: {  	[smem:$0x3FAE] =	sst s4  }
0xd: {  	[smem:$0x3FAF] =	sst s5  }
0xe: {  	[smem:$0x3FB0] =	sst s6  }
0xf: {  	[smem:$0x3FB1] =	sst s7  }
0x10: {  	[smem:$0x3FB2] =	sst s8  }
0x11: {  	[smem:$0x3FB3] =	sst s9;
	s0 =	simm.s32 @!p0 $0x0  }
0x12: {  	s1 =	sld [smem:$0x3F99];
	s0 =	simm.s32 @p0 $0x1  }
0x13: {  	[smem:$0x3FB4] =	sst s0;
	s0 =	simm.s32 @!p1 $0x0  }
0x14: {  	s2 =	sld [smem:$0x3F98];
	s0 =	simm.s32 @p1 $0x1  }
0x15: {  	[smem:$0x3FB5] =	sst s0;
	s0 =	simm.s32 @!p2 $0x0  }
0x16: {  	s3 =	sld [smem:$0x3FDB];
	s0 =	simm.s32 @p2 $0x1  }
0x17: {  	s4 =	simm.s32 $0x1BF5;
	[smem:$0x3FB7] =	sst s0  }
0x18: {  	s0 =	sld [smem:$0x3F9A];
	_ =	swait.ge [sflag:s4], $0x0  }
0x19: {  	s7 =	sld [smem:$0x3F9B]  }
0x1a: {  	s8 =	sadd.s32 $0xFFFFE003, lr  }
0x1b: {  	s9 =	sadd.s32 $0xFFFFFEF7, lr;
	s5 =	simm.s32 $0xFFFFFFFF;
	p2 =	slt.u32 s8, $0xFFFFF086  }
0x1c: {  	p1 =	slt.u32 s9, $0xF7A;
	s5 =	simm.s32 @!p2 $0x0  }
0x1d: {  	s5 =	simm.s32 @p1 $0x1;
	p0 =	seq.s32 s7, s2  }
0x1e: {  	s7 =	smul.u32 @!p0 $0xF7A, s2;
	p2 =	seq.s32 @!p0 s5, $0x0  }
0x1f: {  	s9 =	smul.u32 $0xF7A, s1;
	s8 =	simm.s32 @!p0 $0x1BF5;
	p2 =	por !p2, p0  }
0x20: {  	[sflag:s8] =	ssyncset.s32 @!p0 $0xFFFFF086;
	s6 =	sadd.s32 @!p0 s3, s7;
	s7 =	simm.s32 @!p0 $0x108  }
0x21: {  	s3 =	sadd.s32 s3, s9;
	s6 =	sadd.s32 @!p0 $0x88, s6;
	s7 =	simm.s32 @p2 $0x1082  }
0x22: {  	[simem:s7], [sflag:s8] =	dma.local @!p0 [hbm:s6], $0xF7A  }
0x23: {  	s9 =	sor.u32 $0xD0000000, s2;
	s6 =	simm.s32 $0x108;
	_ =	swait.ge @!p0 [sflag:s8], $0x0  }
0x24: {  	s3 =	sadd.s32 $0x88, s3;
	s6 =	simm.s32 @!p1 $0x1082;
	[sflag:s4] =	ssyncset.s32 $0xFFFFF086  }
0x25: {  	[simem:s6], [sflag:s4] =	dma.local [hbm:s3], $0xF7A  }
0x26: {  	[smem:$0x3F9B] =	sst s1;
	(tag) =	ssettag s2;
	_ =	strace s9  }
0x27: {  	s1 =	sld [smem:$0x3FAB]  }
0x28: {  	s2 =	sld [smem:$0x3FAC]  }
0x29: {  	s4 =	sld [smem:$0x3FAE]  }
0x2a: {  	p0 =	seq.s32 s5, $0x0;
	s5 =	sld [smem:$0x3FAF]  }
0x2b: {  	s6 =	sld [smem:$0x3FB0]  }
0x2c: {  	s7 =	sld [smem:$0x3FB1]  }
0x2d: {  	s3 =	simm.s32 $0x108;
	s8 =	sld [smem:$0x3FB2]  }
0x2e: {  	s3 =	simm.s32 @!p0 $0x1082;
	s9 =	sld [smem:$0x3FB3]  }
0x2f: {  	lr =	sadd.s32 s0, s3;
	s0 =	sld [smem:$0x3FAA]  }
0x30: {  	s3 =	sld [smem:$0x3FAD]  }
0x31: {  	[smem:$0x3FB6] =	sst s10  }
0x32: {  	s10 =	sld [smem:$0x3FB4];
	_ =	sdelay $0x3  }
0x33: {  	p0 =	seq.s32 s10, $0x1;
	s10 =	sld [smem:$0x3FB6];
	_ =	sdelay $0x3  }
0x34: {  	[smem:$0x3FB6] =	sst s10  }
0x35: {  	s10 =	sld [smem:$0x3FB5];
	_ =	sdelay $0x3  }
0x36: {  	p1 =	seq.s32 s10, $0x1;
	s10 =	sld [smem:$0x3FB6];
	_ =	sdelay $0x3  }
0x37: {  	[smem:$0x3FB6] =	sst s10  }
0x38: {  	s10 =	sld [smem:$0x3FB7]  }
0x39: {  	_ = 	snop;
	(pc) =	sbr.ind lr, $3  }
0x3a: {  	_ = 	snop  }
0x3b: {  	_ = 	snop  }
0x3c: {  	p2 =	seq.s32 s10, $0x1;
	s10 =	sld [smem:$0x3FB6]  }
0x3d: {  	_ =	shalt  }
0x3e: {  	_ =	shalt  }
0x3f: {  	_ =	shalt  }
0x40: {  	_ =	shalt  }
0x41: {  	_ =	shalt  }
0x42: {  	_ =	shalt  }
0x43: {  	_ =	shalt  }
0x44: {  	_ =	shalt  }
0x45: {  	_ =	shalt  }
0x46: {  	_ =	shalt  }
0x47: {  	_ =	shalt  }
0x48: {  	_ =	shalt  }
0x49: {  	_ =	shalt  }
0x4a: {  	_ =	shalt  }
0x4b: {  	_ =	shalt  }
0x4c: {  	_ =	shalt  }
0x4d: {  	_ =	shalt  }
0x4e: {  	_ =	shalt  }
0x4f: {  	_ =	shalt  }
0x50: {  	_ =	shalt  }
0x51: {  	_ =	shalt  }
0x52: {  	_ =	shalt  }
0x53: {  	_ =	shalt  }
0x54: {  	_ =	shalt  }
0x55: {  	_ =	shalt  }
0x56: {  	_ =	shalt  }
0x57: {  	_ =	shalt  }
0x58: {  	_ =	shalt  }
0x59: {  	_ =	shalt  }
0x5a: {  	_ =	shalt  }
0x5b: {  	_ =	shalt  }
0x5c: {  	_ =	shalt  }
0x5d: {  	_ =	shalt  }
0x5e: {  	_ =	shalt  }
0x5f: {  	_ =	shalt  }
0x60: {  	_ =	shalt  }
0x61: {  	_ =	shalt  }
0x62: {  	_ =	shalt  }
0x63: {  	_ =	shalt  }
0x64: {  	_ =	shalt  }
0x65: {  	_ =	shalt  }
0x66: {  	_ =	shalt  }
0x67: {  	_ =	shalt  }
0x68: {  	_ =	shalt  }
0x69: {  	_ =	shalt  }
0x6a: {  	_ =	shalt  }
0x6b: {  	_ =	shalt  }
0x6c: {  	_ =	shalt  }
0x6d: {  	_ =	shalt  }
0x6e: {  	_ =	shalt  }
0x6f: {  	_ =	shalt  }
0x70: {  	_ =	shalt  }
0x71: {  	_ =	shalt  }
0x72: {  	_ =	shalt  }
0x73: {  	_ =	shalt  }
0x74: {  	_ =	shalt  }
0x75: {  	_ =	shalt  }
0x76: {  	_ =	shalt  }
0x77: {  	_ =	shalt  }
0x78: {  	_ =	shalt  }
0x79: {  	_ =	shalt  }
0x7a: {  	_ =	shalt  }
0x7b: {  	_ =	shalt  }
0x7c: {  	_ =	shalt  }
0x7d: {  	_ =	shalt  }
0x7e: {  	_ =	shalt  }
0x7f: {  	_ =	shalt  }
0x80: {  	_ =	shalt  }
0x81: {  	_ =	shalt  }
0x82: {  	_ =	shalt  }
0x83: {  	_ =	shalt  }
0x84: {  	_ =	shalt  }
0x85: {  	_ =	shalt  }
0x86: {  	_ =	shalt  }
0x87: {  	_ =	shalt  }
.Lfunc_end0:
.L_simem_size_0:
called_computation_lowered:
.L_overlay_start_0:
0x88: {  	s2 =	sld [smem:$0x3FD9]  }
0x89: {  	s3 =	sld [smem:$0x3FFE];
	_ =	sdelay $0x1  }
0x8a: {  	s1 =	srdreg.scid  }
0x8b: {  	s0 =	sand.u32 $0x1, s1  }
0x8c: {  	s17 =	sshll.u32 s0, $0xA;
	s2 =	sadd.s32 s3, s2  }
0x8d: {  	s2 =	sadd.s32 s2, s17  }
0x8e: {  	[smem:$0x3FC2] =	sst s2  }
0x8f: {  	_ = 	snop  }
0x90: {  	s2 =	sld [smem:$0x3FD0];
	(tm) =	ssettm $0x1  }
0x91: {  	s18 =	sld [smem:$0x3FFB];
	_ =	sdelay $0x3  }
0x92: {  	_ =	strace s18  }
0x93: {  	s3 =	sld [smem:$0x3FFC];
	_ =	sdelay $0x3  }
0x94: {  	_ =	strace s3  }
0x95: {  	s3 =	sld [smem:$0x3FFD];
	_ =	sdelay $0x3  }
0x96: {  	_ =	strace s3  }
0x97: {  	_ =	strace $0x8FFFFFFF  }
0x98: {  	s19 =	sld [smem:$0x3FDB];
	_ =	sdelay $0x1  }
0x99: {  	s4 =	simm.s32 $_scs_section_size  }
0x9a: {  	s5 =	simm.s32 $_size__tile_overlayer_lowered;
	s6 =	simm.s32 $_tile_overlayer_lowered  }
0x9b: {  	s22 =	simm.s32 $0x1BFF;
	s21 =	sshll.u32 s6, $0x1;
	s3 =	sadd.s32 s4, s19  }
0x9c: {  	s7 =	simm.s32 $0x0;
	s20 =	sshll.u32 s5, $0x1;
	s5 =	sadd.s32 s21, s3  }
0x9d: {  	[timem:s7], [sflag:s22] =	dma.local [hbm:s5], s20  }
0x9e: {  	_ =	swait.ge [sflag:s22], s20  }
0x9f: {  	s4 =	ssub.s32 $0x0, s20;
	[sflag:s22] =	ssyncset.done $0x0  }
0xa0: {  	[sflag:s22] =	ssyncadd.s32 s4;
	_ =	sdelay $0x1  }
0xa1: {  	s23 =	simm.s32 $0x1B8B  }
0xa2: {  	_ =	swait.ge [sflag:s23], $0x1  }
0xa3: {  	[sflag:s23] =	ssyncset.done $0x0  }
0xa4: {  	s25 =	simm.s32 $0x1B8E;
	s24 =	sld [smem:$0x3FFE];
	[sflag:s23] =	ssyncadd.s32 $0xFFFFFFFF  }
0xa5: {  	s26 =	simm.s32 $execute0_lowered;
	[smem:$0x3FD2] =	sst s25  }
0xa6: {  	s5 =	sshll.u32 s26, $0x1;
	_ =	strace $0x80000046;
	[dreg:$0x1] =	wrdreg $0xFFFFFFFF  }
0xa7: {  	s28 =	simm.s32 $_size_execute0_lowered;
	s3 =	sadd.s32 s3, s5;
	[dreg:$0x0] =	wrdreg $0x0  }
0xa8: {  	s5 =	sshll.u32 s28, $0x1;
	[dreg:$0x2] =	wrdreg s3  }
0xa9: {  	[dreg:$0x3] =	wrdreg s5  }
0xaa: {  	[dreg:$0x4] =	wrdreg $0xC0  }
0xab: {  	_ =	task [dreg:s7], $0x5FFFF  }
0xac: {  	[dreg:$0x1] =	wrdreg $0xFFFFFFFF  }
0xad: {  	[dreg:$0x0] =	wrdreg $0x60  }
0xae: {  	[dreg:$0x2] =	wrdreg s24  }
0xaf: {  	[dreg:$0x3] =	wrdreg s2  }
0xb0: {  	[dreg:$0x4] =	wrdreg $0x97000  }
0xb1: {  	[dreg:$0x5] =	wrdreg $0x1D7000  }
0xb2: {  	[dreg:$0x6] =	wrdreg $0x9  }
0xb3: {  	_ =	task.clear_ibuf [dreg:s7], $0x7FFFF;
	_ =	strace $0x90000046  }
0xb4: {  	s29 =	simm.s32 $0x9;
	_ =	strace $0x80000048  }
0xb5: {  	_ =	swait.ge [sflag:s29], $0x1  }
0xb6: {  	[sflag:s29] =	ssyncadd.s32 $0xFFFFFFFF  }
0xb7: {  	_ =	strace $0x90000048  }
0xb8: {  	_ =	sfence  }
0xb9: {  	s30 =	sld [smem:$0x0];
	_ =	sdelay $0x2  }
0xba: {  	s31 =	sshll.u32 s1, $0xD;
	s1 =	sshrl.u32 s1, $0x2  }
0xbb: {  	s3 =	sand.u32 $0x4000, s31;
	s1 =	sadd.s32 s1, s30  }
0xbc: {  	s0 =	sor.u32 s3, s0;
	s1 =	sshll.u32 s1, $0x11  }
0xbd: {  	s0 =	sor.u32 s1, s0  }
0xbe: {  	s0 =	sadd.s32 $0x8F2B, s0  }
0xbf: {  	[sflag:s0] =	ssyncadd.remote.s32 $0x1  }
0xc0: {  	_ =	sfence.sel $0xFFFF  }
0xc1: {  	[dreg:$0x0] =	wrdreg $0xFFFFFFFF;
	(pc) =	sbr.abs _section_cstart, $3  }
0xc2: {  	[dreg:$0x1] =	wrdreg $0xFFFFFFFF  }
0xc3: {  	_ =	task.clear_ibuf [dreg:s7], $0x2FFFF;
	_ =	strace $0x9FFFFFFF  }
0xc4: {  	(tm) =	ssettm $0x7FFFFFFF  }
0xc5: {  	_ =	shalt  }
tec
execute0_lowered:
.L_overlay_start_1:
0x0: {  	(tag) =	ssettag $0x1  }
0x1: {  	s1 =	stileid.u32  }
0x2: {  	s0 =	srdreg.scid;
	s8 =	smul.u32 $0x280, s1  }
0x3: {  	s2 =	rddreg [dreg:$0x0];
	s3 =	simm.s32 $0x0;
	s6 =	smul.u32 $0x14000, s1  }
0x4: {  	s16 =	sand.u32 $0x1, s0;
	[smem:$0x7FF] =	sst s3;
	s30 =	smul.u32 $0x2800, s1  }
0x5: {  	s15 =	sadd.s32 $0x3E600, s2;
	s0 =	ssub.s32 $0x2, s16;
	s12 =	smul.u32 $0x140000, s16  }
0x6: {  	s13 =	sshrl.u32 s0, $0x1;
	s17 =	sor.u32 $0x40, s8;
	s18 =	sadd.s32 $0x80, s8  }
0x7: {  	s19 =	sadd.s32 $0xC0, s8;
	s20 =	sadd.s32 $0x100, s8;
	s21 =	sadd.s32 $0x140, s8  }
0x8: {  	s22 =	sadd.s32 $0x180, s8;
	s23 =	sadd.s32 $0x1C0, s8;
	s24 =	sadd.s32 $0x200, s8  }
0x9: {  	s25 =	sadd.s32 $0x240, s8;
	s0 =	ssub.s32 s0, s13;
	s4 =	sshll.u32 s17, $0x7  }
0xa: {  	s3 =	sshll.u32 s18, $0x7;
	s7 =	sshll.u32 s19, $0x7;
	s5 =	sshll.u32 s20, $0x7  }
0xb: {  	s9 =	sadd.s32 s6, s12;
	s17 =	sshll.u32 s17, $0x4;
	s18 =	sshll.u32 s18, $0x4  }
0xc: {  	s19 =	sshll.u32 s19, $0x4;
	s9 =	sshrl.u32 s9, $0x3;
	s10 =	sadd.s32 s12, s4  }
0xd: {  	s11 =	sadd.s32 s12, s5;
	s14 =	sadd.s32 s15, s9;
	s26 =	sshrl.u32 s10, $0x3  }
0xe: {  	s9 =	sadd.s32 s12, s3;
	s10 =	sadd.s32 s12, s7;
	[dreg:$0x5] =	wrdreg s14  }
0xf: {  	s8 =	sadd.s32 s15, s26;
	s14 =	sshrl.u32 s11, $0x3;
	s11 =	sshll.u32 s21, $0x7  }
0x10: {  	[dreg:$0x6] =	wrdreg s8;
	s8 =	sshrl.u32 s9, $0x3;
	s9 =	sshrl.u32 s10, $0x3  }
0x11: {  	s26 =	sadd.s32 s12, s11;
	s8 =	sadd.s32 s15, s8;
	s13 =	sadd.s32 s15, s9  }
0x12: {  	s9 =	sshll.u32 s22, $0x7;
	s10 =	sshrl.u32 s26, $0x3;
	[dreg:$0x7] =	wrdreg s8  }
0x13: {  	[dreg:$0x8] =	wrdreg s13;
	s8 =	sadd.s32 s15, s14;
	s13 =	sadd.s32 s12, s9  }
0x14: {  	s10 =	sadd.s32 s15, s10;
	[dreg:$0x9] =	wrdreg s8;
	s13 =	sshrl.u32 s13, $0x3  }
0x15: {  	s8 =	sshll.u32 s23, $0x7;
	[dreg:$0xa] =	wrdreg s10;
	s13 =	sadd.s32 s15, s13  }
0x16: {  	s20 =	sshll.u32 s20, $0x4;
	s14 =	sadd.s32 s12, s8;
	[dreg:$0xb] =	wrdreg s13  }
0x17: {  	s26 =	sshrl.u32 s14, $0x3;
	s13 =	sshll.u32 s24, $0x7;
	s14 =	sshll.u32 s25, $0x7  }
0x18: {  	s10 =	sadd.s32 s15, s26;
	s26 =	rddreg [dreg:$0x1];
	s28 =	sadd.s32 s12, s13  }
0x19: {  	s29 =	sadd.s32 s12, s14;
	s12 =	rddreg [dreg:$0x3];
	s28 =	sshrl.u32 s28, $0x3  }
0x1a: {  	s31 =	sshll.u32 s25, $0x4;
	[dreg:$0xc] =	wrdreg s10;
	s28 =	sadd.s32 s15, s28  }
0x1b: {  	s0 =	smax.u32 s0, $0x1;
	[dreg:$0xd] =	wrdreg s28;
	s28 =	sshrl.u32 s29, $0x3  }
0x1c: {  	s21 =	sshll.u32 s21, $0x4;
	s10 =	rddreg [dreg:$0x2];
	s15 =	sadd.s32 s15, s28  }
0x1d: {  	s22 =	sshll.u32 s22, $0x4;
	s6 =	sadd.s32 s6, s10;
	[dreg:$0xe] =	wrdreg s15  }
0x1e: {  	s4 =	sadd.s32 s4, s10;
	_ =	strace $0x80000047;
	[dreg:$0x19] =	wrdreg s6  }
0x1f: {  	s23 =	sshll.u32 s23, $0x4;
	s8 =	sadd.s32 s8, s10;
	[dreg:$0x1b] =	wrdreg s4  }
0x20: {  	s24 =	sshll.u32 s24, $0x4;
	s14 =	sadd.s32 s14, s10;
	[smem:$0x7F2] =	sst s8  }
0x21: {  	s29 =	sadd.s32 $0x2E1600, s2;
	s15 =	sshll.u32 s1, $0x1;
	[smem:$0x7F6] =	sst s14  }
0x22: {  	s15 =	sor.u32 s16, s15;
	s6 =	sadd.s32 s3, s10;
	[smem:$0x7FB] =	sst s0  }
0x23: {  	s16 =	smul.u32 $0x28000, s16;
	s3 =	sadd.s32 s5, s10;
	[dreg:$0x1d] =	wrdreg s6  }
0x24: {  	s4 =	sadd.s32 s11, s10;
	s5 =	sadd.s32 s21, s12;
	[smem:$0x7ED] =	sst s3  }
0x25: {  	s11 =	sadd.s32 s13, s10;
	s13 =	sadd.s32 s24, s12;
	[smem:$0x7EE] =	sst s4  }
0x26: {  	s0 =	simm.s32 $0x4300;
	s8 =	simm.s32 $0x4;
	[smem:$0x7EF] =	sst s5  }
0x27: {  	s6 =	sadd.s32 s9, s10;
	s9 =	sadd.s32 s23, s12;
	[smem:$0x7F4] =	sst s11  }
0x28: {  	[smem:$0x7F5] =	sst s13;
	s11 =	simm.s32 $0x4700;
	s3 =	simm.s32 $0x7300  }
0x29: {  	s4 =	simm.s32 $0x9300;
	s28 =	sadd.s32 s30, s16;
	[smem:$0x7F0] =	sst s6  }
0x2a: {  	s5 =	simm.s32 $0x1;
	[smem:$0x7F3] =	sst s9;
	s1 =	sshrl.u32 s28, $0x3  }
0x2b: {  	s28 =	sadd.s32 s16, s17;
	s17 =	sadd.s32 s17, s12;
	s25 =	sadd.s32 s26, s1  }
0x2c: {  	s1 =	sshrl.u32 s28, $0x3;
	s28 =	sadd.s32 s16, s18;
	[dreg:$0x1c] =	wrdreg s17  }
0x2d: {  	s18 =	sadd.s32 s18, s12;
	[dreg:$0xf] =	wrdreg s25;
	s25 =	sadd.s32 s26, s1  }
0x2e: {  	s1 =	sshrl.u32 s28, $0x3;
	s28 =	sadd.s32 s16, s19;
	[dreg:$0x1e] =	wrdreg s18  }
0x2f: {  	s19 =	sadd.s32 s19, s12;
	[dreg:$0x10] =	wrdreg s25;
	s25 =	sadd.s32 s26, s1  }
0x30: {  	s1 =	sshrl.u32 s28, $0x3;
	s28 =	sadd.s32 s16, s20;
	[smem:$0x7FC] =	sst s19  }
0x31: {  	s20 =	sadd.s32 s20, s12;
	[dreg:$0x11] =	wrdreg s25;
	s25 =	sadd.s32 s26, s1  }
0x32: {  	s1 =	sshrl.u32 s28, $0x3;
	s28 =	sadd.s32 s16, s21;
	[smem:$0x7FD] =	sst s20  }
0x33: {  	s21 =	sadd.s32 s31, s12;
	[dreg:$0x12] =	wrdreg s25;
	s25 =	sadd.s32 s26, s1  }
0x34: {  	s1 =	sshrl.u32 s28, $0x3;
	s28 =	sadd.s32 s16, s22;
	[smem:$0x7F7] =	sst s21  }
0x35: {  	[dreg:$0x13] =	wrdreg s25;
	s25 =	sadd.s32 s26, s1;
	s1 =	sshrl.u32 s28, $0x3  }
0x36: {  	s28 =	sadd.s32 s16, s23;
	[dreg:$0x14] =	wrdreg s25;
	s25 =	sadd.s32 s26, s1  }
0x37: {  	s1 =	sshrl.u32 s28, $0x3;
	s28 =	sadd.s32 s16, s24;
	s16 =	sadd.s32 s16, s31  }
0x38: {  	[dreg:$0x15] =	wrdreg s25;
	s25 =	sadd.s32 s26, s1;
	s1 =	sshrl.u32 s28, $0x3  }
0x39: {  	s16 =	sshrl.u32 s16, $0x3;
	[dreg:$0x16] =	wrdreg s25;
	s25 =	sadd.s32 s26, s1  }
0x3a: {  	s28 =	smul.u32 $0x2A0, s15;
	s26 =	sadd.s32 s26, s16;
	[dreg:$0x17] =	wrdreg s25  }
0x3b: {  	[dreg:$0x18] =	wrdreg s26;
	s25 =	sadd.s32 $0x476600, s2;
	s26 =	sadd.s32 $0x11600, s2  }
0x3c: {  	s16 =	sadd.s32 s28, s2;
	s28 =	sadd.s32 $0x449600, s2;
	s2 =	sadd.s32 s30, s12  }
0x3d: {  	s6 =	simm.s32 $0x3;
	[dreg:$0x1a] =	wrdreg s2;
	s2 =	sadd.s32 s7, s10  }
0x3e: {  	s9 =	simm.s32 $0x0;
	s7 =	sadd.s32 s22, s12;
	[dreg:$0x1f] =	wrdreg s2  }
0x3f: {  	s21 =	simm.s32 $0x4F00;
	s22 =	sadd.s32 $0x1A00, s16;
	[smem:$0x7F1] =	sst s7  }
0x40: {  	s31 =	simm.s32 $0x3F00;
	s23 =	sadd.s32 $0xC200, s16;
	[smem:$0x7F8] =	sst s22  }
0x41: {  	s30 =	simm.s32 $0x40;
	s24 =	sadd.s32 $0x6E00, s16;
	[smem:$0x7F9] =	sst s23  }
0x42: {  	v0 =	vimm.f32 $0.0e+00;
	v1 =	vimm.s32 $0x0;
	[smem:$0x7FA] =	sst s24;
	s24 =	smul.u32 $0x15000, s15;
	s22 =	simm.s32 $0x5300  }
0x43: {  	v2 =	vimm.s32 $0x1;
	v3 =	vimm.s32 $0x2;
	v4 =	vimm.s32 $0x3;
	s23 =	simm.s32 $0x5;
	s2 =	simm.s32 $0x4B00;
	s7 =	simm.s32 $0x2  }
.LBB2_1:
0x44: {  	[smem:$0x7EC] =	sst s9;
	s9 =	simm.s32 $0x5340  }
0x45: {  	[tilespmem:s9+$0xFFFFFFD0] =	vst v0  }
0x46: {  	[tilespmem:s9+$0xFFFFFFE0] =	vst v0  }
0x47: {  	[tilespmem:s9+$0xFFFFFFF0] =	vst v0  }
0x48: {  	[tilespmem:s9+$0x0] =	vst v0  }
0x49: {  	[tilespmem:s9+$0x10] =	vst v0  }
0x4a: {  	[tilespmem:s9+$0x20] =	vst v0  }
0x4b: {  	[tilespmem:s9+$0x30] =	vst v0  }
0x4c: {  	s14 =	simm.s32 $0x0;
	s13 =	simm.s32 $0x40;
	[tilespmem:s9+$0xFFFFFFC0] =	vst v0  }
.LBB2_2:
0x4d: {  	p0 =	sne.s32 s13, $0xFC0;
	[tilespmem:s14+$0x4F00] =	vst v0;
	s9 =	sadd.s32 $0x80, s9  }
0x4e: {  	[tilespmem:s9+$0xFFFFFFD0] =	vst v0  }
0x4f: {  	[tilespmem:s9+$0xFFFFFFE0] =	vst v0  }
0x50: {  	[tilespmem:s9+$0xFFFFFFF0] =	vst v0  }
.Ltmp0:
0x51: {  	[tilespmem:s9+$0x0] =	vst v0;
	(pc) =	sbr.rel @p0 .LBB2_2-.Ltmp0, $4  }
0x52: {  	[tilespmem:s9+$0x10] =	vst v0  }
0x53: {  	[tilespmem:s9+$0x20] =	vst v0  }
0x54: {  	[tilespmem:s9+$0x30] =	vst v0  }
0x55: {  	s14 =	sshra.s32 s13, $0x2;
	s13 =	sadd.s32 $0x40, s13;
	[tilespmem:s9+$0xFFFFFFC0] =	vst v0  }
0x56: {  	[tilespmem:s14+$0x4F00] =	vst v0;
	s1 =	rddreg [dreg:$0x19]  }
0x57: {  	[spmem:s1] =	stream.linear.scatter [tilespmem:s22], [sflag:$0x5], $0x2000, $0x38;
	[tilespmem:$0x1FF00] =	vst v63  }
0x58: {  	_ =	swait.ge [sflag:s23], $0x2000  }
0x59: {  	[sflag:s23] =	ssyncset.done $0x0  }
0x5a: {  	s16 =	rddreg [dreg:$0x1a];
	[sflag:s23] =	ssyncadd.s32 $0xFFFFE000  }
0x5b: {  	[spmem:s16] =	stream.linear.scatter [tilespmem:s21], [sflag:$0x5], $0x400, $0x38;
	[tilespmem:$0x1FF00] =	vst v63  }
0x5c: {  	_ =	swait.ge [sflag:s23], $0x400  }
0x5d: {  	[sflag:s23] =	ssyncset.done $0x0  }
0x5e: {  	s9 =	rddreg [dreg:$0x1b];
	[sflag:s23] =	ssyncadd.s32 $0xFFFFFC00  }
0x5f: {  	[spmem:s9] =	stream.linear.scatter [tilespmem:s22], [sflag:$0x5], $0x2000, $0x38;
	[tilespmem:$0x1FF00] =	vst v63  }
0x60: {  	_ =	swait.ge [sflag:s23], $0x2000  }
0x61: {  	[sflag:s23] =	ssyncset.done $0x0  }
0x62: {  	[sflag:s23] =	ssyncadd.s32 $0xFFFFE000  }
0x63: {  	[spmem:s17] =	stream.linear.scatter [tilespmem:s21], [sflag:$0x5], $0x400, $0x38;
	[tilespmem:$0x1FF00] =	vst v63  }
0x64: {  	_ =	swait.ge [sflag:s23], $0x400  }
0x65: {  	[sflag:s23] =	ssyncset.done $0x0  }
0x66: {  	s13 =	rddreg [dreg:$0x1d];
	[sflag:s23] =	ssyncadd.s32 $0xFFFFFC00  }
0x67: {  	[spmem:s13] =	stream.linear.scatter [tilespmem:s22], [sflag:$0x5], $0x2000, $0x38;
	[tilespmem:$0x1FF00] =	vst v63  }
0x68: {  	_ =	swait.ge [sflag:s23], $0x2000  }
0x69: {  	[sflag:s23] =	ssyncset.done $0x0  }
0x6a: {  	[sflag:s23] =	ssyncadd.s32 $0xFFFFE000  }
0x6b: {  	[spmem:s18] =	stream.linear.scatter [tilespmem:s21], [sflag:$0x5], $0x400, $0x38;
	[tilespmem:$0x1FF00] =	vst v63  }
0x6c: {  	_ =	swait.ge [sflag:s23], $0x400  }
0x6d: {  	[sflag:s23] =	ssyncset.done $0x0  }
0x6e: {  	s14 =	rddreg [dreg:$0x1f];
	[sflag:s23] =	ssyncadd.s32 $0xFFFFFC00  }
0x6f: {  	[spmem:s14] =	stream.linear.scatter [tilespmem:s22], [sflag:$0x5], $0x2000, $0x38;
	[tilespmem:$0x1FF00] =	vst v63  }
0x70: {  	_ =	swait.ge [sflag:s23], $0x2000  }
0x71: {  	[sflag:s23] =	ssyncset.done $0x0  }
0x72: {  	[sflag:s23] =	ssyncadd.s32 $0xFFFFE000  }
0x73: {  	[spmem:s19] =	stream.linear.scatter [tilespmem:s21], [sflag:$0x5], $0x400, $0x38;
	[tilespmem:$0x1FF00] =	vst v63  }
0x74: {  	_ =	swait.ge [sflag:s23], $0x400  }
0x75: {  	s15 =	sld [smem:$0x7ED]  }
0x76: {  	[sflag:s23] =	ssyncset.done $0x0  }
0x77: {  	[sflag:s23] =	ssyncadd.s32 $0xFFFFFC00  }
0x78: {  	[spmem:s15] =	stream.linear.scatter [tilespmem:s22], [sflag:$0x5], $0x2000, $0x38;
	[tilespmem:$0x1FF00] =	vst v63  }
0x79: {  	_ =	swait.ge [sflag:s23], $0x2000  }
0x7a: {  	[sflag:s23] =	ssyncset.done $0x0  }
0x7b: {  	[sflag:s23] =	ssyncadd.s32 $0xFFFFE000  }
0x7c: {  	[spmem:s20] =	stream.linear.scatter [tilespmem:s21], [sflag:$0x5], $0x400, $0x38;
	[tilespmem:$0x1FF00] =	vst v63  }
0x7d: {  	_ =	swait.ge [sflag:s23], $0x400  }
0x7e: {  	s16 =	sld [smem:$0x7EE]  }
0x7f: {  	[sflag:s23] =	ssyncset.done $0x0  }
0x80: {  	[sflag:s23] =	ssyncadd.s32 $0xFFFFFC00  }
0x81: {  	[spmem:s16] =	stream.linear.scatter [tilespmem:s22], [sflag:$0x5], $0x2000, $0x38;
	[tilespmem:$0x1FF00] =	vst v63  }
0x82: {  	_ =	swait.ge [sflag:s23], $0x2000  }
0x83: {  	s17 =	sld [smem:$0x7EF]  }
0x84: {  	[sflag:s23] =	ssyncset.done $0x0  }
0x85: {  	[sflag:s23] =	ssyncadd.s32 $0xFFFFE000  }
0x86: {  	[spmem:s17] =	stream.linear.scatter [tilespmem:s21], [sflag:$0x5], $0x400, $0x38;
	[tilespmem:$0x1FF00] =	vst v63  }
0x87: {  	_ =	swait.ge [sflag:s23], $0x400  }
0x88: {  	s18 =	sld [smem:$0x7F0]  }
0x89: {  	[sflag:s23] =	ssyncset.done $0x0  }
0x8a: {  	[sflag:s23] =	ssyncadd.s32 $0xFFFFFC00  }
0x8b: {  	[spmem:s18] =	stream.linear.scatter [tilespmem:s22], [sflag:$0x5], $0x2000, $0x38;
	[tilespmem:$0x1FF00] =	vst v63  }
0x8c: {  	_ =	swait.ge [sflag:s23], $0x2000  }
0x8d: {  	s19 =	sld [smem:$0x7F1]  }
0x8e: {  	[sflag:s23] =	ssyncset.done $0x0  }
0x8f: {  	[sflag:s23] =	ssyncadd.s32 $0xFFFFE000  }
0x90: {  	[spmem:s19] =	stream.linear.scatter [tilespmem:s21], [sflag:$0x5], $0x400, $0x38;
	[tilespmem:$0x1FF00] =	vst v63  }
0x91: {  	_ =	swait.ge [sflag:s23], $0x400  }
0x92: {  	s20 =	sld [smem:$0x7F2]  }
0x93: {  	[sflag:s23] =	ssyncset.done $0x0  }
0x94: {  	[sflag:s23] =	ssyncadd.s32 $0xFFFFFC00  }
0x95: {  	[spmem:s20] =	stream.linear.scatter [tilespmem:s22], [sflag:$0x5], $0x2000, $0x38;
	[tilespmem:$0x1FF00] =	vst v63  }
0x96: {  	_ =	swait.ge [sflag:s23], $0x2000  }
0x97: {  	s9 =	sld [smem:$0x7F3]  }
0x98: {  	[sflag:s23] =	ssyncset.done $0x0  }
0x99: {  	[sflag:s23] =	ssyncadd.s32 $0xFFFFE000  }
0x9a: {  	[spmem:s9] =	stream.linear.scatter [tilespmem:s21], [sflag:$0x5], $0x400, $0x38;
	[tilespmem:$0x1FF00] =	vst v63  }
0x9b: {  	_ =	swait.ge [sflag:s23], $0x400  }
0x9c: {  	s13 =	sld [smem:$0x7F4]  }
0x9d: {  	[sflag:s23] =	ssyncset.done $0x0  }
0x9e: {  	[sflag:s23] =	ssyncadd.s32 $0xFFFFFC00  }
0x9f: {  	[spmem:s13] =	stream.linear.scatter [tilespmem:s22], [sflag:$0x5], $0x2000, $0x38;
	[tilespmem:$0x1FF00] =	vst v63  }
0xa0: {  	_ =	swait.ge [sflag:s23], $0x2000  }
0xa1: {  	s14 =	sld [smem:$0x7F5]  }
0xa2: {  	[sflag:s23] =	ssyncset.done $0x0  }
0xa3: {  	[sflag:s23] =	ssyncadd.s32 $0xFFFFE000  }
0xa4: {  	[spmem:s14] =	stream.linear.scatter [tilespmem:s21], [sflag:$0x5], $0x400, $0x38;
	[tilespmem:$0x1FF00] =	vst v63  }
0xa5: {  	_ =	swait.ge [sflag:s23], $0x400  }
0xa6: {  	s15 =	sld [smem:$0x7F6]  }
0xa7: {  	[sflag:s23] =	ssyncset.done $0x0  }
0xa8: {  	[sflag:s23] =	ssyncadd.s32 $0xFFFFFC00  }
0xa9: {  	[spmem:s15] =	stream.linear.scatter [tilespmem:s22], [sflag:$0x5], $0x2000, $0x38;
	[tilespmem:$0x1FF00] =	vst v63  }
0xaa: {  	_ =	swait.ge [sflag:s23], $0x2000  }
0xab: {  	s16 =	sld [smem:$0x7F7]  }
0xac: {  	[sflag:s23] =	ssyncset.done $0x0  }
0xad: {  	[sflag:s23] =	ssyncadd.s32 $0xFFFFE000  }
0xae: {  	[spmem:s16] =	stream.linear.scatter [tilespmem:s21], [sflag:$0x5], $0x400, $0x38;
	[tilespmem:$0x1FF00] =	vst v63  }
0xaf: {  	_ =	swait.ge [sflag:s23], $0x400  }
0xb0: {  	[sflag:s23] =	ssyncset.done $0x0  }
0xb1: {  	[sflag:s23] =	ssyncadd.s32 $0xFFFFFC00  }
0xb2: {  	[bflag:$0x0] =	sbarrier.arrive $0xFFFF  }
0xb3: {  	s17 =	sld [smem:$0x7F8];
	_ =	sdelay $0x1  }
0xb4: {  	s13 =	simm.s32 $0x0  }
0xb5: {  	[tilespmem:s13], [sflag:$0x5] =	stream.linear.gather [hbm4b:s17+s13], $0x1500, $0x38;
	[tilespmem:$0x1FF00] =	vst v63  }
0xb6: {  	_ =	swait.ge [sflag:s23], $0x1500  }
0xb7: {  	s18 =	sld [smem:$0x7F9]  }
0xb8: {  	[sflag:s23] =	ssyncset.done $0x0  }
0xb9: {  	s9 =	simm.s32 $0x1500;
	[sflag:s23] =	ssyncadd.s32 $0xFFFFEB00  }
0xba: {  	[tilespmem:s9], [sflag:$0x5] =	stream.linear.gather [hbm4b:s18+s13], $0x1500, $0x38;
	[tilespmem:$0x1FF00] =	vst v63  }
0xbb: {  	_ =	swait.ge [sflag:s23], $0x1500  }
0xbc: {  	s19 =	sld [smem:$0x7FA]  }
0xbd: {  	[sflag:s23] =	ssyncset.done $0x0  }
0xbe: {  	s20 =	simm.s32 $0x2A00;
	[sflag:s23] =	ssyncadd.s32 $0xFFFFEB00  }
0xbf: {  	[tilespmem:s20], [sflag:$0x5] =	stream.linear.gather [hbm4b:s19+s13], $0x1500, $0x38;
	[tilespmem:$0x1FF00] =	vst v63  }
0xc0: {  	_ =	swait.ge [sflag:s23], $0x1500  }
0xc1: {  	[sflag:s23] =	ssyncset.done $0x0  }
0xc2: {  	[sflag:s23] =	ssyncadd.s32 $0xFFFFEB00  }
0xc3: {  	[tilespmem:s31], [sflag:$0x1] =	stream.indirect.gather [hbm4b:s26+s30], $0x10, s9, s30, $0xb8;
	[tilespmem:$0x1FF00] =	vst v63  }
0xc4: {  	_ = 	snop  }
0xc5: {  	[tilespmem:s11], [sflag:$0x1] =	stream.indirect.gather [hbm4b:s28+s30], $0x10, s20, s30, $0xb8;
	[tilespmem:$0x1FF00] =	vst v63  }
0xc6: {  	s14 =	simm.s32 $0x0  }
0xc7: {  	[tilespmem:s22], [sflag:$0x3] =	stream.indirect.gather [hbm4b:s29+s30], $0x80, s9, s30, $0xb8;
	[tilespmem:$0x1FF00] =	vst v63  }
.LBB2_4:
0xc8: {  	s16 =	sshllo.u32 s14, $0x1  }
0xc9: {  	s15 =	sshll.u32 s16, $0x6  }
0xca: {  	s9 =	sadd.s32 $0x1500, s15  }
0xcb: {  	[tilespmem:s0], [sflag:$0x2] =	stream.indirect.gather [hbm4b:s26+s30], $0x10, s9, s30, $0xb8;
	[tilespmem:$0x1FF00] =	vst v63  }
0xcc: {  	s17 =	sadd.s32 $0x2A00, s15  }
0xcd: {  	[tilespmem:s2], [sflag:$0x2] =	stream.indirect.gather [hbm4b:s28+s30], $0x10, s17, s30, $0xb8;
	[tilespmem:$0x1FF00] =	vst v63  }
0xce: {  	s20 =	sshll.u32 s14, $0xB  }
0xcf: {  	[tilespmem:s3], [sflag:$0x4] =	stream.indirect.gather [hbm4b:s29+s30], $0x80, s9, s30, $0xb8;
	[tilespmem:$0x1FF00] =	vst v63  }
0xd0: {  	s9 =	sadd.s32 s24, s20  }
0xd1: {  	s9 =	sshrl.u32 s9, $0x3  }
0xd2: {  	s9 =	sadd.s32 s25, s9  }
0xd3: {  	[tilespmem:s4], [sflag:$0x5] =	stream.linear.gather [hbm4b:s9+s13], $0x400, $0x38;
	[tilespmem:$0x1FF00] =	vst v63  }
0xd4: {  	_ =	swait.ge [sflag:s23], $0x400  }
0xd5: {  	[sflag:s23] =	ssyncset.done $0x0  }
0xd6: {  	[sflag:s23] =	ssyncadd.s32 $0xFFFFFC00  }
0xd7: {  	_ =	swait.ge [sflag:s5], $0x400  }
0xd8: {  	[sflag:s5] =	ssyncset.done $0x0  }
0xd9: {  	[sflag:s5] =	ssyncadd.s32 $0xFFFFFC00  }
0xda: {  	_ =	swait.ge [sflag:s5], $0x400  }
0xdb: {  	[sflag:s5] =	ssyncset.done $0x0  }
0xdc: {  	[sflag:s5] =	ssyncadd.s32 $0xFFFFFC00  }
0xdd: {  	_ =	swait.ge [sflag:s6], $0x2000  }
0xde: {  	[sflag:s6] =	ssyncset.done $0x0  }
0xdf: {  	s20 =	simm.s32 $0x0;
	[sflag:s6] =	ssyncadd.s32 $0xFFFFE000  }
0xe0: {  	v5 =	vld [tilespmem:s20+$0x3F00]  }
0xe1: {  	v6 =	vld [tilespmem:s20+$0x4700];
	_ =	sdelay $0x4  }
0xe2: {  	v5 =	vadd.f32 v6, v5;
	_ =	sdelay $0x1  }
0xe3: {  	v6 =	vmul.f32 $2.000000030e-01, v5  }
0xe4: {  	vm0 =	vge.f32 v5, $0.0e+00  }
0xe5: {  	v5 =	vsel vm0, v5, v6  }
0xe6: {  	v5 =	vmul.f32 $1.442695020e+00, v5;
	_ =	sdelay $0x1  }
0xe7: {  	(erf) = vpow2.f32 v5;
	_ =	sdelay $0x4  }
0xe8: {  	v5 =	vld [tilespmem:s20+$0x9300];
	_ =	sdelay $0x3  }
0xe9: {  	v6 =	vpop (erf)  }
0xea: {  	v5 =	vmul.f32 v6, v5;
	_ =	sdelay $0x1  }
0xeb: {  	s18 =	simm.s32 $0x5380;
	[tilespmem:s20+$0x4F00] =	vst v5  }
0xec: {  	v6 =	vld [tilespmem:s18+$0xFFFFFFF0]  }
0xed: {  	v7 =	vld [tilespmem:s18+$0xFFFFFFA0]  }
0xee: {  	v8 =	vld [tilespmem:s18+$0xFFFFFF90]  }
0xef: {  	v10 =	vperm.xlane v5, v4;
	v9 =	vld [tilespmem:s18+$0xFFFFFFD0]  }
0xf0: {  	v11 =	vperm.xlane v5, v2;
	v12 =	vld [tilespmem:s18+$0xFFFFFFE0]  }
0xf1: {  	v13 =	vperm.xlane v5, v1;
	v14 =	vld [tilespmem:s18+$0xFFFFFFC0];
	v6 =	vmul.f32 v6, v10  }
0xf2: {  	v5 =	vperm.xlane v5, v3;
	v15 =	vld [tilespmem:s18+$0xFFFFFF80];
	v7 =	vmul.f32 v7, v11  }
0xf3: {  	v16 =	vld [tilespmem:s18+$0xFFFFFFB0];
	v8 =	vmul.f32 v8, v13;
	[tilespmem:s18+$0xFFFFFFF0] =	vst v6  }
0xf4: {  	[tilespmem:s18+$0xFFFFFFA0] =	vst v7;
	v6 =	vmul.f32 v9, v5  }
0xf5: {  	[tilespmem:s18+$0xFFFFFF90] =	vst v8;
	v7 =	vmul.f32 v12, v10  }
0xf6: {  	v5 =	vmul.f32 v14, v5;
	[tilespmem:s18+$0xFFFFFFD0] =	vst v6  }
0xf7: {  	v6 =	vmul.f32 v15, v13;
	[tilespmem:s18+$0xFFFFFFE0] =	vst v7  }
0xf8: {  	v7 =	vmul.f32 v16, v11;
	[tilespmem:s18+$0xFFFFFFC0] =	vst v5  }
0xf9: {  	[tilespmem:s18+$0xFFFFFF80] =	vst v6  }
0xfa: {  	[tilespmem:s18+$0xFFFFFFB0] =	vst v7  }
0xfb: {  	v5 =	vld [tilespmem:s20+$0x3F10]  }
0xfc: {  	v6 =	vld [tilespmem:s20+$0x4710];
	_ =	sdelay $0x4  }
0xfd: {  	v5 =	vadd.f32 v6, v5;
	_ =	sdelay $0x1  }
0xfe: {  	v6 =	vmul.f32 $2.000000030e-01, v5  }
0xff: {  	vm15 =	vge.f32 v5, $0.0e+00  }
0x100: {  	v5 =	vsel vm15, v5, v6  }
0x101: {  	v5 =	vmul.f32 $1.442695020e+00, v5;
	_ =	sdelay $0x1  }
0x102: {  	(erf) = vpow2.f32 v5;
	_ =	sdelay $0x4  }
0x103: {  	s19 =	simm.s32 $0x5380;
	s17 =	sshll.u32 s14, $0x1;
	s9 =	simm.s32 $0x80;
	v5 =	vld [tilespmem:s20+$0x9310]  }
.LBB2_5:
0x104: {  	_ =	sdelay $0x1  }
0x105: {  	p0 =	sne.s32 s9, $0xF80  }
0x106: {  	s18 =	sadd.s32 $0x100, s18;
	s1 =	smov.u32 s9;
	s9 =	sadd.s32 $0x80, s9;
	v6 =	vpop (erf)  }
0x107: {  	v5 =	vmul.f32 v6, v5;
	_ =	sdelay $0x1  }
0x108: {  	[tilespmem:s20+$0x4F10] =	vst v5  }
0x109: {  	v6 =	vld [tilespmem:s19+$0x40]  }
0x10a: {  	v7 =	vld [tilespmem:s19+$0x0]  }
0x10b: {  	v8 =	vld [tilespmem:s19+$0x10]  }
0x10c: {  	v10 =	vperm.xlane v5, v3;
	v9 =	vld [tilespmem:s19+$0x20]  }
0x10d: {  	v11 =	vperm.xlane v5, v1;
	v12 =	vld [tilespmem:s19+$0x30]  }
0x10e: {  	v6 =	vmul.f32 v6, v10;
	v13 =	vld [tilespmem:s19+$0x50]  }
0x10f: {  	v14 =	vperm.xlane v5, v2;
	v7 =	vmul.f32 v7, v11;
	v15 =	vld [tilespmem:s19+$0x60]  }
0x110: {  	v8 =	vmul.f32 v8, v11;
	[tilespmem:s19+$0x40] =	vst v6;
	v6 =	vld [tilespmem:s19+$0x70]  }
0x111: {  	[tilespmem:s19+$0x0] =	vst v7;
	v7 =	vmul.f32 v9, v14  }
0x112: {  	v5 =	vperm.xlane v5, v4;
	[tilespmem:s19+$0x10] =	vst v8;
	v8 =	vmul.f32 v12, v14  }
0x113: {  	[tilespmem:s19+$0x20] =	vst v7;
	v7 =	vmul.f32 v13, v10  }
0x114: {  	[tilespmem:s19+$0x30] =	vst v8;
	v8 =	vmul.f32 v15, v5  }
0x115: {  	s20 =	sshra.s32 s1, $0x2;
	[tilespmem:s19+$0x50] =	vst v7;
	v5 =	vmul.f32 v6, v5  }
0x116: {  	[tilespmem:s19+$0x60] =	vst v8  }
0x117: {  	[tilespmem:s19+$0x70] =	vst v5;
	s19 =	smov.u32 s18  }
0x118: {  	v5 =	vld [tilespmem:s20+$0x3F00]  }
0x119: {  	v6 =	vld [tilespmem:s20+$0x4700];
	_ =	sdelay $0x4  }
0x11a: {  	v5 =	vadd.f32 v6, v5;
	_ =	sdelay $0x1  }
0x11b: {  	v6 =	vmul.f32 $2.000000030e-01, v5  }
0x11c: {  	vm0 =	vge.f32 v5, $0.0e+00  }
0x11d: {  	v5 =	vsel vm0, v5, v6  }
0x11e: {  	v5 =	vmul.f32 $1.442695020e+00, v5;
	_ =	sdelay $0x1  }
0x11f: {  	(erf) = vpow2.f32 v5;
	_ =	sdelay $0x4  }
0x120: {  	v5 =	vld [tilespmem:s20+$0x9300];
	_ =	sdelay $0x3  }
0x121: {  	v6 =	vpop (erf)  }
0x122: {  	v5 =	vmul.f32 v6, v5;
	_ =	sdelay $0x1  }
0x123: {  	[tilespmem:s20+$0x4F00] =	vst v5;
	v6 =	vperm.xlane v5, v2;
	v7 =	vperm.xlane v5, v3  }
0x124: {  	v8 =	vld [tilespmem:s18+$0xFFFFFFF0]  }
0x125: {  	v9 =	vld [tilespmem:s18+$0xFFFFFFA0]  }
0x126: {  	v10 =	vld [tilespmem:s18+$0xFFFFFF90]  }
0x127: {  	v12 =	vperm.xlane v5, v4;
	v11 =	vld [tilespmem:s18+$0xFFFFFFD0]  }
0x128: {  	v13 =	vld [tilespmem:s18+$0xFFFFFFE0]  }
0x129: {  	v5 =	vperm.xlane v5, v1;
	v14 =	vld [tilespmem:s18+$0xFFFFFFC0];
	v8 =	vmul.f32 v8, v12  }
0x12a: {  	v15 =	vld [tilespmem:s18+$0xFFFFFF80];
	v9 =	vmul.f32 v9, v6  }
0x12b: {  	v10 =	vmul.f32 v10, v5;
	v16 =	vld [tilespmem:s18+$0xFFFFFFB0];
	[tilespmem:s18+$0xFFFFFFF0] =	vst v8  }
0x12c: {  	[tilespmem:s18+$0xFFFFFFA0] =	vst v9;
	v8 =	vmul.f32 v11, v7  }
0x12d: {  	[tilespmem:s18+$0xFFFFFF90] =	vst v10;
	v9 =	vmul.f32 v13, v12  }
0x12e: {  	v7 =	vmul.f32 v14, v7;
	[tilespmem:s18+$0xFFFFFFD0] =	vst v8  }
0x12f: {  	v5 =	vmul.f32 v15, v5;
	[tilespmem:s18+$0xFFFFFFE0] =	vst v9  }
0x130: {  	v6 =	vmul.f32 v16, v6;
	[tilespmem:s18+$0xFFFFFFC0] =	vst v7  }
0x131: {  	[tilespmem:s18+$0xFFFFFF80] =	vst v5  }
0x132: {  	[tilespmem:s18+$0xFFFFFFB0] =	vst v6  }
0x133: {  	v5 =	vld [tilespmem:s20+$0x3F10]  }
0x134: {  	v6 =	vld [tilespmem:s20+$0x4710];
	_ =	sdelay $0x4  }
0x135: {  	v5 =	vadd.f32 v6, v5;
	_ =	sdelay $0x1  }
0x136: {  	v6 =	vmul.f32 $2.000000030e-01, v5  }
0x137: {  	vm0 =	vge.f32 v5, $0.0e+00  }
0x138: {  	v5 =	vsel vm0, v5, v6  }
0x139: {  	v5 =	vmul.f32 $1.442695020e+00, v5;
	_ =	sdelay $0x1  }
0x13a: {  	(erf) = vpow2.f32 v5  }
.Ltmp1:
0x13b: {  	(pc) =	sbr.rel @p0 .LBB2_5-.Ltmp1, $2  }
0x13c: {  	_ =	sdelay $0x2  }
0x13d: {  	v5 =	vld [tilespmem:s20+$0x9310]  }
0x13e: {  	_ =	sdelay $0x2  }
0x13f: {  	v6 =	vpop (erf)  }
0x140: {  	v5 =	vmul.f32 v6, v5;
	_ =	sdelay $0x1  }
0x141: {  	[tilespmem:s20+$0x4F10] =	vst v5  }
0x142: {  	v6 =	vld [tilespmem:s19+$0x40]  }
0x143: {  	v7 =	vld [tilespmem:s19+$0x0]  }
0x144: {  	v8 =	vld [tilespmem:s19+$0x10]  }
0x145: {  	v10 =	vperm.xlane v5, v3;
	v9 =	vld [tilespmem:s19+$0x20]  }
0x146: {  	v12 =	vperm.xlane v5, v1;
	v11 =	vld [tilespmem:s19+$0x30]  }
0x147: {  	v13 =	vld [tilespmem:s19+$0x50];
	v6 =	vmul.f32 v6, v10  }
0x148: {  	v15 =	vperm.xlane v5, v2;
	v14 =	vld [tilespmem:s19+$0x60];
	v7 =	vmul.f32 v7, v12  }
0x149: {  	v55 =	vld [tilespmem:s19+$0x70];
	[tilespmem:s19+$0x40] =	vst v6;
	v6 =	vmul.f32 v8, v12  }
0x14a: {  	[tilespmem:s19+$0x0] =	vst v7;
	v7 =	vmul.f32 v9, v15  }
0x14b: {  	v5 =	vperm.xlane v5, v4;
	[tilespmem:s19+$0x10] =	vst v6;
	v6 =	vmul.f32 v11, v15  }
0x14c: {  	[tilespmem:s19+$0x20] =	vst v7;
	v7 =	vmul.f32 v13, v10  }
0x14d: {  	[tilespmem:s19+$0x30] =	vst v6;
	v6 =	vmul.f32 v14, v5  }
0x14e: {  	[tilespmem:s19+$0x50] =	vst v7;
	v5 =	vmul.f32 v55, v5  }
0x14f: {  	s1 =	sshll.u32 s14, $0x7;
	[tilespmem:s19+$0x60] =	vst v6  }
0x150: {  	s1 =	sand.u32 $0x3FFFFF80, s1;
	[tilespmem:s19+$0x70] =	vst v5  }
0x151: {  	[spmem:s12] =	stream.indirect.scatter.add.f32 [tilespmem:s21], [sflag:$0x5], $0x10, s1, s30, $0xb8;
	[tilespmem:$0x1FF00] =	vst v63  }
0x152: {  	_ =	swait.ge [sflag:s23], $0x400  }
0x153: {  	[sflag:s23] =	ssyncset.done $0x0  }
0x154: {  	[sflag:s23] =	ssyncadd.s32 $0xFFFFFC00  }
0x155: {  	[spmem:s10] =	stream.indirect.scatter.add.f32 [tilespmem:s22], [sflag:$0x5], $0x80, s1, s30, $0xb8;
	[tilespmem:$0x1FF00] =	vst v63  }
0x156: {  	s18 =	smin.u32 s17, $0x51;
	_ =	swait.ge [sflag:s23], $0x2000  }
0x157: {  	s1 =	sshll.u32 s18, $0x6;
	[sflag:s23] =	ssyncset.done $0x0  }
0x158: {  	s9 =	sadd.s32 $0x1580, s1;
	[sflag:s23] =	ssyncadd.s32 $0xFFFFE000  }
0x159: {  	[tilespmem:s31], [sflag:$0x1] =	stream.indirect.gather [hbm4b:s26+s30], $0x10, s9, s30, $0xb8;
	[tilespmem:$0x1FF00] =	vst v63  }
0x15a: {  	s19 =	sshll.u32 s16, $0xA;
	s1 =	sadd.s32 $0x2A80, s1  }
0x15b: {  	[tilespmem:s11], [sflag:$0x1] =	stream.indirect.gather [hbm4b:s28+s30], $0x10, s1, s30, $0xb8;
	[tilespmem:$0x1FF00] =	vst v63  }
0x15c: {  	s1 =	sadd.s32 s24, s19  }
0x15d: {  	s1 =	sshrl.u32 s1, $0x3  }
0x15e: {  	[tilespmem:s22], [sflag:$0x3] =	stream.indirect.gather [hbm4b:s29+s30], $0x80, s9, s30, $0xb8;
	[tilespmem:$0x1FF00] =	vst v63  }
0x15f: {  	s20 =	simm.s32 $0x0;
	s1 =	sadd.s32 s25, s1  }
0x160: {  	[tilespmem:s4], [sflag:$0x5] =	stream.linear.gather [hbm4b:s1+s20], $0x400, $0x38;
	[tilespmem:$0x1FF00] =	vst v63  }
0x161: {  	_ =	swait.ge [sflag:s23], $0x400  }
0x162: {  	[sflag:s23] =	ssyncset.done $0x0  }
0x163: {  	[sflag:s23] =	ssyncadd.s32 $0xFFFFFC00  }
0x164: {  	_ =	swait.ge [sflag:s7], $0x400  }
0x165: {  	[sflag:s7] =	ssyncset.done $0x0  }
0x166: {  	[sflag:s7] =	ssyncadd.s32 $0xFFFFFC00  }
0x167: {  	_ =	swait.ge [sflag:s7], $0x400  }
0x168: {  	[sflag:s7] =	ssyncset.done $0x0  }
0x169: {  	[sflag:s7] =	ssyncadd.s32 $0xFFFFFC00  }
0x16a: {  	_ =	swait.ge [sflag:s8], $0x2000  }
0x16b: {  	[sflag:s8] =	ssyncset.done $0x0  }
0x16c: {  	s18 =	simm.s32 $0x0;
	[sflag:s8] =	ssyncadd.s32 $0xFFFFE000  }
0x16d: {  	v5 =	vld [tilespmem:s18+$0x4300]  }
0x16e: {  	v6 =	vld [tilespmem:s18+$0x4B00];
	_ =	sdelay $0x4  }
0x16f: {  	v5 =	vadd.f32 v6, v5;
	_ =	sdelay $0x1  }
0x170: {  	v6 =	vmul.f32 $2.000000030e-01, v5  }
0x171: {  	vm0 =	vge.f32 v5, $0.0e+00  }
0x172: {  	v5 =	vsel vm0, v5, v6  }
0x173: {  	v5 =	vmul.f32 $1.442695020e+00, v5;
	_ =	sdelay $0x1  }
0x174: {  	(erf) = vpow2.f32 v5;
	_ =	sdelay $0x4  }
0x175: {  	v5 =	vld [tilespmem:s18+$0x9300];
	_ =	sdelay $0x3  }
0x176: {  	v6 =	vpop (erf)  }
0x177: {  	v5 =	vmul.f32 v6, v5;
	_ =	sdelay $0x1  }
0x178: {  	s16 =	simm.s32 $0x7380;
	[tilespmem:s18+$0x4F00] =	vst v5  }
0x179: {  	v6 =	vld [tilespmem:s16+$0xFFFFFFF0]  }
0x17a: {  	v7 =	vld [tilespmem:s16+$0xFFFFFFA0]  }
0x17b: {  	v56 =	vld [tilespmem:s16+$0xFFFFFF90]  }
0x17c: {  	v58 =	vperm.xlane v5, v4;
	v57 =	vld [tilespmem:s16+$0xFFFFFFD0]  }
0x17d: {  	v59 =	vperm.xlane v5, v2;
	v60 =	vld [tilespmem:s16+$0xFFFFFFE0]  }
0x17e: {  	v61 =	vperm.xlane v5, v1;
	v62 =	vld [tilespmem:s16+$0xFFFFFFC0];
	v6 =	vmul.f32 v6, v58  }
0x17f: {  	v5 =	vperm.xlane v5, v3;
	v63 =	vld [tilespmem:s16+$0xFFFFFF80];
	v7 =	vmul.f32 v7, v59  }
0x180: {  	v16 =	vld [tilespmem:s16+$0xFFFFFFB0];
	v8 =	vmul.f32 v56, v61;
	[tilespmem:s16+$0xFFFFFFF0] =	vst v6  }
0x181: {  	[tilespmem:s16+$0xFFFFFFA0] =	vst v7;
	v6 =	vmul.f32 v57, v5  }
0x182: {  	[tilespmem:s16+$0xFFFFFF90] =	vst v8;
	v7 =	vmul.f32 v60, v58  }
0x183: {  	v5 =	vmul.f32 v62, v5;
	[tilespmem:s16+$0xFFFFFFD0] =	vst v6  }
0x184: {  	v6 =	vmul.f32 v63, v61;
	[tilespmem:s16+$0xFFFFFFE0] =	vst v7  }
0x185: {  	v7 =	vmul.f32 v16, v59;
	[tilespmem:s16+$0xFFFFFFC0] =	vst v5  }
0x186: {  	[tilespmem:s16+$0xFFFFFF80] =	vst v6  }
0x187: {  	[tilespmem:s16+$0xFFFFFFB0] =	vst v7  }
0x188: {  	v5 =	vld [tilespmem:s18+$0x4310]  }
0x189: {  	v6 =	vld [tilespmem:s18+$0x4B10];
	_ =	sdelay $0x4  }
0x18a: {  	v5 =	vadd.f32 v6, v5;
	_ =	sdelay $0x1  }
0x18b: {  	v6 =	vmul.f32 $2.000000030e-01, v5  }
0x18c: {  	vm15 =	vge.f32 v5, $0.0e+00  }
0x18d: {  	v5 =	vsel vm15, v5, v6  }
0x18e: {  	v5 =	vmul.f32 $1.442695020e+00, v5;
	_ =	sdelay $0x1  }
0x18f: {  	(erf) = vpow2.f32 v5;
	_ =	sdelay $0x4  }
0x190: {  	s17 =	simm.s32 $0x7380;
	s9 =	simm.s32 $0x80;
	v5 =	vld [tilespmem:s18+$0x9310]  }
.LBB2_7:
0x191: {  	_ =	sdelay $0x1  }
0x192: {  	p0 =	sne.s32 s9, $0xF80  }
0x193: {  	s16 =	sadd.s32 $0x100, s16;
	s1 =	smov.u32 s9;
	s9 =	sadd.s32 $0x80, s9;
	v6 =	vpop (erf)  }
0x194: {  	v5 =	vmul.f32 v6, v5;
	_ =	sdelay $0x1  }
0x195: {  	[tilespmem:s18+$0x4F10] =	vst v5  }
0x196: {  	v6 =	vld [tilespmem:s17+$0x40]  }
0x197: {  	v7 =	vld [tilespmem:s17+$0x0]  }
0x198: {  	v8 =	vld [tilespmem:s17+$0x10]  }
0x199: {  	v10 =	vperm.xlane v5, v3;
	v9 =	vld [tilespmem:s17+$0x20]  }
0x19a: {  	v11 =	vperm.xlane v5, v1;
	v12 =	vld [tilespmem:s17+$0x30]  }
0x19b: {  	v6 =	vmul.f32 v6, v10;
	v13 =	vld [tilespmem:s17+$0x50]  }
0x19c: {  	v14 =	vperm.xlane v5, v2;
	v7 =	vmul.f32 v7, v11;
	v15 =	vld [tilespmem:s17+$0x60]  }
0x19d: {  	v8 =	vmul.f32 v8, v11;
	[tilespmem:s17+$0x40] =	vst v6;
	v6 =	vld [tilespmem:s17+$0x70]  }
0x19e: {  	[tilespmem:s17+$0x0] =	vst v7;
	v7 =	vmul.f32 v9, v14  }
0x19f: {  	v5 =	vperm.xlane v5, v4;
	[tilespmem:s17+$0x10] =	vst v8;
	v8 =	vmul.f32 v12, v14  }
0x1a0: {  	[tilespmem:s17+$0x20] =	vst v7;
	v7 =	vmul.f32 v13, v10  }
0x1a1: {  	[tilespmem:s17+$0x30] =	vst v8;
	v8 =	vmul.f32 v15, v5  }
0x1a2: {  	s18 =	sshra.s32 s1, $0x2;
	[tilespmem:s17+$0x50] =	vst v7;
	v5 =	vmul.f32 v6, v5  }
0x1a3: {  	[tilespmem:s17+$0x60] =	vst v8  }
0x1a4: {  	[tilespmem:s17+$0x70] =	vst v5;
	s17 =	smov.u32 s16  }
0x1a5: {  	v5 =	vld [tilespmem:s18+$0x4300]  }
0x1a6: {  	v6 =	vld [tilespmem:s18+$0x4B00];
	_ =	sdelay $0x4  }
0x1a7: {  	v5 =	vadd.f32 v6, v5;
	_ =	sdelay $0x1  }
0x1a8: {  	v6 =	vmul.f32 $2.000000030e-01, v5  }
0x1a9: {  	vm0 =	vge.f32 v5, $0.0e+00  }
0x1aa: {  	v5 =	vsel vm0, v5, v6  }
0x1ab: {  	v5 =	vmul.f32 $1.442695020e+00, v5;
	_ =	sdelay $0x1  }
0x1ac: {  	(erf) = vpow2.f32 v5;
	_ =	sdelay $0x4  }
0x1ad: {  	v5 =	vld [tilespmem:s18+$0x9300];
	_ =	sdelay $0x3  }
0x1ae: {  	v6 =	vpop (erf)  }
0x1af: {  	v5 =	vmul.f32 v6, v5;
	_ =	sdelay $0x1  }
0x1b0: {  	[tilespmem:s18+$0x4F00] =	vst v5;
	v6 =	vperm.xlane v5, v2;
	v7 =	vperm.xlane v5, v3  }
0x1b1: {  	v8 =	vld [tilespmem:s16+$0xFFFFFFF0]  }
0x1b2: {  	v9 =	vld [tilespmem:s16+$0xFFFFFFA0]  }
0x1b3: {  	v10 =	vld [tilespmem:s16+$0xFFFFFF90]  }
0x1b4: {  	v12 =	vperm.xlane v5, v4;
	v11 =	vld [tilespmem:s16+$0xFFFFFFD0]  }
0x1b5: {  	v13 =	vld [tilespmem:s16+$0xFFFFFFE0]  }
0x1b6: {  	v5 =	vperm.xlane v5, v1;
	v14 =	vld [tilespmem:s16+$0xFFFFFFC0];
	v8 =	vmul.f32 v8, v12  }
0x1b7: {  	v15 =	vld [tilespmem:s16+$0xFFFFFF80];
	v9 =	vmul.f32 v9, v6  }
0x1b8: {  	v10 =	vmul.f32 v10, v5;
	v16 =	vld [tilespmem:s16+$0xFFFFFFB0];
	[tilespmem:s16+$0xFFFFFFF0] =	vst v8  }
0x1b9: {  	[tilespmem:s16+$0xFFFFFFA0] =	vst v9;
	v8 =	vmul.f32 v11, v7  }
0x1ba: {  	[tilespmem:s16+$0xFFFFFF90] =	vst v10;
	v9 =	vmul.f32 v13, v12  }
0x1bb: {  	v7 =	vmul.f32 v14, v7;
	[tilespmem:s16+$0xFFFFFFD0] =	vst v8  }
0x1bc: {  	v5 =	vmul.f32 v15, v5;
	[tilespmem:s16+$0xFFFFFFE0] =	vst v9  }
0x1bd: {  	v6 =	vmul.f32 v16, v6;
	[tilespmem:s16+$0xFFFFFFC0] =	vst v7  }
0x1be: {  	[tilespmem:s16+$0xFFFFFF80] =	vst v5  }
0x1bf: {  	[tilespmem:s16+$0xFFFFFFB0] =	vst v6  }
0x1c0: {  	v5 =	vld [tilespmem:s18+$0x4310]  }
0x1c1: {  	v6 =	vld [tilespmem:s18+$0x4B10];
	_ =	sdelay $0x4  }
0x1c2: {  	v5 =	vadd.f32 v6, v5;
	_ =	sdelay $0x1  }
0x1c3: {  	v6 =	vmul.f32 $2.000000030e-01, v5  }
0x1c4: {  	vm0 =	vge.f32 v5, $0.0e+00  }
0x1c5: {  	v5 =	vsel vm0, v5, v6  }
0x1c6: {  	v5 =	vmul.f32 $1.442695020e+00, v5;
	_ =	sdelay $0x1  }
0x1c7: {  	(erf) = vpow2.f32 v5  }
.Ltmp2:
0x1c8: {  	(pc) =	sbr.rel @p0 .LBB2_7-.Ltmp2, $2  }
0x1c9: {  	_ =	sdelay $0x2  }
0x1ca: {  	v5 =	vld [tilespmem:s18+$0x9310]  }
0x1cb: {  	_ =	sdelay $0x2  }
0x1cc: {  	v6 =	vpop (erf)  }
0x1cd: {  	v5 =	vmul.f32 v6, v5;
	_ =	sdelay $0x1  }
0x1ce: {  	[tilespmem:s18+$0x4F10] =	vst v5  }
0x1cf: {  	v6 =	vld [tilespmem:s17+$0x40]  }
0x1d0: {  	v7 =	vld [tilespmem:s17+$0x0]  }
0x1d1: {  	v8 =	vld [tilespmem:s17+$0x10]  }
0x1d2: {  	v10 =	vperm.xlane v5, v3;
	v9 =	vld [tilespmem:s17+$0x20]  }
0x1d3: {  	v12 =	vperm.xlane v5, v1;
	v11 =	vld [tilespmem:s17+$0x30]  }
0x1d4: {  	v13 =	vld [tilespmem:s17+$0x50];
	v6 =	vmul.f32 v6, v10  }
0x1d5: {  	v15 =	vperm.xlane v5, v2;
	v14 =	vld [tilespmem:s17+$0x60];
	v7 =	vmul.f32 v7, v12  }
0x1d6: {  	v63 =	vld [tilespmem:s17+$0x70];
	[tilespmem:s17+$0x40] =	vst v6;
	v6 =	vmul.f32 v8, v12  }
0x1d7: {  	[tilespmem:s17+$0x0] =	vst v7;
	v7 =	vmul.f32 v9, v15  }
0x1d8: {  	v5 =	vperm.xlane v5, v4;
	[tilespmem:s17+$0x10] =	vst v6;
	v6 =	vmul.f32 v11, v15  }
0x1d9: {  	[tilespmem:s17+$0x20] =	vst v7;
	v7 =	vmul.f32 v13, v10  }
0x1da: {  	[tilespmem:s17+$0x30] =	vst v6;
	v6 =	vmul.f32 v14, v5  }
0x1db: {  	[tilespmem:s17+$0x50] =	vst v7;
	v5 =	vmul.f32 v63, v5  }
0x1dc: {  	[tilespmem:s17+$0x60] =	vst v6  }
0x1dd: {  	s1 =	sand.u32 $0x3FFFFFC0, s15;
	[tilespmem:s17+$0x70] =	vst v5  }
0x1de: {  	[spmem:s12] =	stream.indirect.scatter.add.f32 [tilespmem:s21], [sflag:$0x5], $0x10, s1, s30, $0xb8;
	[tilespmem:$0x1FF00] =	vst v63  }
0x1df: {  	s14 =	sadd.s32 $0x1, s14;
	_ =	swait.ge [sflag:s23], $0x400  }
0x1e0: {  	p0 =	sne.s32 s14, $0x2A;
	[sflag:s23] =	ssyncset.done $0x0  }
.Ltmp3:
0x1e1: {  	[sflag:s23] =	ssyncadd.s32 $0xFFFFFC00;
	(pc) =	sbr.rel @p0 .LBB2_4-.Ltmp3, $4  }
0x1e2: {  	[spmem:s10] =	stream.indirect.scatter.add.f32 [tilespmem:s3], [sflag:$0x5], $0x80, s1, s30, $0xb8;
	[tilespmem:$0x1FF00] =	vst v63  }
0x1e3: {  	_ =	swait.ge [sflag:s23], $0x2000  }
0x1e4: {  	[sflag:s23] =	ssyncset.done $0x0  }
0x1e5: {  	[sflag:s23] =	ssyncadd.s32 $0xFFFFE000  }
0x1e6: {  	_ =	swait.ge [sflag:s5], $0x400  }
0x1e7: {  	[sflag:s5] =	ssyncset.done $0x0  }
0x1e8: {  	[sflag:s5] =	ssyncadd.s32 $0xFFFFFC00  }
0x1e9: {  	_ =	swait.ge [sflag:s5], $0x400  }
0x1ea: {  	[sflag:s5] =	ssyncset.done $0x0  }
0x1eb: {  	[sflag:s5] =	ssyncadd.s32 $0xFFFFFC00  }
0x1ec: {  	_ =	swait.ge [sflag:s6], $0x2000  }
0x1ed: {  	[sflag:s6] =	ssyncset.done $0x0  }
0x1ee: {  	[sflag:s6] =	ssyncadd.s32 $0xFFFFE000  }
0x1ef: {  	[bflag:$0x0] =	sbarrier.arrive $0xFFFF  }
0x1f0: {  	s1 =	rddreg [dreg:$0x19]  }
0x1f1: {  	[tilespmem:s22], [sflag:$0x5] =	stream.linear.gather [spmem:s1], $0x2000, $0x38;
	[tilespmem:$0x1FF00] =	vst v63  }
0x1f2: {  	_ =	swait.ge [sflag:s23], $0x2000  }
0x1f3: {  	[sflag:s23] =	ssyncset.done $0x0  }
0x1f4: {  	s1 =	simm.s32 $0x0;
	s9 =	rddreg [dreg:$0x5];
	[sflag:s23] =	ssyncadd.s32 $0xFFFFE000  }
0x1f5: {  	[hbm4b:s9+s1] =	stream.linear.scatter [tilespmem:s22], [sflag:$0x5], $0x2000, $0x38;
	[tilespmem:$0x1FF00] =	vst v63  }
0x1f6: {  	_ =	swait.ge [sflag:s23], $0x2000  }
0x1f7: {  	[sflag:s23] =	ssyncset.done $0x0  }
0x1f8: {  	s14 =	rddreg [dreg:$0x1a];
	[sflag:s23] =	ssyncadd.s32 $0xFFFFE000  }
0x1f9: {  	[tilespmem:s21], [sflag:$0x5] =	stream.linear.gather [spmem:s14], $0x400, $0x38;
	[tilespmem:$0x1FF00] =	vst v63  }
0x1fa: {  	_ =	swait.ge [sflag:s23], $0x400  }
0x1fb: {  	[sflag:s23] =	ssyncset.done $0x0  }
0x1fc: {  	s15 =	rddreg [dreg:$0xf];
	[sflag:s23] =	ssyncadd.s32 $0xFFFFFC00  }
0x1fd: {  	[hbm4b:s15+s1] =	stream.linear.scatter [tilespmem:s21], [sflag:$0x5], $0x400, $0x38;
	[tilespmem:$0x1FF00] =	vst v63  }
0x1fe: {  	_ =	swait.ge [sflag:s23], $0x400  }
0x1ff: {  	[sflag:s23] =	ssyncset.done $0x0  }
0x200: {  	s16 =	rddreg [dreg:$0x1b];
	[sflag:s23] =	ssyncadd.s32 $0xFFFFFC00  }
0x201: {  	[tilespmem:s22], [sflag:$0x5] =	stream.linear.gather [spmem:s16], $0x2000, $0x38;
	[tilespmem:$0x1FF00] =	vst v63  }
0x202: {  	_ =	swait.ge [sflag:s23], $0x2000  }
0x203: {  	[sflag:s23] =	ssyncset.done $0x0  }
0x204: {  	s17 =	rddreg [dreg:$0x6];
	[sflag:s23] =	ssyncadd.s32 $0xFFFFE000  }
0x205: {  	[hbm4b:s17+s1] =	stream.linear.scatter [tilespmem:s22], [sflag:$0x5], $0x2000, $0x38;
	[tilespmem:$0x1FF00] =	vst v63  }
0x206: {  	_ =	swait.ge [sflag:s23], $0x2000  }
0x207: {  	[sflag:s23] =	ssyncset.done $0x0  }
0x208: {  	s17 =	rddreg [dreg:$0x1c];
	[sflag:s23] =	ssyncadd.s32 $0xFFFFE000  }
0x209: {  	[tilespmem:s21], [sflag:$0x5] =	stream.linear.gather [spmem:s17], $0x400, $0x38;
	[tilespmem:$0x1FF00] =	vst v63  }
0x20a: {  	_ =	swait.ge [sflag:s23], $0x400  }
0x20b: {  	[sflag:s23] =	ssyncset.done $0x0  }
0x20c: {  	s18 =	rddreg [dreg:$0x10];
	[sflag:s23] =	ssyncadd.s32 $0xFFFFFC00  }
0x20d: {  	[hbm4b:s18+s1] =	stream.linear.scatter [tilespmem:s21], [sflag:$0x5], $0x400, $0x38;
	[tilespmem:$0x1FF00] =	vst v63  }
0x20e: {  	_ =	swait.ge [sflag:s23], $0x400  }
0x20f: {  	[sflag:s23] =	ssyncset.done $0x0  }
0x210: {  	s19 =	rddreg [dreg:$0x1d];
	[sflag:s23] =	ssyncadd.s32 $0xFFFFFC00  }
0x211: {  	[tilespmem:s22], [sflag:$0x5] =	stream.linear.gather [spmem:s19], $0x2000, $0x38;
	[tilespmem:$0x1FF00] =	vst v63  }
0x212: {  	_ =	swait.ge [sflag:s23], $0x2000  }
0x213: {  	[sflag:s23] =	ssyncset.done $0x0  }
0x214: {  	s20 =	rddreg [dreg:$0x7];
	[sflag:s23] =	ssyncadd.s32 $0xFFFFE000  }
0x215: {  	[hbm4b:s20+s1] =	stream.linear.scatter [tilespmem:s22], [sflag:$0x5], $0x2000, $0x38;
	[tilespmem:$0x1FF00] =	vst v63  }
0x216: {  	_ =	swait.ge [sflag:s23], $0x2000  }
0x217: {  	[sflag:s23] =	ssyncset.done $0x0  }
0x218: {  	s18 =	rddreg [dreg:$0x1e];
	[sflag:s23] =	ssyncadd.s32 $0xFFFFE000  }
0x219: {  	[tilespmem:s21], [sflag:$0x5] =	stream.linear.gather [spmem:s18], $0x400, $0x38;
	[tilespmem:$0x1FF00] =	vst v63  }
0x21a: {  	_ =	swait.ge [sflag:s23], $0x400  }
0x21b: {  	[sflag:s23] =	ssyncset.done $0x0  }
0x21c: {  	s13 =	rddreg [dreg:$0x11];
	[sflag:s23] =	ssyncadd.s32 $0xFFFFFC00  }
0x21d: {  	[hbm4b:s13+s1] =	stream.linear.scatter [tilespmem:s21], [sflag:$0x5], $0x400, $0x38;
	[tilespmem:$0x1FF00] =	vst v63  }
0x21e: {  	_ =	swait.ge [sflag:s23], $0x400  }
0x21f: {  	[sflag:s23] =	ssyncset.done $0x0  }
0x220: {  	s14 =	rddreg [dreg:$0x1f];
	[sflag:s23] =	ssyncadd.s32 $0xFFFFFC00  }
0x221: {  	[tilespmem:s22], [sflag:$0x5] =	stream.linear.gather [spmem:s14], $0x2000, $0x38;
	[tilespmem:$0x1FF00] =	vst v63  }
0x222: {  	_ =	swait.ge [sflag:s23], $0x2000  }
0x223: {  	[sflag:s23] =	ssyncset.done $0x0  }
0x224: {  	s15 =	rddreg [dreg:$0x8];
	[sflag:s23] =	ssyncadd.s32 $0xFFFFE000  }
0x225: {  	[hbm4b:s15+s1] =	stream.linear.scatter [tilespmem:s22], [sflag:$0x5], $0x2000, $0x38;
	[tilespmem:$0x1FF00] =	vst v63  }
0x226: {  	_ =	swait.ge [sflag:s23], $0x2000  }
0x227: {  	s19 =	sld [smem:$0x7FC]  }
0x228: {  	[sflag:s23] =	ssyncset.done $0x0  }
0x229: {  	[sflag:s23] =	ssyncadd.s32 $0xFFFFE000  }
0x22a: {  	[tilespmem:s21], [sflag:$0x5] =	stream.linear.gather [spmem:s19], $0x400, $0x38;
	[tilespmem:$0x1FF00] =	vst v63  }
0x22b: {  	_ =	swait.ge [sflag:s23], $0x400  }
0x22c: {  	[sflag:s23] =	ssyncset.done $0x0  }
0x22d: {  	s16 =	rddreg [dreg:$0x12];
	[sflag:s23] =	ssyncadd.s32 $0xFFFFFC00  }
0x22e: {  	[hbm4b:s16+s1] =	stream.linear.scatter [tilespmem:s21], [sflag:$0x5], $0x400, $0x38;
	[tilespmem:$0x1FF00] =	vst v63  }
0x22f: {  	_ =	swait.ge [sflag:s23], $0x400  }
0x230: {  	s20 =	sld [smem:$0x7ED]  }
0x231: {  	[sflag:s23] =	ssyncset.done $0x0  }
0x232: {  	[sflag:s23] =	ssyncadd.s32 $0xFFFFFC00  }
0x233: {  	[tilespmem:s22], [sflag:$0x5] =	stream.linear.gather [spmem:s20], $0x2000, $0x38;
	[tilespmem:$0x1FF00] =	vst v63  }
0x234: {  	_ =	swait.ge [sflag:s23], $0x2000  }
0x235: {  	[sflag:s23] =	ssyncset.done $0x0  }
0x236: {  	s13 =	rddreg [dreg:$0x9];
	[sflag:s23] =	ssyncadd.s32 $0xFFFFE000  }
0x237: {  	[hbm4b:s13+s1] =	stream.linear.scatter [tilespmem:s22], [sflag:$0x5], $0x2000, $0x38;
	[tilespmem:$0x1FF00] =	vst v63  }
0x238: {  	_ =	swait.ge [sflag:s23], $0x2000  }
0x239: {  	s20 =	sld [smem:$0x7FD]  }
0x23a: {  	[sflag:s23] =	ssyncset.done $0x0  }
0x23b: {  	[sflag:s23] =	ssyncadd.s32 $0xFFFFE000  }
0x23c: {  	[tilespmem:s21], [sflag:$0x5] =	stream.linear.gather [spmem:s20], $0x400, $0x38;
	[tilespmem:$0x1FF00] =	vst v63  }
0x23d: {  	_ =	swait.ge [sflag:s23], $0x400  }
0x23e: {  	[sflag:s23] =	ssyncset.done $0x0  }
0x23f: {  	s14 =	rddreg [dreg:$0x13];
	[sflag:s23] =	ssyncadd.s32 $0xFFFFFC00  }
0x240: {  	[hbm4b:s14+s1] =	stream.linear.scatter [tilespmem:s21], [sflag:$0x5], $0x400, $0x38;
	[tilespmem:$0x1FF00] =	vst v63  }
0x241: {  	_ =	swait.ge [sflag:s23], $0x400  }
0x242: {  	s15 =	sld [smem:$0x7EE]  }
0x243: {  	[sflag:s23] =	ssyncset.done $0x0  }
0x244: {  	[sflag:s23] =	ssyncadd.s32 $0xFFFFFC00  }
0x245: {  	[tilespmem:s22], [sflag:$0x5] =	stream.linear.gather [spmem:s15], $0x2000, $0x38;
	[tilespmem:$0x1FF00] =	vst v63  }
0x246: {  	_ =	swait.ge [sflag:s23], $0x2000  }
0x247: {  	[sflag:s23] =	ssyncset.done $0x0  }
0x248: {  	s16 =	rddreg [dreg:$0xa];
	[sflag:s23] =	ssyncadd.s32 $0xFFFFE000  }
0x249: {  	[hbm4b:s16+s1] =	stream.linear.scatter [tilespmem:s22], [sflag:$0x5], $0x2000, $0x38;
	[tilespmem:$0x1FF00] =	vst v63  }
0x24a: {  	_ =	swait.ge [sflag:s23], $0x2000  }
0x24b: {  	s13 =	sld [smem:$0x7EF]  }
0x24c: {  	[sflag:s23] =	ssyncset.done $0x0  }
0x24d: {  	[sflag:s23] =	ssyncadd.s32 $0xFFFFE000  }
0x24e: {  	[tilespmem:s21], [sflag:$0x5] =	stream.linear.gather [spmem:s13], $0x400, $0x38;
	[tilespmem:$0x1FF00] =	vst v63  }
0x24f: {  	_ =	swait.ge [sflag:s23], $0x400  }
0x250: {  	[sflag:s23] =	ssyncset.done $0x0  }
0x251: {  	s14 =	rddreg [dreg:$0x14];
	[sflag:s23] =	ssyncadd.s32 $0xFFFFFC00  }
0x252: {  	[hbm4b:s14+s1] =	stream.linear.scatter [tilespmem:s21], [sflag:$0x5], $0x400, $0x38;
	[tilespmem:$0x1FF00] =	vst v63  }
0x253: {  	_ =	swait.ge [sflag:s23], $0x400  }
0x254: {  	s15 =	sld [smem:$0x7F0]  }
0x255: {  	[sflag:s23] =	ssyncset.done $0x0  }
0x256: {  	[sflag:s23] =	ssyncadd.s32 $0xFFFFFC00  }
0x257: {  	[tilespmem:s22], [sflag:$0x5] =	stream.linear.gather [spmem:s15], $0x2000, $0x38;
	[tilespmem:$0x1FF00] =	vst v63  }
0x258: {  	_ =	swait.ge [sflag:s23], $0x2000  }
0x259: {  	[sflag:s23] =	ssyncset.done $0x0  }
0x25a: {  	s16 =	rddreg [dreg:$0xb];
	[sflag:s23] =	ssyncadd.s32 $0xFFFFE000  }
0x25b: {  	[hbm4b:s16+s1] =	stream.linear.scatter [tilespmem:s22], [sflag:$0x5], $0x2000, $0x38;
	[tilespmem:$0x1FF00] =	vst v63  }
0x25c: {  	_ =	swait.ge [sflag:s23], $0x2000  }
0x25d: {  	s13 =	sld [smem:$0x7F1]  }
0x25e: {  	[sflag:s23] =	ssyncset.done $0x0  }
0x25f: {  	[sflag:s23] =	ssyncadd.s32 $0xFFFFE000  }
0x260: {  	[tilespmem:s21], [sflag:$0x5] =	stream.linear.gather [spmem:s13], $0x400, $0x38;
	[tilespmem:$0x1FF00] =	vst v63  }
0x261: {  	_ =	swait.ge [sflag:s23], $0x400  }
0x262: {  	[sflag:s23] =	ssyncset.done $0x0  }
0x263: {  	s14 =	rddreg [dreg:$0x15];
	[sflag:s23] =	ssyncadd.s32 $0xFFFFFC00  }
0x264: {  	[hbm4b:s14+s1] =	stream.linear.scatter [tilespmem:s21], [sflag:$0x5], $0x400, $0x38;
	[tilespmem:$0x1FF00] =	vst v63  }
0x265: {  	_ =	swait.ge [sflag:s23], $0x400  }
0x266: {  	s15 =	sld [smem:$0x7F2]  }
0x267: {  	[sflag:s23] =	ssyncset.done $0x0  }
0x268: {  	[sflag:s23] =	ssyncadd.s32 $0xFFFFFC00  }
0x269: {  	[tilespmem:s22], [sflag:$0x5] =	stream.linear.gather [spmem:s15], $0x2000, $0x38;
	[tilespmem:$0x1FF00] =	vst v63  }
0x26a: {  	_ =	swait.ge [sflag:s23], $0x2000  }
0x26b: {  	[sflag:s23] =	ssyncset.done $0x0  }
0x26c: {  	s16 =	rddreg [dreg:$0xc];
	[sflag:s23] =	ssyncadd.s32 $0xFFFFE000  }
0x26d: {  	[hbm4b:s16+s1] =	stream.linear.scatter [tilespmem:s22], [sflag:$0x5], $0x2000, $0x38;
	[tilespmem:$0x1FF00] =	vst v63  }
0x26e: {  	_ =	swait.ge [sflag:s23], $0x2000  }
0x26f: {  	s13 =	sld [smem:$0x7F3]  }
0x270: {  	[sflag:s23] =	ssyncset.done $0x0  }
0x271: {  	[sflag:s23] =	ssyncadd.s32 $0xFFFFE000  }
0x272: {  	[tilespmem:s21], [sflag:$0x5] =	stream.linear.gather [spmem:s13], $0x400, $0x38;
	[tilespmem:$0x1FF00] =	vst v63  }
0x273: {  	_ =	swait.ge [sflag:s23], $0x400  }
0x274: {  	[sflag:s23] =	ssyncset.done $0x0  }
0x275: {  	s14 =	rddreg [dreg:$0x16];
	[sflag:s23] =	ssyncadd.s32 $0xFFFFFC00  }
0x276: {  	[hbm4b:s14+s1] =	stream.linear.scatter [tilespmem:s21], [sflag:$0x5], $0x400, $0x38;
	[tilespmem:$0x1FF00] =	vst v63  }
0x277: {  	_ =	swait.ge [sflag:s23], $0x400  }
0x278: {  	s15 =	sld [smem:$0x7F4]  }
0x279: {  	[sflag:s23] =	ssyncset.done $0x0  }
0x27a: {  	[sflag:s23] =	ssyncadd.s32 $0xFFFFFC00  }
0x27b: {  	[tilespmem:s22], [sflag:$0x5] =	stream.linear.gather [spmem:s15], $0x2000, $0x38;
	[tilespmem:$0x1FF00] =	vst v63  }
0x27c: {  	_ =	swait.ge [sflag:s23], $0x2000  }
0x27d: {  	[sflag:s23] =	ssyncset.done $0x0  }
0x27e: {  	s16 =	rddreg [dreg:$0xd];
	[sflag:s23] =	ssyncadd.s32 $0xFFFFE000  }
0x27f: {  	[hbm4b:s16+s1] =	stream.linear.scatter [tilespmem:s22], [sflag:$0x5], $0x2000, $0x38;
	[tilespmem:$0x1FF00] =	vst v63  }
0x280: {  	_ =	swait.ge [sflag:s23], $0x2000  }
0x281: {  	s13 =	sld [smem:$0x7F5]  }
0x282: {  	[sflag:s23] =	ssyncset.done $0x0  }
0x283: {  	[sflag:s23] =	ssyncadd.s32 $0xFFFFE000  }
0x284: {  	[tilespmem:s21], [sflag:$0x5] =	stream.linear.gather [spmem:s13], $0x400, $0x38;
	[tilespmem:$0x1FF00] =	vst v63  }
0x285: {  	_ =	swait.ge [sflag:s23], $0x400  }
0x286: {  	[sflag:s23] =	ssyncset.done $0x0  }
0x287: {  	s14 =	rddreg [dreg:$0x17];
	[sflag:s23] =	ssyncadd.s32 $0xFFFFFC00  }
0x288: {  	[hbm4b:s14+s1] =	stream.linear.scatter [tilespmem:s21], [sflag:$0x5], $0x400, $0x38;
	[tilespmem:$0x1FF00] =	vst v63  }
0x289: {  	_ =	swait.ge [sflag:s23], $0x400  }
0x28a: {  	s15 =	sld [smem:$0x7F6]  }
0x28b: {  	[sflag:s23] =	ssyncset.done $0x0  }
0x28c: {  	[sflag:s23] =	ssyncadd.s32 $0xFFFFFC00  }
0x28d: {  	[tilespmem:s22], [sflag:$0x5] =	stream.linear.gather [spmem:s15], $0x2000, $0x38;
	[tilespmem:$0x1FF00] =	vst v63  }
0x28e: {  	_ =	swait.ge [sflag:s23], $0x2000  }
0x28f: {  	[sflag:s23] =	ssyncset.done $0x0  }
0x290: {  	s16 =	rddreg [dreg:$0xe];
	[sflag:s23] =	ssyncadd.s32 $0xFFFFE000  }
0x291: {  	[hbm4b:s16+s1] =	stream.linear.scatter [tilespmem:s22], [sflag:$0x5], $0x2000, $0x38;
	[tilespmem:$0x1FF00] =	vst v63  }
0x292: {  	_ =	swait.ge [sflag:s23], $0x2000  }
0x293: {  	s13 =	sld [smem:$0x7F7]  }
0x294: {  	[sflag:s23] =	ssyncset.done $0x0  }
0x295: {  	[sflag:s23] =	ssyncadd.s32 $0xFFFFE000  }
0x296: {  	[tilespmem:s21], [sflag:$0x5] =	stream.linear.gather [spmem:s13], $0x400, $0x38;
	[tilespmem:$0x1FF00] =	vst v63  }
0x297: {  	_ =	swait.ge [sflag:s23], $0x400  }
0x298: {  	[sflag:s23] =	ssyncset.done $0x0  }
0x299: {  	s14 =	rddreg [dreg:$0x18];
	[sflag:s23] =	ssyncadd.s32 $0xFFFFFC00  }
0x29a: {  	[hbm4b:s14+s1] =	stream.linear.scatter [tilespmem:s21], [sflag:$0x5], $0x400, $0x38;
	[tilespmem:$0x1FF00] =	vst v63  }
0x29b: {  	_ =	swait.ge [sflag:s23], $0x400  }
0x29c: {  	s15 =	sld [smem:$0x7EC]  }
0x29d: {  	s16 =	sld [smem:$0x7FB];
	_ =	sdelay $0x1  }
0x29e: {  	s9 =	sadd.s32 $0x1, s15  }
0x29f: {  	p0 =	sne.s32 s9, s16  }
.Ltmp4:
0x2a0: {  	_ = 	snop;
	(pc) =	sbr.rel @p0 .LBB2_1-.Ltmp4, $3  }
0x2a1: {  	_ =	sdelay $0x1  }
0x2a2: {  	[sflag:s23] =	ssyncset.done $0x0  }
0x2a3: {  	[sflag:s23] =	ssyncadd.s32 $0xFFFFFC00  }
0x2a4: {  	_ =	sfence.sel $0x180000  }
0x2a5: {  	[bflag:$0x0] =	sbarrier.arrive $0xFFFF  }
0x2a6: {  	_ =	strace $0x90000047  }
0x2a7: {  	s0 =	stileid.u32;
	[bflag:$0x2] =	sbarrier.arrive $0xFFFF  }
0x2a8: {  	p0 =	sne.s32 s0, $0x0;
	s0 =	rddreg [dreg:$0x4]  }
0x2a9: {  	s0 =	sadd.s32 @!p0 $0x100000, s0  }
0x2aa: {  	[sflag:s0] =	ssyncadd.tile.s32 @!p0 $0x1;
	_ =	shalt  }
.Lfunc_end2:
_tile_overlayer_lowered:
.L_overlay_start_2:
0x2ab: {  	(tag) =	ssettag $0x2  }
0x2ac: {  	s0 =	rddreg [dreg:$0x0];
	s2 =	stileid.u32  }
0x2ad: {  	s1 =	rddreg [dreg:$0x1];
	p0 =	sne.s32 s2, $0x0  }
0x2ae: {  	s3 =	rddreg [dreg:$0x2];
	[bflag:$0x3] =	sbarrier.arrive $0xFFFF;
	s2 =	simm.s32 @!p0 $0x1C05  }
0x2af: {  	[timem:s3], [sflag:s2] =	dma.local @!p0 [hbm:s0], s1  }
0x2b0: {  	s0 =	simm.s32 @!p0 $0x5  }
0x2b1: {  	_ =	swait.ge @!p0 [sflag:s0], s1  }
0x2b2: {  	s1 =	ssub.s32 @!p0 $0x0, s1;
	[sflag:s0] =	ssyncset.done @!p0 $0x0  }
0x2b3: {  	[sflag:s0] =	ssyncadd.s32 @!p0 s1  }
0x2b4: {  	[bflag:$0x3] =	sbarrier.arrive $0xFFFF  }
0x2b5: {  	_ =	shalt  }

</sc_bundles>
